<compile_context>
chip_gen: v7x
topology: tpu7x:2x2x1
jax: 0.10.2.dev20260603
libtpu: 0.0.44.dev20260713+nightly
codegen_flags: <defaults>
</compile_context>

<pallas_src>
import math

import jax
import jax.numpy as jnp
from jax.experimental import pallas as pl
from jax.experimental.pallas import tpu as pltpu

_B, _T, _D = 4, 4096, 2048
_H, _S, _SD, _K = 16, 512, 128, 8
_BT = 256


def _quant_kernel(s_ref, o_ref):
    v = s_ref[...]
    o_ref[...] = jnp.where(v > 0.3, 1.0, jnp.where(v < -0.3, -1.0, 0.0))


def _rma_kernel(x_ref, wq_ref, bq_ref, sig_ref, val_ref, wo_ref, bo_ref,
                lnw_ref, lnb_ref, temp_ref, out_ref, idx_ref, sc_ref):
    x = x_ref[...]
    mu = jnp.mean(x, axis=1, keepdims=True)
    xc = x - mu
    var = jnp.mean(xc * xc, axis=1, keepdims=True)
    xn = xc * jax.lax.rsqrt(var + 1e-5) * lnw_ref[...] + lnb_ref[...]
    q = jax.lax.dot_general(xn, wq_ref[...], (((1,), (1,)), ((), ())),
                            preferred_element_type=jnp.float32) + bq_ref[...]
    inv = 1.0 / (temp_ref[0, 0] * math.sqrt(_SD))
    iota = jax.lax.broadcasted_iota(jnp.int32, (_BT, _S), 1)

    rv_list, idx_list = [], []
    for h in range(_H):
        qh = q[:, h * _SD:(h + 1) * _SD]
        sh = jax.lax.dot_general(qh, sig_ref[h], (((1,), (1,)), ((), ())),
                                 preferred_element_type=jnp.float32) * inv
        sc_ref[:, h * _S:(h + 1) * _S] = sh
        cur = sh
        vals = []
        for _ in range(_K):
            m = jnp.max(cur, axis=1, keepdims=True)
            idx = jnp.min(jnp.where(cur == m, iota, _S), axis=1,
                          keepdims=True)
            vals.append(m)
            idx_list.append(idx)
            cur = jnp.where(iota == idx, -jnp.inf, cur)
        vals = jnp.concatenate(vals, axis=1)
        vmax = vals[:, 0:1]
        denom = jnp.sum(jnp.exp(vals - vmax), axis=1, keepdims=True)
        p = jnp.where(cur == -jnp.inf,
                      jnp.exp(sh - vmax) / denom, 0.0)
        rv_list.append(jax.lax.dot_general(
            p.astype(jnp.bfloat16), val_ref[h], (((1,), (0,)), ((), ())),
            preferred_element_type=jnp.float32))

    rvf = jnp.concatenate(rv_list, axis=1).astype(jnp.bfloat16)
    out = jax.lax.dot_general(rvf, wo_ref[...], (((1,), (1,)), ((), ())),
                              preferred_element_type=jnp.float32)
    out_ref[...] = out + bo_ref[...] + x
    idx_ref[...] = jnp.concatenate(idx_list, axis=1)


def kernel(x, Wq, bq, slot_signatures, slot_values, Wo, bo, ln_w, ln_b,
           temperature):
    N = _B * _T
    x2 = x.reshape(N, _D)

    sigs_q = pl.pallas_call(
        _quant_kernel,
        out_shape=jax.ShapeDtypeStruct((_H, _S, _SD), jnp.float32),
    )(slot_signatures)

    grid = (N // _BT,)
    const = lambda i: (0, 0)
    out, idx, scores = pl.pallas_call(
        _rma_kernel,
        grid=grid,
        in_specs=[
            pl.BlockSpec((_BT, _D), lambda i: (i, 0)),
            pl.BlockSpec((_H * _SD, _D), const),
            pl.BlockSpec((1, _H * _SD), const),
            pl.BlockSpec((_H, _S, _SD), lambda i: (0, 0, 0)),
            pl.BlockSpec((_H, _S, _SD), lambda i: (0, 0, 0)),
            pl.BlockSpec((_D, _H * _SD), const),
            pl.BlockSpec((1, _D), const),
            pl.BlockSpec((1, _D), const),
            pl.BlockSpec((1, _D), const),
            pl.BlockSpec((1, 1), const),
        ],
        out_specs=[
            pl.BlockSpec((_BT, _D), lambda i: (i, 0)),
            pl.BlockSpec((_BT, _H * _K), lambda i: (i, 0)),
            pl.BlockSpec((_BT, _H * _S), lambda i: (i, 0)),
        ],
        out_shape=[
            jax.ShapeDtypeStruct((N, _D), jnp.float32),
            jax.ShapeDtypeStruct((N, _H * _K), jnp.int32),
            jax.ShapeDtypeStruct((N, _H * _S), jnp.float32),
        ],
        compiler_params=pltpu.CompilerParams(
            vmem_limit_bytes=128 * 1024 * 1024),
    )(x2, Wq, bq.reshape(1, -1), sigs_q, slot_values.astype(jnp.bfloat16),
      Wo.astype(jnp.bfloat16), bo.reshape(1, -1),
      ln_w.reshape(1, -1), ln_b.reshape(1, -1), temperature.reshape(1, 1))

    return (out.reshape(_B, _T, _D),
            idx.reshape(_B, _T, _H, _K),
            scores.reshape(_B, _T, _H, _S))

# --- scband reference (transcript-rebuilt; emitter-appended) ---
"""Pipeline reference for scband-routed-memory-attention-51934744543452 (READ-ONLY COPY).

The authoritative reference and input builder live on the scoring server;
editing this copy changes nothing except your own understanding.
"""

import jax, jax.numpy as jnp
import numpy as np
import math

B, T, D = 4, 4096, 2048
H, S, SD, K = 16, 512, 128, 8


def _quantize_ternary(x):
    q = jnp.where(x > 0.3, 1.0, jnp.where(x < -0.3, -1.0, 0.0)).astype(x.dtype)
    return x + jax.lax.stop_gradient(q - x)


def setup_inputs(seed: int = 0) -> dict:
    key = jax.random.key(seed)
    ks = jax.random.split(key, 8)
    x = jax.random.normal(ks[0], (B, T, D), dtype=jnp.float32)
    Wq = jax.random.normal(ks[1], (H * SD, D), dtype=jnp.float32) * (1.0 / math.sqrt(D))
    bq = jnp.zeros((H * SD,), dtype=jnp.float32)
    slot_signatures = jax.random.normal(ks[2], (H, S, SD), dtype=jnp.float32) * 0.5
    slot_values = jax.random.normal(ks[3], (H, S, SD), dtype=jnp.float32) * 0.02
    Wo = jax.random.normal(ks[4], (D, H * SD), dtype=jnp.float32) * (1.0 / math.sqrt(H * SD))
    bo = jnp.zeros((D,), dtype=jnp.float32)
    ln_w = jnp.ones((D,), dtype=jnp.float32)
    ln_b = jnp.zeros((D,), dtype=jnp.float32)
    temperature = jnp.ones((1,), dtype=jnp.float32)
    return {"x": x, "Wq": Wq, "bq": bq, "slot_signatures": slot_signatures,
            "slot_values": slot_values, "Wo": Wo, "bo": bo,
            "ln_w": ln_w, "ln_b": ln_b, "temperature": temperature}


def reference(x, Wq, bq, slot_signatures, slot_values, Wo, bo, ln_w, ln_b, temperature):
    # LayerNorm (biased variance, eps=1e-5) as in torch nn.LayerNorm
    mu = jnp.mean(x, axis=-1, keepdims=True)
    var = jnp.var(x, axis=-1, keepdims=True)
    x_norm = (x - mu) / jnp.sqrt(var + 1e-5) * ln_w + ln_b
    # q projection
    q = (x_norm @ Wq.T + bq).reshape(B, T, H, SD)
    # ternary signatures (straight-through)
    sigs = _quantize_ternary(slot_signatures)
    # routing scores [B, T, H, S]
    scores = jnp.einsum('bthd,hsd->bths', q, sigs)
    scores = scores / (temperature[0] * math.sqrt(SD))
    # top-k routing (top_k > 1 path)
    topk_scores, slot_idx = jax.lax.top_k(scores, K)  # [B,T,H,K]
    weights = jax.nn.softmax(topk_scores, axis=-1)
    # gather selected slot values: [B,T,H,K,SD]
    head_idx = jnp.arange(H)[None, None, :, None]
    selected_values = slot_values[head_idx, slot_idx]
    read_values = jnp.sum(selected_values * weights[..., None], axis=3)  # [B,T,H,SD]
    read_values = read_values.reshape(B, T, H * SD)
    out = read_values @ Wo.T + bo
    # dropout is identity in eval mode
    output = x + out
    return output, slot_idx, scores

if __name__ == "__main__":
    import jax
    _d = setup_inputs()
    print(jax.jit(kernel)(*tuple(_d.values())))

</pallas_src>

<mosaic_0001>
module attributes {stable_mosaic.version = 14 : i64} {
  func.func @_rma_kernel(%arg0: i32, %arg1: memref<256x2048xf32, #tpu.memory_space<vmem>>, %arg2: memref<2048x2048xf32, #tpu.memory_space<vmem>>, %arg3: memref<1x2048xf32, #tpu.memory_space<vmem>>, %arg4: memref<16x512x128xf32, #tpu.memory_space<vmem>>, %arg5: memref<16x512x128xbf16, #tpu.memory_space<vmem>>, %arg6: memref<2048x2048xbf16, #tpu.memory_space<vmem>>, %arg7: memref<1x2048xf32, #tpu.memory_space<vmem>>, %arg8: memref<1x2048xf32, #tpu.memory_space<vmem>>, %arg9: memref<1x2048xf32, #tpu.memory_space<vmem>>, %arg10: memref<1x1xf32, #tpu.memory_space<vmem>>, %arg11: memref<256x2048xf32, #tpu.memory_space<vmem>>, %arg12: memref<256x128xi32, #tpu.memory_space<vmem>>, %arg13: memref<256x8192xf32, #tpu.memory_space<vmem>>) attributes {dimension_semantics = [#tpu.dimension_semantics<arbitrary>], iteration_bounds = array<i64: 64>, scalar_prefetch = 0 : i64, scratch_operands = 0 : i64, tpu.core_type = #tpu.core_type<tc>, window_params = [{transform_indices = @transform_0, window_bounds = array<i64: 256, 2048>}, {pipeline_mode = #tpu.pipeline_mode<synchronous>, transform_indices = @transform_1, window_bounds = array<i64: 2048, 2048>}, {pipeline_mode = #tpu.pipeline_mode<synchronous>, transform_indices = @transform_2, window_bounds = array<i64: 1, 2048>}, {pipeline_mode = #tpu.pipeline_mode<synchronous>, transform_indices = @transform_3, window_bounds = array<i64: 16, 512, 128>}, {pipeline_mode = #tpu.pipeline_mode<synchronous>, transform_indices = @transform_4, window_bounds = array<i64: 16, 512, 128>}, {pipeline_mode = #tpu.pipeline_mode<synchronous>, transform_indices = @transform_5, window_bounds = array<i64: 2048, 2048>}, {pipeline_mode = #tpu.pipeline_mode<synchronous>, transform_indices = @transform_6, window_bounds = array<i64: 1, 2048>}, {pipeline_mode = #tpu.pipeline_mode<synchronous>, transform_indices = @transform_7, window_bounds = array<i64: 1, 2048>}, {pipeline_mode = #tpu.pipeline_mode<synchronous>, transform_indices = @transform_8, window_bounds = array<i64: 1, 2048>}, {pipeline_mode = #tpu.pipeline_mode<synchronous>, transform_indices = @transform_9, window_bounds = array<i64: 1, 1>}, {transform_indices = @transform_10, window_bounds = array<i64: 256, 2048>}, {transform_indices = @transform_11, window_bounds = array<i64: 256, 128>}, {transform_indices = @transform_12, window_bounds = array<i64: 256, 8192>}]} {
    %get3A = arith.constant 0 : index
    %get3A_0 = arith.constant 0 : index
    %get3A_1 = vector.load %arg1[%get3A, %get3A_0] : memref<256x2048xf32, #tpu.memory_space<vmem>>, vector<256x2048xf32>
    %reduce_sum3A = arith.constant dense<0.000000e+00> : vector<256xf32>
    %reduce_sum3A_2 = vector.multi_reduction <add>, %get3A_1, %reduce_sum3A [1] : vector<256x2048xf32> to vector<256xf32>
    %broadcast_in_dim3A = vector.shape_cast %reduce_sum3A_2 : vector<256xf32> to vector<256x1xf32>
    %div3A = arith.constant 2.048000e+03 : f32
    %div3A_3 = vector.broadcast %div3A : f32 to vector<256x1xf32>
    %div3A_4 = arith.divf %broadcast_in_dim3A, %div3A_3 : vector<256x1xf32>
    %sub3A = vector.broadcast %div3A_4 : vector<256x1xf32> to vector<256x2048xf32>
    %sub3A_5 = arith.subf %get3A_1, %sub3A : vector<256x2048xf32>
    %mul3A = arith.mulf %sub3A_5, %sub3A_5 : vector<256x2048xf32>
    %reduce_sum3A_6 = arith.constant dense<0.000000e+00> : vector<256xf32>
    %reduce_sum3A_7 = vector.multi_reduction <add>, %mul3A, %reduce_sum3A_6 [1] : vector<256x2048xf32> to vector<256xf32>
    %broadcast_in_dim3A_8 = vector.shape_cast %reduce_sum3A_7 : vector<256xf32> to vector<256x1xf32>
    %div3A_9 = arith.constant 2.048000e+03 : f32
    %div3A_10 = vector.broadcast %div3A_9 : f32 to vector<256x1xf32>
    %div3A_11 = arith.divf %broadcast_in_dim3A_8, %div3A_10 : vector<256x1xf32>
    %add3A = arith.constant 9.99999974E-6 : f32
    %add3A_12 = vector.broadcast %add3A : f32 to vector<256x1xf32>
    %add3A_13 = arith.addf %div3A_11, %add3A_12 : vector<256x1xf32>
    %rsqrt3A = math.rsqrt %add3A_13 : vector<256x1xf32>
    %mul3A_14 = vector.broadcast %rsqrt3A : vector<256x1xf32> to vector<256x2048xf32>
    %mul3A_15 = arith.mulf %sub3A_5, %mul3A_14 : vector<256x2048xf32>
    %get3A_16 = arith.constant 0 : index
    %get3A_17 = arith.constant 0 : index
    %get3A_18 = vector.load %arg8[%get3A_16, %get3A_17] : memref<1x2048xf32, #tpu.memory_space<vmem>>, vector<1x2048xf32>
    %mul3A_19 = vector.broadcast %get3A_18 : vector<1x2048xf32> to vector<256x2048xf32>
    %mul3A_20 = arith.mulf %mul3A_15, %mul3A_19 : vector<256x2048xf32>
    %get3A_21 = arith.constant 0 : index
    %get3A_22 = arith.constant 0 : index
    %get3A_23 = vector.load %arg9[%get3A_21, %get3A_22] : memref<1x2048xf32, #tpu.memory_space<vmem>>, vector<1x2048xf32>
    %add3A_24 = vector.broadcast %get3A_23 : vector<1x2048xf32> to vector<256x2048xf32>
    %add3A_25 = arith.addf %mul3A_20, %add3A_24 : vector<256x2048xf32>
    %get3A_26 = arith.constant 0 : index
    %get3A_27 = arith.constant 0 : index
    %get3A_28 = vector.load %arg2[%get3A_26, %get3A_27] : memref<2048x2048xf32, #tpu.memory_space<vmem>>, vector<2048x2048xf32>
    %dot_general3A = arith.constant dense<0.000000e+00> : vector<256x2048xf32>
    %dot_general3A_29 = tpu.matmul %add3A_25, %get3A_28, %dot_general3A {dimension_numbers = #tpu.dot_dimension_numbers<[1], [1], [0], [0], [0, 0, 1, 0], [], []>, transpose_lhs_hint = false} : vector<256x2048xf32>, vector<2048x2048xf32>, vector<256x2048xf32> -> vector<256x2048xf32>
    %get3A_30 = arith.constant 0 : index
    %get3A_31 = arith.constant 0 : index
    %get3A_32 = vector.load %arg3[%get3A_30, %get3A_31] : memref<1x2048xf32, #tpu.memory_space<vmem>>, vector<1x2048xf32>
    %add3A_33 = vector.broadcast %get3A_32 : vector<1x2048xf32> to vector<256x2048xf32>
    %add3A_34 = arith.addf %dot_general3A_29, %add3A_33 : vector<256x2048xf32>
    %get3A_35 = arith.constant 0 : index
    %get3A_36 = arith.constant 0 : index
    %get3A_37 = vector.load %arg10[%get3A_35, %get3A_36] : memref<1x1xf32, #tpu.memory_space<vmem>>, vector<1x1xf32>
    %get3A_38 = vector.extract %get3A_37[0, 0] : f32 from vector<1x1xf32>
    %mul3A_39 = arith.constant 11.3137083 : f32
    %mul3A_40 = arith.mulf %get3A_38, %mul3A_39 : f32
    %div3A_41 = arith.constant 1.000000e+00 : f32
    %div3A_42 = arith.divf %div3A_41, %mul3A_40 : f32
    %iota3A = tpu.iota {dimensions = array<i32: 1>} : vector<256x512xi32>
    %slice3A = vector.extract_strided_slice %add3A_34 {offsets = [0, 0], sizes = [256, 128], strides = [1, 1]} : vector<256x2048xf32> to vector<256x128xf32>
    %get3A_43 = arith.constant 0 : index
    %get3A_44 = arith.constant 0 : index
    %get3A_45 = arith.constant 0 : index
    %get3A_46 = vector.load %arg4[%get3A_43, %get3A_44, %get3A_45] : memref<16x512x128xf32, #tpu.memory_space<vmem>>, vector<1x512x128xf32>
    %get3A_47 = vector.shape_cast %get3A_46 : vector<1x512x128xf32> to vector<512x128xf32>
    %dot_general3A_48 = arith.constant dense<0.000000e+00> : vector<256x512xf32>
    %dot_general3A_49 = tpu.matmul %slice3A, %get3A_47, %dot_general3A_48 {dimension_numbers = #tpu.dot_dimension_numbers<[1], [1], [0], [0], [0, 0, 1, 0], [], []>, transpose_lhs_hint = false} : vector<256x128xf32>, vector<512x128xf32>, vector<256x512xf32> -> vector<256x512xf32>
    %mul3A_50 = vector.broadcast %div3A_42 : f32 to vector<256x512xf32>
    %mul3A_51 = arith.mulf %dot_general3A_49, %mul3A_50 : vector<256x512xf32>
    %swap3A = arith.constant 0 : index
    %swap3A_52 = arith.constant 0 : index
    %swap3A_53 = vector.load %arg13[%swap3A, %swap3A_52] : memref<256x8192xf32, #tpu.memory_space<vmem>>, vector<256x512xf32>
    tpu.vector_store %arg13[%swap3A, %swap3A_52], %mul3A_51 {strides = array<i32>} : memref<256x8192xf32, #tpu.memory_space<vmem>>, vector<256x512xf32>,
    %reduce_max3A = arith.constant dense<0xFF800000> : vector<256xf32>
    %reduce_max3A_54 = vector.multi_reduction <maximumf>, %mul3A_51, %reduce_max3A [1] : vector<256x512xf32> to vector<256xf32>
    %broadcast_in_dim3A_55 = vector.shape_cast %reduce_max3A_54 : vector<256xf32> to vector<256x1xf32>
    %eq3A = vector.broadcast %broadcast_in_dim3A_55 : vector<256x1xf32> to vector<256x512xf32>
    %eq3A_56 = arith.cmpf oeq, %mul3A_51, %eq3A : vector<256x512xf32>
    %jit3A = arith.constant 512 : i32
    %broadcast_in_dim3A_57 = vector.broadcast %jit3A : i32 to vector<256x512xi32>
    %select_n3A = arith.select %eq3A_56, %iota3A, %broadcast_in_dim3A_57 : vector<256x512xi1>, vector<256x512xi32>
    %reduce_min3A = arith.constant dense<2147483647> : vector<256xi32>
    %reduce_min3A_58 = vector.multi_reduction <minsi>, %select_n3A, %reduce_min3A [1] : vector<256x512xi32> to vector<256xi32>
    %broadcast_in_dim3A_59 = vector.shape_cast %reduce_min3A_58 : vector<256xi32> to vector<256x1xi32>
    %eq3A_60 = vector.broadcast %broadcast_in_dim3A_59 : vector<256x1xi32> to vector<256x512xi32>
    %eq3A_61 = arith.cmpi eq, %iota3A, %eq3A_60 : vector<256x512xi32>
    %jit3A_62 = arith.constant 0xFF800000 : f32
    %broadcast_in_dim3A_63 = vector.broadcast %jit3A_62 : f32 to vector<256x512xf32>
    %select_n3A_64 = arith.select %eq3A_61, %broadcast_in_dim3A_63, %mul3A_51 : vector<256x512xi1>, vector<256x512xf32>
    %reduce_max3A_65 = arith.constant dense<0xFF800000> : vector<256xf32>
    %reduce_max3A_66 = vector.multi_reduction <maximumf>, %select_n3A_64, %reduce_max3A_65 [1] : vector<256x512xf32> to vector<256xf32>
    %broadcast_in_dim3A_67 = vector.shape_cast %reduce_max3A_66 : vector<256xf32> to vector<256x1xf32>
    %eq3A_68 = vector.broadcast %broadcast_in_dim3A_67 : vector<256x1xf32> to vector<256x512xf32>
    %eq3A_69 = arith.cmpf oeq, %select_n3A_64, %eq3A_68 : vector<256x512xf32>
    %jit3A_70 = arith.constant 512 : i32
    %broadcast_in_dim3A_71 = vector.broadcast %jit3A_70 : i32 to vector<256x512xi32>
    %select_n3A_72 = arith.select %eq3A_69, %iota3A, %broadcast_in_dim3A_71 : vector<256x512xi1>, vector<256x512xi32>
    %reduce_min3A_73 = arith.constant dense<2147483647> : vector<256xi32>
    %reduce_min3A_74 = vector.multi_reduction <minsi>, %select_n3A_72, %reduce_min3A_73 [1] : vector<256x512xi32> to vector<256xi32>
    %broadcast_in_dim3A_75 = vector.shape_cast %reduce_min3A_74 : vector<256xi32> to vector<256x1xi32>
    %eq3A_76 = vector.broadcast %broadcast_in_dim3A_75 : vector<256x1xi32> to vector<256x512xi32>
    %eq3A_77 = arith.cmpi eq, %iota3A, %eq3A_76 : vector<256x512xi32>
    %jit3A_78 = arith.constant 0xFF800000 : f32
    %broadcast_in_dim3A_79 = vector.broadcast %jit3A_78 : f32 to vector<256x512xf32>
    %select_n3A_80 = arith.select %eq3A_77, %broadcast_in_dim3A_79, %select_n3A_64 : vector<256x512xi1>, vector<256x512xf32>
    %reduce_max3A_81 = arith.constant dense<0xFF800000> : vector<256xf32>
    %reduce_max3A_82 = vector.multi_reduction <maximumf>, %select_n3A_80, %reduce_max3A_81 [1] : vector<256x512xf32> to vector<256xf32>
    %broadcast_in_dim3A_83 = vector.shape_cast %reduce_max3A_82 : vector<256xf32> to vector<256x1xf32>
    %eq3A_84 = vector.broadcast %broadcast_in_dim3A_83 : vector<256x1xf32> to vector<256x512xf32>
    %eq3A_85 = arith.cmpf oeq, %select_n3A_80, %eq3A_84 : vector<256x512xf32>
    %jit3A_86 = arith.constant 512 : i32
    %broadcast_in_dim3A_87 = vector.broadcast %jit3A_86 : i32 to vector<256x512xi32>
    %select_n3A_88 = arith.select %eq3A_85, %iota3A, %broadcast_in_dim3A_87 : vector<256x512xi1>, vector<256x512xi32>
    %reduce_min3A_89 = arith.constant dense<2147483647> : vector<256xi32>
    %reduce_min3A_90 = vector.multi_reduction <minsi>, %select_n3A_88, %reduce_min3A_89 [1] : vector<256x512xi32> to vector<256xi32>
    %broadcast_in_dim3A_91 = vector.shape_cast %reduce_min3A_90 : vector<256xi32> to vector<256x1xi32>
    %eq3A_92 = vector.broadcast %broadcast_in_dim3A_91 : vector<256x1xi32> to vector<256x512xi32>
    %eq3A_93 = arith.cmpi eq, %iota3A, %eq3A_92 : vector<256x512xi32>
    %jit3A_94 = arith.constant 0xFF800000 : f32
    %broadcast_in_dim3A_95 = vector.broadcast %jit3A_94 : f32 to vector<256x512xf32>
    %select_n3A_96 = arith.select %eq3A_93, %broadcast_in_dim3A_95, %select_n3A_80 : vector<256x512xi1>, vector<256x512xf32>
    %reduce_max3A_97 = arith.constant dense<0xFF800000> : vector<256xf32>
    %reduce_max3A_98 = vector.multi_reduction <maximumf>, %select_n3A_96, %reduce_max3A_97 [1] : vector<256x512xf32> to vector<256xf32>
    %broadcast_in_dim3A_99 = vector.shape_cast %reduce_max3A_98 : vector<256xf32> to vector<256x1xf32>
    %eq3A_100 = vector.broadcast %broadcast_in_dim3A_99 : vector<256x1xf32> to vector<256x512xf32>
    %eq3A_101 = arith.cmpf oeq, %select_n3A_96, %eq3A_100 : vector<256x512xf32>
    %jit3A_102 = arith.constant 512 : i32
    %broadcast_in_dim3A_103 = vector.broadcast %jit3A_102 : i32 to vector<256x512xi32>
    %select_n3A_104 = arith.select %eq3A_101, %iota3A, %broadcast_in_dim3A_103 : vector<256x512xi1>, vector<256x512xi32>
    %reduce_min3A_105 = arith.constant dense<2147483647> : vector<256xi32>
    %reduce_min3A_106 = vector.multi_reduction <minsi>, %select_n3A_104, %reduce_min3A_105 [1] : vector<256x512xi32> to vector<256xi32>
    %broadcast_in_dim3A_107 = vector.shape_cast %reduce_min3A_106 : vector<256xi32> to vector<256x1xi32>
    %eq3A_108 = vector.broadcast %broadcast_in_dim3A_107 : vector<256x1xi32> to vector<256x512xi32>
    %eq3A_109 = arith.cmpi eq, %iota3A, %eq3A_108 : vector<256x512xi32>
    %jit3A_110 = arith.constant 0xFF800000 : f32
    %broadcast_in_dim3A_111 = vector.broadcast %jit3A_110 : f32 to vector<256x512xf32>
    %select_n3A_112 = arith.select %eq3A_109, %broadcast_in_dim3A_111, %select_n3A_96 : vector<256x512xi1>, vector<256x512xf32>
    %reduce_max3A_113 = arith.constant dense<0xFF800000> : vector<256xf32>
    %reduce_max3A_114 = vector.multi_reduction <maximumf>, %select_n3A_112, %reduce_max3A_113 [1] : vector<256x512xf32> to vector<256xf32>
    %broadcast_in_dim3A_115 = vector.shape_cast %reduce_max3A_114 : vector<256xf32> to vector<256x1xf32>
    %eq3A_116 = vector.broadcast %broadcast_in_dim3A_115 : vector<256x1xf32> to vector<256x512xf32>
    %eq3A_117 = arith.cmpf oeq, %select_n3A_112, %eq3A_116 : vector<256x512xf32>
    %jit3A_118 = arith.constant 512 : i32
    %broadcast_in_dim3A_119 = vector.broadcast %jit3A_118 : i32 to vector<256x512xi32>
    %select_n3A_120 = arith.select %eq3A_117, %iota3A, %broadcast_in_dim3A_119 : vector<256x512xi1>, vector<256x512xi32>
    %reduce_min3A_121 = arith.constant dense<2147483647> : vector<256xi32>
    %reduce_min3A_122 = vector.multi_reduction <minsi>, %select_n3A_120, %reduce_min3A_121 [1] : vector<256x512xi32> to vector<256xi32>
    %broadcast_in_dim3A_123 = vector.shape_cast %reduce_min3A_122 : vector<256xi32> to vector<256x1xi32>
    %eq3A_124 = vector.broadcast %broadcast_in_dim3A_123 : vector<256x1xi32> to vector<256x512xi32>
    %eq3A_125 = arith.cmpi eq, %iota3A, %eq3A_124 : vector<256x512xi32>
    %jit3A_126 = arith.constant 0xFF800000 : f32
    %broadcast_in_dim3A_127 = vector.broadcast %jit3A_126 : f32 to vector<256x512xf32>
    %select_n3A_128 = arith.select %eq3A_125, %broadcast_in_dim3A_127, %select_n3A_112 : vector<256x512xi1>, vector<256x512xf32>
    %reduce_max3A_129 = arith.constant dense<0xFF800000> : vector<256xf32>
    %reduce_max3A_130 = vector.multi_reduction <maximumf>, %select_n3A_128, %reduce_max3A_129 [1] : vector<256x512xf32> to vector<256xf32>
    %broadcast_in_dim3A_131 = vector.shape_cast %reduce_max3A_130 : vector<256xf32> to vector<256x1xf32>
    %eq3A_132 = vector.broadcast %broadcast_in_dim3A_131 : vector<256x1xf32> to vector<256x512xf32>
    %eq3A_133 = arith.cmpf oeq, %select_n3A_128, %eq3A_132 : vector<256x512xf32>
    %jit3A_134 = arith.constant 512 : i32
    %broadcast_in_dim3A_135 = vector.broadcast %jit3A_134 : i32 to vector<256x512xi32>
    %select_n3A_136 = arith.select %eq3A_133, %iota3A, %broadcast_in_dim3A_135 : vector<256x512xi1>, vector<256x512xi32>
    %reduce_min3A_137 = arith.constant dense<2147483647> : vector<256xi32>
    %reduce_min3A_138 = vector.multi_reduction <minsi>, %select_n3A_136, %reduce_min3A_137 [1] : vector<256x512xi32> to vector<256xi32>
    %broadcast_in_dim3A_139 = vector.shape_cast %reduce_min3A_138 : vector<256xi32> to vector<256x1xi32>
    %eq3A_140 = vector.broadcast %broadcast_in_dim3A_139 : vector<256x1xi32> to vector<256x512xi32>
    %eq3A_141 = arith.cmpi eq, %iota3A, %eq3A_140 : vector<256x512xi32>
    %jit3A_142 = arith.constant 0xFF800000 : f32
    %broadcast_in_dim3A_143 = vector.broadcast %jit3A_142 : f32 to vector<256x512xf32>
    %select_n3A_144 = arith.select %eq3A_141, %broadcast_in_dim3A_143, %select_n3A_128 : vector<256x512xi1>, vector<256x512xf32>
    %reduce_max3A_145 = arith.constant dense<0xFF800000> : vector<256xf32>
    %reduce_max3A_146 = vector.multi_reduction <maximumf>, %select_n3A_144, %reduce_max3A_145 [1] : vector<256x512xf32> to vector<256xf32>
    %broadcast_in_dim3A_147 = vector.shape_cast %reduce_max3A_146 : vector<256xf32> to vector<256x1xf32>
    %eq3A_148 = vector.broadcast %broadcast_in_dim3A_147 : vector<256x1xf32> to vector<256x512xf32>
    %eq3A_149 = arith.cmpf oeq, %select_n3A_144, %eq3A_148 : vector<256x512xf32>
    %jit3A_150 = arith.constant 512 : i32
    %broadcast_in_dim3A_151 = vector.broadcast %jit3A_150 : i32 to vector<256x512xi32>
    %select_n3A_152 = arith.select %eq3A_149, %iota3A, %broadcast_in_dim3A_151 : vector<256x512xi1>, vector<256x512xi32>
    %reduce_min3A_153 = arith.constant dense<2147483647> : vector<256xi32>
    %reduce_min3A_154 = vector.multi_reduction <minsi>, %select_n3A_152, %reduce_min3A_153 [1] : vector<256x512xi32> to vector<256xi32>
    %broadcast_in_dim3A_155 = vector.shape_cast %reduce_min3A_154 : vector<256xi32> to vector<256x1xi32>
    %eq3A_156 = vector.broadcast %broadcast_in_dim3A_155 : vector<256x1xi32> to vector<256x512xi32>
    %eq3A_157 = arith.cmpi eq, %iota3A, %eq3A_156 : vector<256x512xi32>
    %jit3A_158 = arith.constant 0xFF800000 : f32
    %broadcast_in_dim3A_159 = vector.broadcast %jit3A_158 : f32 to vector<256x512xf32>
    %select_n3A_160 = arith.select %eq3A_157, %broadcast_in_dim3A_159, %select_n3A_144 : vector<256x512xi1>, vector<256x512xf32>
    %reduce_max3A_161 = arith.constant dense<0xFF800000> : vector<256xf32>
    %reduce_max3A_162 = vector.multi_reduction <maximumf>, %select_n3A_160, %reduce_max3A_161 [1] : vector<256x512xf32> to vector<256xf32>
    %broadcast_in_dim3A_163 = vector.shape_cast %reduce_max3A_162 : vector<256xf32> to vector<256x1xf32>
    %eq3A_164 = vector.broadcast %broadcast_in_dim3A_163 : vector<256x1xf32> to vector<256x512xf32>
    %eq3A_165 = arith.cmpf oeq, %select_n3A_160, %eq3A_164 : vector<256x512xf32>
    %jit3A_166 = arith.constant 512 : i32
    %broadcast_in_dim3A_167 = vector.broadcast %jit3A_166 : i32 to vector<256x512xi32>
    %select_n3A_168 = arith.select %eq3A_165, %iota3A, %broadcast_in_dim3A_167 : vector<256x512xi1>, vector<256x512xi32>
    %reduce_min3A_169 = arith.constant dense<2147483647> : vector<256xi32>
    %reduce_min3A_170 = vector.multi_reduction <minsi>, %select_n3A_168, %reduce_min3A_169 [1] : vector<256x512xi32> to vector<256xi32>
    %broadcast_in_dim3A_171 = vector.shape_cast %reduce_min3A_170 : vector<256xi32> to vector<256x1xi32>
    %eq3A_172 = vector.broadcast %broadcast_in_dim3A_171 : vector<256x1xi32> to vector<256x512xi32>
    %eq3A_173 = arith.cmpi eq, %iota3A, %eq3A_172 : vector<256x512xi32>
    %jit3A_174 = arith.constant 0xFF800000 : f32
    %broadcast_in_dim3A_175 = vector.broadcast %jit3A_174 : f32 to vector<256x512xf32>
    %select_n3A_176 = arith.select %eq3A_173, %broadcast_in_dim3A_175, %select_n3A_160 : vector<256x512xi1>, vector<256x512xf32>
    %concatenate3A = tpu.concatenate %broadcast_in_dim3A_55, %broadcast_in_dim3A_67, %broadcast_in_dim3A_83, %broadcast_in_dim3A_99, %broadcast_in_dim3A_115, %broadcast_in_dim3A_131, %broadcast_in_dim3A_147, %broadcast_in_dim3A_163 in 1 : vector<256x1xf32>, vector<256x1xf32>, vector<256x1xf32>, vector<256x1xf32>, vector<256x1xf32>, vector<256x1xf32>, vector<256x1xf32>, vector<256x1xf32> -> vector<256x8xf32>
    %slice3A_177 = vector.extract_strided_slice %concatenate3A {offsets = [0, 0], sizes = [256, 1], strides = [1, 1]} : vector<256x8xf32> to vector<256x1xf32>
    %sub3A_178 = vector.broadcast %slice3A_177 : vector<256x1xf32> to vector<256x8xf32>
    %sub3A_179 = arith.subf %concatenate3A, %sub3A_178 : vector<256x8xf32>
    %exp3A = math.exp %sub3A_179 : vector<256x8xf32>
    %reduce_sum3A_180 = arith.constant dense<0.000000e+00> : vector<256xf32>
    %reduce_sum3A_181 = vector.multi_reduction <add>, %exp3A, %reduce_sum3A_180 [1] : vector<256x8xf32> to vector<256xf32>
    %broadcast_in_dim3A_182 = vector.shape_cast %reduce_sum3A_181 : vector<256xf32> to vector<256x1xf32>
    %eq3A_183 = arith.constant 0xFF800000 : f32
    %eq3A_184 = vector.broadcast %eq3A_183 : f32 to vector<256x512xf32>
    %eq3A_185 = arith.cmpf oeq, %select_n3A_176, %eq3A_184 : vector<256x512xf32>
    %sub3A_186 = vector.broadcast %slice3A_177 : vector<256x1xf32> to vector<256x512xf32>
    %sub3A_187 = arith.subf %mul3A_51, %sub3A_186 : vector<256x512xf32>
    %exp3A_188 = math.exp %sub3A_187 : vector<256x512xf32>
    %div3A_189 = vector.broadcast %broadcast_in_dim3A_182 : vector<256x1xf32> to vector<256x512xf32>
    %div3A_190 = arith.divf %exp3A_188, %div3A_189 : vector<256x512xf32>
    %jit3A_191 = arith.constant 0.000000e+00 : f32
    %broadcast_in_dim3A_192 = vector.broadcast %jit3A_191 : f32 to vector<256x512xf32>
    %select_n3A_193 = arith.select %eq3A_185, %div3A_190, %broadcast_in_dim3A_192 : vector<256x512xi1>, vector<256x512xf32>
    %convert_element_type3A = arith.truncf %select_n3A_193 : vector<256x512xf32> to vector<256x512xbf16>
    %get3A_194 = arith.constant 0 : index
    %get3A_195 = arith.constant 0 : index
    %get3A_196 = arith.constant 0 : index
    %get3A_197 = vector.load %arg5[%get3A_194, %get3A_195, %get3A_196] : memref<16x512x128xbf16, #tpu.memory_space<vmem>>, vector<1x512x128xbf16>
    %get3A_198 = vector.shape_cast %get3A_197 : vector<1x512x128xbf16> to vector<512x128xbf16>
    %dot_general3A_199 = arith.constant dense<0.000000e+00> : vector<256x128xf32>
    %dot_general3A_200 = tpu.matmul %convert_element_type3A, %get3A_198, %dot_general3A_199 {dimension_numbers = #tpu.dot_dimension_numbers<[1], [0], [0], [1], [0, 0, 1, 1], [], []>, transpose_lhs_hint = false} : vector<256x512xbf16>, vector<512x128xbf16>, vector<256x128xf32> -> vector<256x128xf32>
    %slice3A_201 = vector.extract_strided_slice %add3A_34 {offsets = [0, 128], sizes = [256, 128], strides = [1, 1]} : vector<256x2048xf32> to vector<256x128xf32>
    %get3A_202 = arith.constant 1 : index
    %get3A_203 = arith.constant 0 : index
    %get3A_204 = arith.constant 0 : index
    %get3A_205 = vector.load %arg4[%get3A_202, %get3A_203, %get3A_204] : memref<16x512x128xf32, #tpu.memory_space<vmem>>, vector<1x512x128xf32>
    %get3A_206 = vector.shape_cast %get3A_205 : vector<1x512x128xf32> to vector<512x128xf32>
    %dot_general3A_207 = arith.constant dense<0.000000e+00> : vector<256x512xf32>
    %dot_general3A_208 = tpu.matmul %slice3A_201, %get3A_206, %dot_general3A_207 {dimension_numbers = #tpu.dot_dimension_numbers<[1], [1], [0], [0], [0, 0, 1, 0], [], []>, transpose_lhs_hint = false} : vector<256x128xf32>, vector<512x128xf32>, vector<256x512xf32> -> vector<256x512xf32>
    %mul3A_209 = vector.broadcast %div3A_42 : f32 to vector<256x512xf32>
    %mul3A_210 = arith.mulf %dot_general3A_208, %mul3A_209 : vector<256x512xf32>
    %swap3A_211 = arith.constant 0 : index
    %swap3A_212 = arith.constant 512 : index
    %swap3A_213 = vector.load %arg13[%swap3A_211, %swap3A_212] : memref<256x8192xf32, #tpu.memory_space<vmem>>, vector<256x512xf32>
    tpu.vector_store %arg13[%swap3A_211, %swap3A_212], %mul3A_210 {strides = array<i32>} : memref<256x8192xf32, #tpu.memory_space<vmem>>, vector<256x512xf32>,
    %reduce_max3A_214 = arith.constant dense<0xFF800000> : vector<256xf32>
    %reduce_max3A_215 = vector.multi_reduction <maximumf>, %mul3A_210, %reduce_max3A_214 [1] : vector<256x512xf32> to vector<256xf32>
    %broadcast_in_dim3A_216 = vector.shape_cast %reduce_max3A_215 : vector<256xf32> to vector<256x1xf32>
    %eq3A_217 = vector.broadcast %broadcast_in_dim3A_216 : vector<256x1xf32> to vector<256x512xf32>
    %eq3A_218 = arith.cmpf oeq, %mul3A_210, %eq3A_217 : vector<256x512xf32>
    %jit3A_219 = arith.constant 512 : i32
    %broadcast_in_dim3A_220 = vector.broadcast %jit3A_219 : i32 to vector<256x512xi32>
    %select_n3A_221 = arith.select %eq3A_218, %iota3A, %broadcast_in_dim3A_220 : vector<256x512xi1>, vector<256x512xi32>
    %reduce_min3A_222 = arith.constant dense<2147483647> : vector<256xi32>
    %reduce_min3A_223 = vector.multi_reduction <minsi>, %select_n3A_221, %reduce_min3A_222 [1] : vector<256x512xi32> to vector<256xi32>
    %broadcast_in_dim3A_224 = vector.shape_cast %reduce_min3A_223 : vector<256xi32> to vector<256x1xi32>
    %eq3A_225 = vector.broadcast %broadcast_in_dim3A_224 : vector<256x1xi32> to vector<256x512xi32>
    %eq3A_226 = arith.cmpi eq, %iota3A, %eq3A_225 : vector<256x512xi32>
    %jit3A_227 = arith.constant 0xFF800000 : f32
    %broadcast_in_dim3A_228 = vector.broadcast %jit3A_227 : f32 to vector<256x512xf32>
    %select_n3A_229 = arith.select %eq3A_226, %broadcast_in_dim3A_228, %mul3A_210 : vector<256x512xi1>, vector<256x512xf32>
    %reduce_max3A_230 = arith.constant dense<0xFF800000> : vector<256xf32>
    %reduce_max3A_231 = vector.multi_reduction <maximumf>, %select_n3A_229, %reduce_max3A_230 [1] : vector<256x512xf32> to vector<256xf32>
    %broadcast_in_dim3A_232 = vector.shape_cast %reduce_max3A_231 : vector<256xf32> to vector<256x1xf32>
    %eq3A_233 = vector.broadcast %broadcast_in_dim3A_232 : vector<256x1xf32> to vector<256x512xf32>
    %eq3A_234 = arith.cmpf oeq, %select_n3A_229, %eq3A_233 : vector<256x512xf32>
    %jit3A_235 = arith.constant 512 : i32
    %broadcast_in_dim3A_236 = vector.broadcast %jit3A_235 : i32 to vector<256x512xi32>
    %select_n3A_237 = arith.select %eq3A_234, %iota3A, %broadcast_in_dim3A_236 : vector<256x512xi1>, vector<256x512xi32>
    %reduce_min3A_238 = arith.constant dense<2147483647> : vector<256xi32>
    %reduce_min3A_239 = vector.multi_reduction <minsi>, %select_n3A_237, %reduce_min3A_238 [1] : vector<256x512xi32> to vector<256xi32>
    %broadcast_in_dim3A_240 = vector.shape_cast %reduce_min3A_239 : vector<256xi32> to vector<256x1xi32>
    %eq3A_241 = vector.broadcast %broadcast_in_dim3A_240 : vector<256x1xi32> to vector<256x512xi32>
    %eq3A_242 = arith.cmpi eq, %iota3A, %eq3A_241 : vector<256x512xi32>
    %jit3A_243 = arith.constant 0xFF800000 : f32
    %broadcast_in_dim3A_244 = vector.broadcast %jit3A_243 : f32 to vector<256x512xf32>
    %select_n3A_245 = arith.select %eq3A_242, %broadcast_in_dim3A_244, %select_n3A_229 : vector<256x512xi1>, vector<256x512xf32>
    %reduce_max3A_246 = arith.constant dense<0xFF800000> : vector<256xf32>
    %reduce_max3A_247 = vector.multi_reduction <maximumf>, %select_n3A_245, %reduce_max3A_246 [1] : vector<256x512xf32> to vector<256xf32>
    %broadcast_in_dim3A_248 = vector.shape_cast %reduce_max3A_247 : vector<256xf32> to vector<256x1xf32>
    %eq3A_249 = vector.broadcast %broadcast_in_dim3A_248 : vector<256x1xf32> to vector<256x512xf32>
    %eq3A_250 = arith.cmpf oeq, %select_n3A_245, %eq3A_249 : vector<256x512xf32>
    %jit3A_251 = arith.constant 512 : i32
    %broadcast_in_dim3A_252 = vector.broadcast %jit3A_251 : i32 to vector<256x512xi32>
    %select_n3A_253 = arith.select %eq3A_250, %iota3A, %broadcast_in_dim3A_252 : vector<256x512xi1>, vector<256x512xi32>
    %reduce_min3A_254 = arith.constant dense<2147483647> : vector<256xi32>
    %reduce_min3A_255 = vector.multi_reduction <minsi>, %select_n3A_253, %reduce_min3A_254 [1] : vector<256x512xi32> to vector<256xi32>
    %broadcast_in_dim3A_256 = vector.shape_cast %reduce_min3A_255 : vector<256xi32> to vector<256x1xi32>
    %eq3A_257 = vector.broadcast %broadcast_in_dim3A_256 : vector<256x1xi32> to vector<256x512xi32>
    %eq3A_258 = arith.cmpi eq, %iota3A, %eq3A_257 : vector<256x512xi32>
    %jit3A_259 = arith.constant 0xFF800000 : f32
    %broadcast_in_dim3A_260 = vector.broadcast %jit3A_259 : f32 to vector<256x512xf32>
    %select_n3A_261 = arith.select %eq3A_258, %broadcast_in_dim3A_260, %select_n3A_245 : vector<256x512xi1>, vector<256x512xf32>
    %reduce_max3A_262 = arith.constant dense<0xFF800000> : vector<256xf32>
    %reduce_max3A_263 = vector.multi_reduction <maximumf>, %select_n3A_261, %reduce_max3A_262 [1] : vector<256x512xf32> to vector<256xf32>
    %broadcast_in_dim3A_264 = vector.shape_cast %reduce_max3A_263 : vector<256xf32> to vector<256x1xf32>
    %eq3A_265 = vector.broadcast %broadcast_in_dim3A_264 : vector<256x1xf32> to vector<256x512xf32>
    %eq3A_266 = arith.cmpf oeq, %select_n3A_261, %eq3A_265 : vector<256x512xf32>
    %jit3A_267 = arith.constant 512 : i32
    %broadcast_in_dim3A_268 = vector.broadcast %jit3A_267 : i32 to vector<256x512xi32>
    %select_n3A_269 = arith.select %eq3A_266, %iota3A, %broadcast_in_dim3A_268 : vector<256x512xi1>, vector<256x512xi32>
    %reduce_min3A_270 = arith.constant dense<2147483647> : vector<256xi32>
    %reduce_min3A_271 = vector.multi_reduction <minsi>, %select_n3A_269, %reduce_min3A_270 [1] : vector<256x512xi32> to vector<256xi32>
    %broadcast_in_dim3A_272 = vector.shape_cast %reduce_min3A_271 : vector<256xi32> to vector<256x1xi32>
    %eq3A_273 = vector.broadcast %broadcast_in_dim3A_272 : vector<256x1xi32> to vector<256x512xi32>
    %eq3A_274 = arith.cmpi eq, %iota3A, %eq3A_273 : vector<256x512xi32>
    %jit3A_275 = arith.constant 0xFF800000 : f32
    %broadcast_in_dim3A_276 = vector.broadcast %jit3A_275 : f32 to vector<256x512xf32>
    %select_n3A_277 = arith.select %eq3A_274, %broadcast_in_dim3A_276, %select_n3A_261 : vector<256x512xi1>, vector<256x512xf32>
    %reduce_max3A_278 = arith.constant dense<0xFF800000> : vector<256xf32>
    %reduce_max3A_279 = vector.multi_reduction <maximumf>, %select_n3A_277, %reduce_max3A_278 [1] : vector<256x512xf32> to vector<256xf32>
    %broadcast_in_dim3A_280 = vector.shape_cast %reduce_max3A_279 : vector<256xf32> to vector<256x1xf32>
    %eq3A_281 = vector.broadcast %broadcast_in_dim3A_280 : vector<256x1xf32> to vector<256x512xf32>
    %eq3A_282 = arith.cmpf oeq, %select_n3A_277, %eq3A_281 : vector<256x512xf32>
    %jit3A_283 = arith.constant 512 : i32
    %broadcast_in_dim3A_284 = vector.broadcast %jit3A_283 : i32 to vector<256x512xi32>
    %select_n3A_285 = arith.select %eq3A_282, %iota3A, %broadcast_in_dim3A_284 : vector<256x512xi1>, vector<256x512xi32>
    %reduce_min3A_286 = arith.constant dense<2147483647> : vector<256xi32>
    %reduce_min3A_287 = vector.multi_reduction <minsi>, %select_n3A_285, %reduce_min3A_286 [1] : vector<256x512xi32> to vector<256xi32>
    %broadcast_in_dim3A_288 = vector.shape_cast %reduce_min3A_287 : vector<256xi32> to vector<256x1xi32>
    %eq3A_289 = vector.broadcast %broadcast_in_dim3A_288 : vector<256x1xi32> to vector<256x512xi32>
    %eq3A_290 = arith.cmpi eq, %iota3A, %eq3A_289 : vector<256x512xi32>
    %jit3A_291 = arith.constant 0xFF800000 : f32
    %broadcast_in_dim3A_292 = vector.broadcast %jit3A_291 : f32 to vector<256x512xf32>
    %select_n3A_293 = arith.select %eq3A_290, %broadcast_in_dim3A_292, %select_n3A_277 : vector<256x512xi1>, vector<256x512xf32>
    %reduce_max3A_294 = arith.constant dense<0xFF800000> : vector<256xf32>
    %reduce_max3A_295 = vector.multi_reduction <maximumf>, %select_n3A_293, %reduce_max3A_294 [1] : vector<256x512xf32> to vector<256xf32>
    %broadcast_in_dim3A_296 = vector.shape_cast %reduce_max3A_295 : vector<256xf32> to vector<256x1xf32>
    %eq3A_297 = vector.broadcast %broadcast_in_dim3A_296 : vector<256x1xf32> to vector<256x512xf32>
    %eq3A_298 = arith.cmpf oeq, %select_n3A_293, %eq3A_297 : vector<256x512xf32>
    %jit3A_299 = arith.constant 512 : i32
    %broadcast_in_dim3A_300 = vector.broadcast %jit3A_299 : i32 to vector<256x512xi32>
    %select_n3A_301 = arith.select %eq3A_298, %iota3A, %broadcast_in_dim3A_300 : vector<256x512xi1>, vector<256x512xi32>
    %reduce_min3A_302 = arith.constant dense<2147483647> : vector<256xi32>
    %reduce_min3A_303 = vector.multi_reduction <minsi>, %select_n3A_301, %reduce_min3A_302 [1] : vector<256x512xi32> to vector<256xi32>
    %broadcast_in_dim3A_304 = vector.shape_cast %reduce_min3A_303 : vector<256xi32> to vector<256x1xi32>
    %eq3A_305 = vector.broadcast %broadcast_in_dim3A_304 : vector<256x1xi32> to vector<256x512xi32>
    %eq3A_306 = arith.cmpi eq, %iota3A, %eq3A_305 : vector<256x512xi32>
    %jit3A_307 = arith.constant 0xFF800000 : f32
    %broadcast_in_dim3A_308 = vector.broadcast %jit3A_307 : f32 to vector<256x512xf32>
    %select_n3A_309 = arith.select %eq3A_306, %broadcast_in_dim3A_308, %select_n3A_293 : vector<256x512xi1>, vector<256x512xf32>
    %reduce_max3A_310 = arith.constant dense<0xFF800000> : vector<256xf32>
    %reduce_max3A_311 = vector.multi_reduction <maximumf>, %select_n3A_309, %reduce_max3A_310 [1] : vector<256x512xf32> to vector<256xf32>
    %broadcast_in_dim3A_312 = vector.shape_cast %reduce_max3A_311 : vector<256xf32> to vector<256x1xf32>
    %eq3A_313 = vector.broadcast %broadcast_in_dim3A_312 : vector<256x1xf32> to vector<256x512xf32>
    %eq3A_314 = arith.cmpf oeq, %select_n3A_309, %eq3A_313 : vector<256x512xf32>
    %jit3A_315 = arith.constant 512 : i32
    %broadcast_in_dim3A_316 = vector.broadcast %jit3A_315 : i32 to vector<256x512xi32>
    %select_n3A_317 = arith.select %eq3A_314, %iota3A, %broadcast_in_dim3A_316 : vector<256x512xi1>, vector<256x512xi32>
    %reduce_min3A_318 = arith.constant dense<2147483647> : vector<256xi32>
    %reduce_min3A_319 = vector.multi_reduction <minsi>, %select_n3A_317, %reduce_min3A_318 [1] : vector<256x512xi32> to vector<256xi32>
    %broadcast_in_dim3A_320 = vector.shape_cast %reduce_min3A_319 : vector<256xi32> to vector<256x1xi32>
    %eq3A_321 = vector.broadcast %broadcast_in_dim3A_320 : vector<256x1xi32> to vector<256x512xi32>
    %eq3A_322 = arith.cmpi eq, %iota3A, %eq3A_321 : vector<256x512xi32>
    %jit3A_323 = arith.constant 0xFF800000 : f32
    %broadcast_in_dim3A_324 = vector.broadcast %jit3A_323 : f32 to vector<256x512xf32>
    %select_n3A_325 = arith.select %eq3A_322, %broadcast_in_dim3A_324, %select_n3A_309 : vector<256x512xi1>, vector<256x512xf32>
    %reduce_max3A_326 = arith.constant dense<0xFF800000> : vector<256xf32>
    %reduce_max3A_327 = vector.multi_reduction <maximumf>, %select_n3A_325, %reduce_max3A_326 [1] : vector<256x512xf32> to vector<256xf32>
    %broadcast_in_dim3A_328 = vector.shape_cast %reduce_max3A_327 : vector<256xf32> to vector<256x1xf32>
    %eq3A_329 = vector.broadcast %broadcast_in_dim3A_328 : vector<256x1xf32> to vector<256x512xf32>
    %eq3A_330 = arith.cmpf oeq, %select_n3A_325, %eq3A_329 : vector<256x512xf32>
    %jit3A_331 = arith.constant 512 : i32
    %broadcast_in_dim3A_332 = vector.broadcast %jit3A_331 : i32 to vector<256x512xi32>
    %select_n3A_333 = arith.select %eq3A_330, %iota3A, %broadcast_in_dim3A_332 : vector<256x512xi1>, vector<256x512xi32>
    %reduce_min3A_334 = arith.constant dense<2147483647> : vector<256xi32>
    %reduce_min3A_335 = vector.multi_reduction <minsi>, %select_n3A_333, %reduce_min3A_334 [1] : vector<256x512xi32> to vector<256xi32>
    %broadcast_in_dim3A_336 = vector.shape_cast %reduce_min3A_335 : vector<256xi32> to vector<256x1xi32>
    %eq3A_337 = vector.broadcast %broadcast_in_dim3A_336 : vector<256x1xi32> to vector<256x512xi32>
    %eq3A_338 = arith.cmpi eq, %iota3A, %eq3A_337 : vector<256x512xi32>
    %jit3A_339 = arith.constant 0xFF800000 : f32
    %broadcast_in_dim3A_340 = vector.broadcast %jit3A_339 : f32 to vector<256x512xf32>
    %select_n3A_341 = arith.select %eq3A_338, %broadcast_in_dim3A_340, %select_n3A_325 : vector<256x512xi1>, vector<256x512xf32>
    %concatenate3A_342 = tpu.concatenate %broadcast_in_dim3A_216, %broadcast_in_dim3A_232, %broadcast_in_dim3A_248, %broadcast_in_dim3A_264, %broadcast_in_dim3A_280, %broadcast_in_dim3A_296, %broadcast_in_dim3A_312, %broadcast_in_dim3A_328 in 1 : vector<256x1xf32>, vector<256x1xf32>, vector<256x1xf32>, vector<256x1xf32>, vector<256x1xf32>, vector<256x1xf32>, vector<256x1xf32>, vector<256x1xf32> -> vector<256x8xf32>
    %slice3A_343 = vector.extract_strided_slice %concatenate3A_342 {offsets = [0, 0], sizes = [256, 1], strides = [1, 1]} : vector<256x8xf32> to vector<256x1xf32>
    %sub3A_344 = vector.broadcast %slice3A_343 : vector<256x1xf32> to vector<256x8xf32>
    %sub3A_345 = arith.subf %concatenate3A_342, %sub3A_344 : vector<256x8xf32>
    %exp3A_346 = math.exp %sub3A_345 : vector<256x8xf32>
    %reduce_sum3A_347 = arith.constant dense<0.000000e+00> : vector<256xf32>
    %reduce_sum3A_348 = vector.multi_reduction <add>, %exp3A_346, %reduce_sum3A_347 [1] : vector<256x8xf32> to vector<256xf32>
    %broadcast_in_dim3A_349 = vector.shape_cast %reduce_sum3A_348 : vector<256xf32> to vector<256x1xf32>
    %eq3A_350 = arith.constant 0xFF800000 : f32
    %eq3A_351 = vector.broadcast %eq3A_350 : f32 to vector<256x512xf32>
    %eq3A_352 = arith.cmpf oeq, %select_n3A_341, %eq3A_351 : vector<256x512xf32>
    %sub3A_353 = vector.broadcast %slice3A_343 : vector<256x1xf32> to vector<256x512xf32>
    %sub3A_354 = arith.subf %mul3A_210, %sub3A_353 : vector<256x512xf32>
    %exp3A_355 = math.exp %sub3A_354 : vector<256x512xf32>
    %div3A_356 = vector.broadcast %broadcast_in_dim3A_349 : vector<256x1xf32> to vector<256x512xf32>
    %div3A_357 = arith.divf %exp3A_355, %div3A_356 : vector<256x512xf32>
    %jit3A_358 = arith.constant 0.000000e+00 : f32
    %broadcast_in_dim3A_359 = vector.broadcast %jit3A_358 : f32 to vector<256x512xf32>
    %select_n3A_360 = arith.select %eq3A_352, %div3A_357, %broadcast_in_dim3A_359 : vector<256x512xi1>, vector<256x512xf32>
    %convert_element_type3A_361 = arith.truncf %select_n3A_360 : vector<256x512xf32> to vector<256x512xbf16>
    %get3A_362 = arith.constant 1 : index
    %get3A_363 = arith.constant 0 : index
    %get3A_364 = arith.constant 0 : index
    %get3A_365 = vector.load %arg5[%get3A_362, %get3A_363, %get3A_364] : memref<16x512x128xbf16, #tpu.memory_space<vmem>>, vector<1x512x128xbf16>
    %get3A_366 = vector.shape_cast %get3A_365 : vector<1x512x128xbf16> to vector<512x128xbf16>
    %dot_general3A_367 = arith.constant dense<0.000000e+00> : vector<256x128xf32>
    %dot_general3A_368 = tpu.matmul %convert_element_type3A_361, %get3A_366, %dot_general3A_367 {dimension_numbers = #tpu.dot_dimension_numbers<[1], [0], [0], [1], [0, 0, 1, 1], [], []>, transpose_lhs_hint = false} : vector<256x512xbf16>, vector<512x128xbf16>, vector<256x128xf32> -> vector<256x128xf32>
    %slice3A_369 = vector.extract_strided_slice %add3A_34 {offsets = [0, 256], sizes = [256, 128], strides = [1, 1]} : vector<256x2048xf32> to vector<256x128xf32>
    %get3A_370 = arith.constant 2 : index
    %get3A_371 = arith.constant 0 : index
    %get3A_372 = arith.constant 0 : index
    %get3A_373 = vector.load %arg4[%get3A_370, %get3A_371, %get3A_372] : memref<16x512x128xf32, #tpu.memory_space<vmem>>, vector<1x512x128xf32>
    %get3A_374 = vector.shape_cast %get3A_373 : vector<1x512x128xf32> to vector<512x128xf32>
    %dot_general3A_375 = arith.constant dense<0.000000e+00> : vector<256x512xf32>
    %dot_general3A_376 = tpu.matmul %slice3A_369, %get3A_374, %dot_general3A_375 {dimension_numbers = #tpu.dot_dimension_numbers<[1], [1], [0], [0], [0, 0, 1, 0], [], []>, transpose_lhs_hint = false} : vector<256x128xf32>, vector<512x128xf32>, vector<256x512xf32> -> vector<256x512xf32>
    %mul3A_377 = vector.broadcast %div3A_42 : f32 to vector<256x512xf32>
    %mul3A_378 = arith.mulf %dot_general3A_376, %mul3A_377 : vector<256x512xf32>
    %swap3A_379 = arith.constant 0 : index
    %swap3A_380 = arith.constant 1024 : index
    %swap3A_381 = vector.load %arg13[%swap3A_379, %swap3A_380] : memref<256x8192xf32, #tpu.memory_space<vmem>>, vector<256x512xf32>
    tpu.vector_store %arg13[%swap3A_379, %swap3A_380], %mul3A_378 {strides = array<i32>} : memref<256x8192xf32, #tpu.memory_space<vmem>>, vector<256x512xf32>,
    %reduce_max3A_382 = arith.constant dense<0xFF800000> : vector<256xf32>
    %reduce_max3A_383 = vector.multi_reduction <maximumf>, %mul3A_378, %reduce_max3A_382 [1] : vector<256x512xf32> to vector<256xf32>
    %broadcast_in_dim3A_384 = vector.shape_cast %reduce_max3A_383 : vector<256xf32> to vector<256x1xf32>
    %eq3A_385 = vector.broadcast %broadcast_in_dim3A_384 : vector<256x1xf32> to vector<256x512xf32>
    %eq3A_386 = arith.cmpf oeq, %mul3A_378, %eq3A_385 : vector<256x512xf32>
    %jit3A_387 = arith.constant 512 : i32
    %broadcast_in_dim3A_388 = vector.broadcast %jit3A_387 : i32 to vector<256x512xi32>
    %select_n3A_389 = arith.select %eq3A_386, %iota3A, %broadcast_in_dim3A_388 : vector<256x512xi1>, vector<256x512xi32>
    %reduce_min3A_390 = arith.constant dense<2147483647> : vector<256xi32>
    %reduce_min3A_391 = vector.multi_reduction <minsi>, %select_n3A_389, %reduce_min3A_390 [1] : vector<256x512xi32> to vector<256xi32>
    %broadcast_in_dim3A_392 = vector.shape_cast %reduce_min3A_391 : vector<256xi32> to vector<256x1xi32>
    %eq3A_393 = vector.broadcast %broadcast_in_dim3A_392 : vector<256x1xi32> to vector<256x512xi32>
    %eq3A_394 = arith.cmpi eq, %iota3A, %eq3A_393 : vector<256x512xi32>
    %jit3A_395 = arith.constant 0xFF800000 : f32
    %broadcast_in_dim3A_396 = vector.broadcast %jit3A_395 : f32 to vector<256x512xf32>
    %select_n3A_397 = arith.select %eq3A_394, %broadcast_in_dim3A_396, %mul3A_378 : vector<256x512xi1>, vector<256x512xf32>
    %reduce_max3A_398 = arith.constant dense<0xFF800000> : vector<256xf32>
    %reduce_max3A_399 = vector.multi_reduction <maximumf>, %select_n3A_397, %reduce_max3A_398 [1] : vector<256x512xf32> to vector<256xf32>
    %broadcast_in_dim3A_400 = vector.shape_cast %reduce_max3A_399 : vector<256xf32> to vector<256x1xf32>
    %eq3A_401 = vector.broadcast %broadcast_in_dim3A_400 : vector<256x1xf32> to vector<256x512xf32>
    %eq3A_402 = arith.cmpf oeq, %select_n3A_397, %eq3A_401 : vector<256x512xf32>
    %jit3A_403 = arith.constant 512 : i32
    %broadcast_in_dim3A_404 = vector.broadcast %jit3A_403 : i32 to vector<256x512xi32>
    %select_n3A_405 = arith.select %eq3A_402, %iota3A, %broadcast_in_dim3A_404 : vector<256x512xi1>, vector<256x512xi32>
    %reduce_min3A_406 = arith.constant dense<2147483647> : vector<256xi32>
    %reduce_min3A_407 = vector.multi_reduction <minsi>, %select_n3A_405, %reduce_min3A_406 [1] : vector<256x512xi32> to vector<256xi32>
    %broadcast_in_dim3A_408 = vector.shape_cast %reduce_min3A_407 : vector<256xi32> to vector<256x1xi32>
    %eq3A_409 = vector.broadcast %broadcast_in_dim3A_408 : vector<256x1xi32> to vector<256x512xi32>
    %eq3A_410 = arith.cmpi eq, %iota3A, %eq3A_409 : vector<256x512xi32>
    %jit3A_411 = arith.constant 0xFF800000 : f32
    %broadcast_in_dim3A_412 = vector.broadcast %jit3A_411 : f32 to vector<256x512xf32>
    %select_n3A_413 = arith.select %eq3A_410, %broadcast_in_dim3A_412, %select_n3A_397 : vector<256x512xi1>, vector<256x512xf32>
    %reduce_max3A_414 = arith.constant dense<0xFF800000> : vector<256xf32>
    %reduce_max3A_415 = vector.multi_reduction <maximumf>, %select_n3A_413, %reduce_max3A_414 [1] : vector<256x512xf32> to vector<256xf32>
    %broadcast_in_dim3A_416 = vector.shape_cast %reduce_max3A_415 : vector<256xf32> to vector<256x1xf32>
    %eq3A_417 = vector.broadcast %broadcast_in_dim3A_416 : vector<256x1xf32> to vector<256x512xf32>
    %eq3A_418 = arith.cmpf oeq, %select_n3A_413, %eq3A_417 : vector<256x512xf32>
    %jit3A_419 = arith.constant 512 : i32
    %broadcast_in_dim3A_420 = vector.broadcast %jit3A_419 : i32 to vector<256x512xi32>
    %select_n3A_421 = arith.select %eq3A_418, %iota3A, %broadcast_in_dim3A_420 : vector<256x512xi1>, vector<256x512xi32>
    %reduce_min3A_422 = arith.constant dense<2147483647> : vector<256xi32>
    %reduce_min3A_423 = vector.multi_reduction <minsi>, %select_n3A_421, %reduce_min3A_422 [1] : vector<256x512xi32> to vector<256xi32>
    %broadcast_in_dim3A_424 = vector.shape_cast %reduce_min3A_423 : vector<256xi32> to vector<256x1xi32>
    %eq3A_425 = vector.broadcast %broadcast_in_dim3A_424 : vector<256x1xi32> to vector<256x512xi32>
    %eq3A_426 = arith.cmpi eq, %iota3A, %eq3A_425 : vector<256x512xi32>
    %jit3A_427 = arith.constant 0xFF800000 : f32
    %broadcast_in_dim3A_428 = vector.broadcast %jit3A_427 : f32 to vector<256x512xf32>
    %select_n3A_429 = arith.select %eq3A_426, %broadcast_in_dim3A_428, %select_n3A_413 : vector<256x512xi1>, vector<256x512xf32>
    %reduce_max3A_430 = arith.constant dense<0xFF800000> : vector<256xf32>
    %reduce_max3A_431 = vector.multi_reduction <maximumf>, %select_n3A_429, %reduce_max3A_430 [1] : vector<256x512xf32> to vector<256xf32>
    %broadcast_in_dim3A_432 = vector.shape_cast %reduce_max3A_431 : vector<256xf32> to vector<256x1xf32>
    %eq3A_433 = vector.broadcast %broadcast_in_dim3A_432 : vector<256x1xf32> to vector<256x512xf32>
    %eq3A_434 = arith.cmpf oeq, %select_n3A_429, %eq3A_433 : vector<256x512xf32>
    %jit3A_435 = arith.constant 512 : i32
    %broadcast_in_dim3A_436 = vector.broadcast %jit3A_435 : i32 to vector<256x512xi32>
    %select_n3A_437 = arith.select %eq3A_434, %iota3A, %broadcast_in_dim3A_436 : vector<256x512xi1>, vector<256x512xi32>
    %reduce_min3A_438 = arith.constant dense<2147483647> : vector<256xi32>
    %reduce_min3A_439 = vector.multi_reduction <minsi>, %select_n3A_437, %reduce_min3A_438 [1] : vector<256x512xi32> to vector<256xi32>
    %broadcast_in_dim3A_440 = vector.shape_cast %reduce_min3A_439 : vector<256xi32> to vector<256x1xi32>
    %eq3A_441 = vector.broadcast %broadcast_in_dim3A_440 : vector<256x1xi32> to vector<256x512xi32>
    %eq3A_442 = arith.cmpi eq, %iota3A, %eq3A_441 : vector<256x512xi32>
    %jit3A_443 = arith.constant 0xFF800000 : f32
    %broadcast_in_dim3A_444 = vector.broadcast %jit3A_443 : f32 to vector<256x512xf32>
    %select_n3A_445 = arith.select %eq3A_442, %broadcast_in_dim3A_444, %select_n3A_429 : vector<256x512xi1>, vector<256x512xf32>
    %reduce_max3A_446 = arith.constant dense<0xFF800000> : vector<256xf32>
    %reduce_max3A_447 = vector.multi_reduction <maximumf>, %select_n3A_445, %reduce_max3A_446 [1] : vector<256x512xf32> to vector<256xf32>
    %broadcast_in_dim3A_448 = vector.shape_cast %reduce_max3A_447 : vector<256xf32> to vector<256x1xf32>
    %eq3A_449 = vector.broadcast %broadcast_in_dim3A_448 : vector<256x1xf32> to vector<256x512xf32>
    %eq3A_450 = arith.cmpf oeq, %select_n3A_445, %eq3A_449 : vector<256x512xf32>
    %jit3A_451 = arith.constant 512 : i32
    %broadcast_in_dim3A_452 = vector.broadcast %jit3A_451 : i32 to vector<256x512xi32>
    %select_n3A_453 = arith.select %eq3A_450, %iota3A, %broadcast_in_dim3A_452 : vector<256x512xi1>, vector<256x512xi32>
    %reduce_min3A_454 = arith.constant dense<2147483647> : vector<256xi32>
    %reduce_min3A_455 = vector.multi_reduction <minsi>, %select_n3A_453, %reduce_min3A_454 [1] : vector<256x512xi32> to vector<256xi32>
    %broadcast_in_dim3A_456 = vector.shape_cast %reduce_min3A_455 : vector<256xi32> to vector<256x1xi32>
    %eq3A_457 = vector.broadcast %broadcast_in_dim3A_456 : vector<256x1xi32> to vector<256x512xi32>
    %eq3A_458 = arith.cmpi eq, %iota3A, %eq3A_457 : vector<256x512xi32>
    %jit3A_459 = arith.constant 0xFF800000 : f32
    %broadcast_in_dim3A_460 = vector.broadcast %jit3A_459 : f32 to vector<256x512xf32>
    %select_n3A_461 = arith.select %eq3A_458, %broadcast_in_dim3A_460, %select_n3A_445 : vector<256x512xi1>, vector<256x512xf32>
    %reduce_max3A_462 = arith.constant dense<0xFF800000> : vector<256xf32>
    %reduce_max3A_463 = vector.multi_reduction <maximumf>, %select_n3A_461, %reduce_max3A_462 [1] : vector<256x512xf32> to vector<256xf32>
    %broadcast_in_dim3A_464 = vector.shape_cast %reduce_max3A_463 : vector<256xf32> to vector<256x1xf32>
    %eq3A_465 = vector.broadcast %broadcast_in_dim3A_464 : vector<256x1xf32> to vector<256x512xf32>
    %eq3A_466 = arith.cmpf oeq, %select_n3A_461, %eq3A_465 : vector<256x512xf32>
    %jit3A_467 = arith.constant 512 : i32
    %broadcast_in_dim3A_468 = vector.broadcast %jit3A_467 : i32 to vector<256x512xi32>
    %select_n3A_469 = arith.select %eq3A_466, %iota3A, %broadcast_in_dim3A_468 : vector<256x512xi1>, vector<256x512xi32>
    %reduce_min3A_470 = arith.constant dense<2147483647> : vector<256xi32>
    %reduce_min3A_471 = vector.multi_reduction <minsi>, %select_n3A_469, %reduce_min3A_470 [1] : vector<256x512xi32> to vector<256xi32>
    %broadcast_in_dim3A_472 = vector.shape_cast %reduce_min3A_471 : vector<256xi32> to vector<256x1xi32>
    %eq3A_473 = vector.broadcast %broadcast_in_dim3A_472 : vector<256x1xi32> to vector<256x512xi32>
    %eq3A_474 = arith.cmpi eq, %iota3A, %eq3A_473 : vector<256x512xi32>
    %jit3A_475 = arith.constant 0xFF800000 : f32
    %broadcast_in_dim3A_476 = vector.broadcast %jit3A_475 : f32 to vector<256x512xf32>
    %select_n3A_477 = arith.select %eq3A_474, %broadcast_in_dim3A_476, %select_n3A_461 : vector<256x512xi1>, vector<256x512xf32>
    %reduce_max3A_478 = arith.constant dense<0xFF800000> : vector<256xf32>
    %reduce_max3A_479 = vector.multi_reduction <maximumf>, %select_n3A_477, %reduce_max3A_478 [1] : vector<256x512xf32> to vector<256xf32>
    %broadcast_in_dim3A_480 = vector.shape_cast %reduce_max3A_479 : vector<256xf32> to vector<256x1xf32>
    %eq3A_481 = vector.broadcast %broadcast_in_dim3A_480 : vector<256x1xf32> to vector<256x512xf32>
    %eq3A_482 = arith.cmpf oeq, %select_n3A_477, %eq3A_481 : vector<256x512xf32>
    %jit3A_483 = arith.constant 512 : i32
    %broadcast_in_dim3A_484 = vector.broadcast %jit3A_483 : i32 to vector<256x512xi32>
    %select_n3A_485 = arith.select %eq3A_482, %iota3A, %broadcast_in_dim3A_484 : vector<256x512xi1>, vector<256x512xi32>
    %reduce_min3A_486 = arith.constant dense<2147483647> : vector<256xi32>
    %reduce_min3A_487 = vector.multi_reduction <minsi>, %select_n3A_485, %reduce_min3A_486 [1] : vector<256x512xi32> to vector<256xi32>
    %broadcast_in_dim3A_488 = vector.shape_cast %reduce_min3A_487 : vector<256xi32> to vector<256x1xi32>
    %eq3A_489 = vector.broadcast %broadcast_in_dim3A_488 : vector<256x1xi32> to vector<256x512xi32>
    %eq3A_490 = arith.cmpi eq, %iota3A, %eq3A_489 : vector<256x512xi32>
    %jit3A_491 = arith.constant 0xFF800000 : f32
    %broadcast_in_dim3A_492 = vector.broadcast %jit3A_491 : f32 to vector<256x512xf32>
    %select_n3A_493 = arith.select %eq3A_490, %broadcast_in_dim3A_492, %select_n3A_477 : vector<256x512xi1>, vector<256x512xf32>
    %reduce_max3A_494 = arith.constant dense<0xFF800000> : vector<256xf32>
    %reduce_max3A_495 = vector.multi_reduction <maximumf>, %select_n3A_493, %reduce_max3A_494 [1] : vector<256x512xf32> to vector<256xf32>
    %broadcast_in_dim3A_496 = vector.shape_cast %reduce_max3A_495 : vector<256xf32> to vector<256x1xf32>
    %eq3A_497 = vector.broadcast %broadcast_in_dim3A_496 : vector<256x1xf32> to vector<256x512xf32>
    %eq3A_498 = arith.cmpf oeq, %select_n3A_493, %eq3A_497 : vector<256x512xf32>
    %jit3A_499 = arith.constant 512 : i32
    %broadcast_in_dim3A_500 = vector.broadcast %jit3A_499 : i32 to vector<256x512xi32>
    %select_n3A_501 = arith.select %eq3A_498, %iota3A, %broadcast_in_dim3A_500 : vector<256x512xi1>, vector<256x512xi32>
    %reduce_min3A_502 = arith.constant dense<2147483647> : vector<256xi32>
    %reduce_min3A_503 = vector.multi_reduction <minsi>, %select_n3A_501, %reduce_min3A_502 [1] : vector<256x512xi32> to vector<256xi32>
    %broadcast_in_dim3A_504 = vector.shape_cast %reduce_min3A_503 : vector<256xi32> to vector<256x1xi32>
    %eq3A_505 = vector.broadcast %broadcast_in_dim3A_504 : vector<256x1xi32> to vector<256x512xi32>
    %eq3A_506 = arith.cmpi eq, %iota3A, %eq3A_505 : vector<256x512xi32>
    %jit3A_507 = arith.constant 0xFF800000 : f32
    %broadcast_in_dim3A_508 = vector.broadcast %jit3A_507 : f32 to vector<256x512xf32>
    %select_n3A_509 = arith.select %eq3A_506, %broadcast_in_dim3A_508, %select_n3A_493 : vector<256x512xi1>, vector<256x512xf32>
    %concatenate3A_510 = tpu.concatenate %broadcast_in_dim3A_384, %broadcast_in_dim3A_400, %broadcast_in_dim3A_416, %broadcast_in_dim3A_432, %broadcast_in_dim3A_448, %broadcast_in_dim3A_464, %broadcast_in_dim3A_480, %broadcast_in_dim3A_496 in 1 : vector<256x1xf32>, vector<256x1xf32>, vector<256x1xf32>, vector<256x1xf32>, vector<256x1xf32>, vector<256x1xf32>, vector<256x1xf32>, vector<256x1xf32> -> vector<256x8xf32>
    %slice3A_511 = vector.extract_strided_slice %concatenate3A_510 {offsets = [0, 0], sizes = [256, 1], strides = [1, 1]} : vector<256x8xf32> to vector<256x1xf32>
    %sub3A_512 = vector.broadcast %slice3A_511 : vector<256x1xf32> to vector<256x8xf32>
    %sub3A_513 = arith.subf %concatenate3A_510, %sub3A_512 : vector<256x8xf32>
    %exp3A_514 = math.exp %sub3A_513 : vector<256x8xf32>
    %reduce_sum3A_515 = arith.constant dense<0.000000e+00> : vector<256xf32>
    %reduce_sum3A_516 = vector.multi_reduction <add>, %exp3A_514, %reduce_sum3A_515 [1] : vector<256x8xf32> to vector<256xf32>
    %broadcast_in_dim3A_517 = vector.shape_cast %reduce_sum3A_516 : vector<256xf32> to vector<256x1xf32>
    %eq3A_518 = arith.constant 0xFF800000 : f32
    %eq3A_519 = vector.broadcast %eq3A_518 : f32 to vector<256x512xf32>
    %eq3A_520 = arith.cmpf oeq, %select_n3A_509, %eq3A_519 : vector<256x512xf32>
    %sub3A_521 = vector.broadcast %slice3A_511 : vector<256x1xf32> to vector<256x512xf32>
    %sub3A_522 = arith.subf %mul3A_378, %sub3A_521 : vector<256x512xf32>
    %exp3A_523 = math.exp %sub3A_522 : vector<256x512xf32>
    %div3A_524 = vector.broadcast %broadcast_in_dim3A_517 : vector<256x1xf32> to vector<256x512xf32>
    %div3A_525 = arith.divf %exp3A_523, %div3A_524 : vector<256x512xf32>
    %jit3A_526 = arith.constant 0.000000e+00 : f32
    %broadcast_in_dim3A_527 = vector.broadcast %jit3A_526 : f32 to vector<256x512xf32>
    %select_n3A_528 = arith.select %eq3A_520, %div3A_525, %broadcast_in_dim3A_527 : vector<256x512xi1>, vector<256x512xf32>
    %convert_element_type3A_529 = arith.truncf %select_n3A_528 : vector<256x512xf32> to vector<256x512xbf16>
    %get3A_530 = arith.constant 2 : index
    %get3A_531 = arith.constant 0 : index
    %get3A_532 = arith.constant 0 : index
    %get3A_533 = vector.load %arg5[%get3A_530, %get3A_531, %get3A_532] : memref<16x512x128xbf16, #tpu.memory_space<vmem>>, vector<1x512x128xbf16>
    %get3A_534 = vector.shape_cast %get3A_533 : vector<1x512x128xbf16> to vector<512x128xbf16>
    %dot_general3A_535 = arith.constant dense<0.000000e+00> : vector<256x128xf32>
    %dot_general3A_536 = tpu.matmul %convert_element_type3A_529, %get3A_534, %dot_general3A_535 {dimension_numbers = #tpu.dot_dimension_numbers<[1], [0], [0], [1], [0, 0, 1, 1], [], []>, transpose_lhs_hint = false} : vector<256x512xbf16>, vector<512x128xbf16>, vector<256x128xf32> -> vector<256x128xf32>
    %slice3A_537 = vector.extract_strided_slice %add3A_34 {offsets = [0, 384], sizes = [256, 128], strides = [1, 1]} : vector<256x2048xf32> to vector<256x128xf32>
    %get3A_538 = arith.constant 3 : index
    %get3A_539 = arith.constant 0 : index
    %get3A_540 = arith.constant 0 : index
    %get3A_541 = vector.load %arg4[%get3A_538, %get3A_539, %get3A_540] : memref<16x512x128xf32, #tpu.memory_space<vmem>>, vector<1x512x128xf32>
    %get3A_542 = vector.shape_cast %get3A_541 : vector<1x512x128xf32> to vector<512x128xf32>
    %dot_general3A_543 = arith.constant dense<0.000000e+00> : vector<256x512xf32>
    %dot_general3A_544 = tpu.matmul %slice3A_537, %get3A_542, %dot_general3A_543 {dimension_numbers = #tpu.dot_dimension_numbers<[1], [1], [0], [0], [0, 0, 1, 0], [], []>, transpose_lhs_hint = false} : vector<256x128xf32>, vector<512x128xf32>, vector<256x512xf32> -> vector<256x512xf32>
    %mul3A_545 = vector.broadcast %div3A_42 : f32 to vector<256x512xf32>
    %mul3A_546 = arith.mulf %dot_general3A_544, %mul3A_545 : vector<256x512xf32>
    %swap3A_547 = arith.constant 0 : index
    %swap3A_548 = arith.constant 1536 : index
    %swap3A_549 = vector.load %arg13[%swap3A_547, %swap3A_548] : memref<256x8192xf32, #tpu.memory_space<vmem>>, vector<256x512xf32>
    tpu.vector_store %arg13[%swap3A_547, %swap3A_548], %mul3A_546 {strides = array<i32>} : memref<256x8192xf32, #tpu.memory_space<vmem>>, vector<256x512xf32>,
    %reduce_max3A_550 = arith.constant dense<0xFF800000> : vector<256xf32>
    %reduce_max3A_551 = vector.multi_reduction <maximumf>, %mul3A_546, %reduce_max3A_550 [1] : vector<256x512xf32> to vector<256xf32>
    %broadcast_in_dim3A_552 = vector.shape_cast %reduce_max3A_551 : vector<256xf32> to vector<256x1xf32>
    %eq3A_553 = vector.broadcast %broadcast_in_dim3A_552 : vector<256x1xf32> to vector<256x512xf32>
    %eq3A_554 = arith.cmpf oeq, %mul3A_546, %eq3A_553 : vector<256x512xf32>
    %jit3A_555 = arith.constant 512 : i32
    %broadcast_in_dim3A_556 = vector.broadcast %jit3A_555 : i32 to vector<256x512xi32>
    %select_n3A_557 = arith.select %eq3A_554, %iota3A, %broadcast_in_dim3A_556 : vector<256x512xi1>, vector<256x512xi32>
    %reduce_min3A_558 = arith.constant dense<2147483647> : vector<256xi32>
    %reduce_min3A_559 = vector.multi_reduction <minsi>, %select_n3A_557, %reduce_min3A_558 [1] : vector<256x512xi32> to vector<256xi32>
    %broadcast_in_dim3A_560 = vector.shape_cast %reduce_min3A_559 : vector<256xi32> to vector<256x1xi32>
    %eq3A_561 = vector.broadcast %broadcast_in_dim3A_560 : vector<256x1xi32> to vector<256x512xi32>
    %eq3A_562 = arith.cmpi eq, %iota3A, %eq3A_561 : vector<256x512xi32>
    %jit3A_563 = arith.constant 0xFF800000 : f32
    %broadcast_in_dim3A_564 = vector.broadcast %jit3A_563 : f32 to vector<256x512xf32>
    %select_n3A_565 = arith.select %eq3A_562, %broadcast_in_dim3A_564, %mul3A_546 : vector<256x512xi1>, vector<256x512xf32>
    %reduce_max3A_566 = arith.constant dense<0xFF800000> : vector<256xf32>
    %reduce_max3A_567 = vector.multi_reduction <maximumf>, %select_n3A_565, %reduce_max3A_566 [1] : vector<256x512xf32> to vector<256xf32>
    %broadcast_in_dim3A_568 = vector.shape_cast %reduce_max3A_567 : vector<256xf32> to vector<256x1xf32>
    %eq3A_569 = vector.broadcast %broadcast_in_dim3A_568 : vector<256x1xf32> to vector<256x512xf32>
    %eq3A_570 = arith.cmpf oeq, %select_n3A_565, %eq3A_569 : vector<256x512xf32>
    %jit3A_571 = arith.constant 512 : i32
    %broadcast_in_dim3A_572 = vector.broadcast %jit3A_571 : i32 to vector<256x512xi32>
    %select_n3A_573 = arith.select %eq3A_570, %iota3A, %broadcast_in_dim3A_572 : vector<256x512xi1>, vector<256x512xi32>
    %reduce_min3A_574 = arith.constant dense<2147483647> : vector<256xi32>
    %reduce_min3A_575 = vector.multi_reduction <minsi>, %select_n3A_573, %reduce_min3A_574 [1] : vector<256x512xi32> to vector<256xi32>
    %broadcast_in_dim3A_576 = vector.shape_cast %reduce_min3A_575 : vector<256xi32> to vector<256x1xi32>
    %eq3A_577 = vector.broadcast %broadcast_in_dim3A_576 : vector<256x1xi32> to vector<256x512xi32>
    %eq3A_578 = arith.cmpi eq, %iota3A, %eq3A_577 : vector<256x512xi32>
    %jit3A_579 = arith.constant 0xFF800000 : f32
    %broadcast_in_dim3A_580 = vector.broadcast %jit3A_579 : f32 to vector<256x512xf32>
    %select_n3A_581 = arith.select %eq3A_578, %broadcast_in_dim3A_580, %select_n3A_565 : vector<256x512xi1>, vector<256x512xf32>
    %reduce_max3A_582 = arith.constant dense<0xFF800000> : vector<256xf32>
    %reduce_max3A_583 = vector.multi_reduction <maximumf>, %select_n3A_581, %reduce_max3A_582 [1] : vector<256x512xf32> to vector<256xf32>
    %broadcast_in_dim3A_584 = vector.shape_cast %reduce_max3A_583 : vector<256xf32> to vector<256x1xf32>
    %eq3A_585 = vector.broadcast %broadcast_in_dim3A_584 : vector<256x1xf32> to vector<256x512xf32>
    %eq3A_586 = arith.cmpf oeq, %select_n3A_581, %eq3A_585 : vector<256x512xf32>
    %jit3A_587 = arith.constant 512 : i32
    %broadcast_in_dim3A_588 = vector.broadcast %jit3A_587 : i32 to vector<256x512xi32>
    %select_n3A_589 = arith.select %eq3A_586, %iota3A, %broadcast_in_dim3A_588 : vector<256x512xi1>, vector<256x512xi32>
    %reduce_min3A_590 = arith.constant dense<2147483647> : vector<256xi32>
    %reduce_min3A_591 = vector.multi_reduction <minsi>, %select_n3A_589, %reduce_min3A_590 [1] : vector<256x512xi32> to vector<256xi32>
    %broadcast_in_dim3A_592 = vector.shape_cast %reduce_min3A_591 : vector<256xi32> to vector<256x1xi32>
    %eq3A_593 = vector.broadcast %broadcast_in_dim3A_592 : vector<256x1xi32> to vector<256x512xi32>
    %eq3A_594 = arith.cmpi eq, %iota3A, %eq3A_593 : vector<256x512xi32>
    %jit3A_595 = arith.constant 0xFF800000 : f32
    %broadcast_in_dim3A_596 = vector.broadcast %jit3A_595 : f32 to vector<256x512xf32>
    %select_n3A_597 = arith.select %eq3A_594, %broadcast_in_dim3A_596, %select_n3A_581 : vector<256x512xi1>, vector<256x512xf32>
    %reduce_max3A_598 = arith.constant dense<0xFF800000> : vector<256xf32>
    %reduce_max3A_599 = vector.multi_reduction <maximumf>, %select_n3A_597, %reduce_max3A_598 [1] : vector<256x512xf32> to vector<256xf32>
    %broadcast_in_dim3A_600 = vector.shape_cast %reduce_max3A_599 : vector<256xf32> to vector<256x1xf32>
    %eq3A_601 = vector.broadcast %broadcast_in_dim3A_600 : vector<256x1xf32> to vector<256x512xf32>
    %eq3A_602 = arith.cmpf oeq, %select_n3A_597, %eq3A_601 : vector<256x512xf32>
    %jit3A_603 = arith.constant 512 : i32
    %broadcast_in_dim3A_604 = vector.broadcast %jit3A_603 : i32 to vector<256x512xi32>
    %select_n3A_605 = arith.select %eq3A_602, %iota3A, %broadcast_in_dim3A_604 : vector<256x512xi1>, vector<256x512xi32>
    %reduce_min3A_606 = arith.constant dense<2147483647> : vector<256xi32>
    %reduce_min3A_607 = vector.multi_reduction <minsi>, %select_n3A_605, %reduce_min3A_606 [1] : vector<256x512xi32> to vector<256xi32>
    %broadcast_in_dim3A_608 = vector.shape_cast %reduce_min3A_607 : vector<256xi32> to vector<256x1xi32>
    %eq3A_609 = vector.broadcast %broadcast_in_dim3A_608 : vector<256x1xi32> to vector<256x512xi32>
    %eq3A_610 = arith.cmpi eq, %iota3A, %eq3A_609 : vector<256x512xi32>
    %jit3A_611 = arith.constant 0xFF800000 : f32
    %broadcast_in_dim3A_612 = vector.broadcast %jit3A_611 : f32 to vector<256x512xf32>
    %select_n3A_613 = arith.select %eq3A_610, %broadcast_in_dim3A_612, %select_n3A_597 : vector<256x512xi1>, vector<256x512xf32>
    %reduce_max3A_614 = arith.constant dense<0xFF800000> : vector<256xf32>
    %reduce_max3A_615 = vector.multi_reduction <maximumf>, %select_n3A_613, %reduce_max3A_614 [1] : vector<256x512xf32> to vector<256xf32>
    %broadcast_in_dim3A_616 = vector.shape_cast %reduce_max3A_615 : vector<256xf32> to vector<256x1xf32>
    %eq3A_617 = vector.broadcast %broadcast_in_dim3A_616 : vector<256x1xf32> to vector<256x512xf32>
    %eq3A_618 = arith.cmpf oeq, %select_n3A_613, %eq3A_617 : vector<256x512xf32>
    %jit3A_619 = arith.constant 512 : i32
    %broadcast_in_dim3A_620 = vector.broadcast %jit3A_619 : i32 to vector<256x512xi32>
    %select_n3A_621 = arith.select %eq3A_618, %iota3A, %broadcast_in_dim3A_620 : vector<256x512xi1>, vector<256x512xi32>
    %reduce_min3A_622 = arith.constant dense<2147483647> : vector<256xi32>
    %reduce_min3A_623 = vector.multi_reduction <minsi>, %select_n3A_621, %reduce_min3A_622 [1] : vector<256x512xi32> to vector<256xi32>
    %broadcast_in_dim3A_624 = vector.shape_cast %reduce_min3A_623 : vector<256xi32> to vector<256x1xi32>
    %eq3A_625 = vector.broadcast %broadcast_in_dim3A_624 : vector<256x1xi32> to vector<256x512xi32>
    %eq3A_626 = arith.cmpi eq, %iota3A, %eq3A_625 : vector<256x512xi32>
    %jit3A_627 = arith.constant 0xFF800000 : f32
    %broadcast_in_dim3A_628 = vector.broadcast %jit3A_627 : f32 to vector<256x512xf32>
    %select_n3A_629 = arith.select %eq3A_626, %broadcast_in_dim3A_628, %select_n3A_613 : vector<256x512xi1>, vector<256x512xf32>
    %reduce_max3A_630 = arith.constant dense<0xFF800000> : vector<256xf32>
    %reduce_max3A_631 = vector.multi_reduction <maximumf>, %select_n3A_629, %reduce_max3A_630 [1] : vector<256x512xf32> to vector<256xf32>
    %broadcast_in_dim3A_632 = vector.shape_cast %reduce_max3A_631 : vector<256xf32> to vector<256x1xf32>
    %eq3A_633 = vector.broadcast %broadcast_in_dim3A_632 : vector<256x1xf32> to vector<256x512xf32>
    %eq3A_634 = arith.cmpf oeq, %select_n3A_629, %eq3A_633 : vector<256x512xf32>
    %jit3A_635 = arith.constant 512 : i32
    %broadcast_in_dim3A_636 = vector.broadcast %jit3A_635 : i32 to vector<256x512xi32>
    %select_n3A_637 = arith.select %eq3A_634, %iota3A, %broadcast_in_dim3A_636 : vector<256x512xi1>, vector<256x512xi32>
    %reduce_min3A_638 = arith.constant dense<2147483647> : vector<256xi32>
    %reduce_min3A_639 = vector.multi_reduction <minsi>, %select_n3A_637, %reduce_min3A_638 [1] : vector<256x512xi32> to vector<256xi32>
    %broadcast_in_dim3A_640 = vector.shape_cast %reduce_min3A_639 : vector<256xi32> to vector<256x1xi32>
    %eq3A_641 = vector.broadcast %broadcast_in_dim3A_640 : vector<256x1xi32> to vector<256x512xi32>
    %eq3A_642 = arith.cmpi eq, %iota3A, %eq3A_641 : vector<256x512xi32>
    %jit3A_643 = arith.constant 0xFF800000 : f32
    %broadcast_in_dim3A_644 = vector.broadcast %jit3A_643 : f32 to vector<256x512xf32>
    %select_n3A_645 = arith.select %eq3A_642, %broadcast_in_dim3A_644, %select_n3A_629 : vector<256x512xi1>, vector<256x512xf32>
    %reduce_max3A_646 = arith.constant dense<0xFF800000> : vector<256xf32>
    %reduce_max3A_647 = vector.multi_reduction <maximumf>, %select_n3A_645, %reduce_max3A_646 [1] : vector<256x512xf32> to vector<256xf32>
    %broadcast_in_dim3A_648 = vector.shape_cast %reduce_max3A_647 : vector<256xf32> to vector<256x1xf32>
    %eq3A_649 = vector.broadcast %broadcast_in_dim3A_648 : vector<256x1xf32> to vector<256x512xf32>
    %eq3A_650 = arith.cmpf oeq, %select_n3A_645, %eq3A_649 : vector<256x512xf32>
    %jit3A_651 = arith.constant 512 : i32
    %broadcast_in_dim3A_652 = vector.broadcast %jit3A_651 : i32 to vector<256x512xi32>
    %select_n3A_653 = arith.select %eq3A_650, %iota3A, %broadcast_in_dim3A_652 : vector<256x512xi1>, vector<256x512xi32>
    %reduce_min3A_654 = arith.constant dense<2147483647> : vector<256xi32>
    %reduce_min3A_655 = vector.multi_reduction <minsi>, %select_n3A_653, %reduce_min3A_654 [1] : vector<256x512xi32> to vector<256xi32>
    %broadcast_in_dim3A_656 = vector.shape_cast %reduce_min3A_655 : vector<256xi32> to vector<256x1xi32>
    %eq3A_657 = vector.broadcast %broadcast_in_dim3A_656 : vector<256x1xi32> to vector<256x512xi32>
    %eq3A_658 = arith.cmpi eq, %iota3A, %eq3A_657 : vector<256x512xi32>
    %jit3A_659 = arith.constant 0xFF800000 : f32
    %broadcast_in_dim3A_660 = vector.broadcast %jit3A_659 : f32 to vector<256x512xf32>
    %select_n3A_661 = arith.select %eq3A_658, %broadcast_in_dim3A_660, %select_n3A_645 : vector<256x512xi1>, vector<256x512xf32>
    %reduce_max3A_662 = arith.constant dense<0xFF800000> : vector<256xf32>
    %reduce_max3A_663 = vector.multi_reduction <maximumf>, %select_n3A_661, %reduce_max3A_662 [1] : vector<256x512xf32> to vector<256xf32>
    %broadcast_in_dim3A_664 = vector.shape_cast %reduce_max3A_663 : vector<256xf32> to vector<256x1xf32>
    %eq3A_665 = vector.broadcast %broadcast_in_dim3A_664 : vector<256x1xf32> to vector<256x512xf32>
    %eq3A_666 = arith.cmpf oeq, %select_n3A_661, %eq3A_665 : vector<256x512xf32>
    %jit3A_667 = arith.constant 512 : i32
    %broadcast_in_dim3A_668 = vector.broadcast %jit3A_667 : i32 to vector<256x512xi32>
    %select_n3A_669 = arith.select %eq3A_666, %iota3A, %broadcast_in_dim3A_668 : vector<256x512xi1>, vector<256x512xi32>
    %reduce_min3A_670 = arith.constant dense<2147483647> : vector<256xi32>
    %reduce_min3A_671 = vector.multi_reduction <minsi>, %select_n3A_669, %reduce_min3A_670 [1] : vector<256x512xi32> to vector<256xi32>
    %broadcast_in_dim3A_672 = vector.shape_cast %reduce_min3A_671 : vector<256xi32> to vector<256x1xi32>
    %eq3A_673 = vector.broadcast %broadcast_in_dim3A_672 : vector<256x1xi32> to vector<256x512xi32>
    %eq3A_674 = arith.cmpi eq, %iota3A, %eq3A_673 : vector<256x512xi32>
    %jit3A_675 = arith.constant 0xFF800000 : f32
    %broadcast_in_dim3A_676 = vector.broadcast %jit3A_675 : f32 to vector<256x512xf32>
    %select_n3A_677 = arith.select %eq3A_674, %broadcast_in_dim3A_676, %select_n3A_661 : vector<256x512xi1>, vector<256x512xf32>
    %concatenate3A_678 = tpu.concatenate %broadcast_in_dim3A_552, %broadcast_in_dim3A_568, %broadcast_in_dim3A_584, %broadcast_in_dim3A_600, %broadcast_in_dim3A_616, %broadcast_in_dim3A_632, %broadcast_in_dim3A_648, %broadcast_in_dim3A_664 in 1 : vector<256x1xf32>, vector<256x1xf32>, vector<256x1xf32>, vector<256x1xf32>, vector<256x1xf32>, vector<256x1xf32>, vector<256x1xf32>, vector<256x1xf32> -> vector<256x8xf32>
    %slice3A_679 = vector.extract_strided_slice %concatenate3A_678 {offsets = [0, 0], sizes = [256, 1], strides = [1, 1]} : vector<256x8xf32> to vector<256x1xf32>
    %sub3A_680 = vector.broadcast %slice3A_679 : vector<256x1xf32> to vector<256x8xf32>
    %sub3A_681 = arith.subf %concatenate3A_678, %sub3A_680 : vector<256x8xf32>
    %exp3A_682 = math.exp %sub3A_681 : vector<256x8xf32>
    %reduce_sum3A_683 = arith.constant dense<0.000000e+00> : vector<256xf32>
    %reduce_sum3A_684 = vector.multi_reduction <add>, %exp3A_682, %reduce_sum3A_683 [1] : vector<256x8xf32> to vector<256xf32>
    %broadcast_in_dim3A_685 = vector.shape_cast %reduce_sum3A_684 : vector<256xf32> to vector<256x1xf32>
    %eq3A_686 = arith.constant 0xFF800000 : f32
    %eq3A_687 = vector.broadcast %eq3A_686 : f32 to vector<256x512xf32>
    %eq3A_688 = arith.cmpf oeq, %select_n3A_677, %eq3A_687 : vector<256x512xf32>
    %sub3A_689 = vector.broadcast %slice3A_679 : vector<256x1xf32> to vector<256x512xf32>
    %sub3A_690 = arith.subf %mul3A_546, %sub3A_689 : vector<256x512xf32>
    %exp3A_691 = math.exp %sub3A_690 : vector<256x512xf32>
    %div3A_692 = vector.broadcast %broadcast_in_dim3A_685 : vector<256x1xf32> to vector<256x512xf32>
    %div3A_693 = arith.divf %exp3A_691, %div3A_692 : vector<256x512xf32>
    %jit3A_694 = arith.constant 0.000000e+00 : f32
    %broadcast_in_dim3A_695 = vector.broadcast %jit3A_694 : f32 to vector<256x512xf32>
    %select_n3A_696 = arith.select %eq3A_688, %div3A_693, %broadcast_in_dim3A_695 : vector<256x512xi1>, vector<256x512xf32>
    %convert_element_type3A_697 = arith.truncf %select_n3A_696 : vector<256x512xf32> to vector<256x512xbf16>
    %get3A_698 = arith.constant 3 : index
    %get3A_699 = arith.constant 0 : index
    %get3A_700 = arith.constant 0 : index
    %get3A_701 = vector.load %arg5[%get3A_698, %get3A_699, %get3A_700] : memref<16x512x128xbf16, #tpu.memory_space<vmem>>, vector<1x512x128xbf16>
    %get3A_702 = vector.shape_cast %get3A_701 : vector<1x512x128xbf16> to vector<512x128xbf16>
    %dot_general3A_703 = arith.constant dense<0.000000e+00> : vector<256x128xf32>
    %dot_general3A_704 = tpu.matmul %convert_element_type3A_697, %get3A_702, %dot_general3A_703 {dimension_numbers = #tpu.dot_dimension_numbers<[1], [0], [0], [1], [0, 0, 1, 1], [], []>, transpose_lhs_hint = false} : vector<256x512xbf16>, vector<512x128xbf16>, vector<256x128xf32> -> vector<256x128xf32>
    %slice3A_705 = vector.extract_strided_slice %add3A_34 {offsets = [0, 512], sizes = [256, 128], strides = [1, 1]} : vector<256x2048xf32> to vector<256x128xf32>
    %get3A_706 = arith.constant 4 : index
    %get3A_707 = arith.constant 0 : index
    %get3A_708 = arith.constant 0 : index
    %get3A_709 = vector.load %arg4[%get3A_706, %get3A_707, %get3A_708] : memref<16x512x128xf32, #tpu.memory_space<vmem>>, vector<1x512x128xf32>
    %get3A_710 = vector.shape_cast %get3A_709 : vector<1x512x128xf32> to vector<512x128xf32>
    %dot_general3A_711 = arith.constant dense<0.000000e+00> : vector<256x512xf32>
    %dot_general3A_712 = tpu.matmul %slice3A_705, %get3A_710, %dot_general3A_711 {dimension_numbers = #tpu.dot_dimension_numbers<[1], [1], [0], [0], [0, 0, 1, 0], [], []>, transpose_lhs_hint = false} : vector<256x128xf32>, vector<512x128xf32>, vector<256x512xf32> -> vector<256x512xf32>
    %mul3A_713 = vector.broadcast %div3A_42 : f32 to vector<256x512xf32>
    %mul3A_714 = arith.mulf %dot_general3A_712, %mul3A_713 : vector<256x512xf32>
    %swap3A_715 = arith.constant 0 : index
    %swap3A_716 = arith.constant 2048 : index
    %swap3A_717 = vector.load %arg13[%swap3A_715, %swap3A_716] : memref<256x8192xf32, #tpu.memory_space<vmem>>, vector<256x512xf32>
    tpu.vector_store %arg13[%swap3A_715, %swap3A_716], %mul3A_714 {strides = array<i32>} : memref<256x8192xf32, #tpu.memory_space<vmem>>, vector<256x512xf32>,
    %reduce_max3A_718 = arith.constant dense<0xFF800000> : vector<256xf32>
    %reduce_max3A_719 = vector.multi_reduction <maximumf>, %mul3A_714, %reduce_max3A_718 [1] : vector<256x512xf32> to vector<256xf32>
    %broadcast_in_dim3A_720 = vector.shape_cast %reduce_max3A_719 : vector<256xf32> to vector<256x1xf32>
    %eq3A_721 = vector.broadcast %broadcast_in_dim3A_720 : vector<256x1xf32> to vector<256x512xf32>
    %eq3A_722 = arith.cmpf oeq, %mul3A_714, %eq3A_721 : vector<256x512xf32>
    %jit3A_723 = arith.constant 512 : i32
    %broadcast_in_dim3A_724 = vector.broadcast %jit3A_723 : i32 to vector<256x512xi32>
    %select_n3A_725 = arith.select %eq3A_722, %iota3A, %broadcast_in_dim3A_724 : vector<256x512xi1>, vector<256x512xi32>
    %reduce_min3A_726 = arith.constant dense<2147483647> : vector<256xi32>
    %reduce_min3A_727 = vector.multi_reduction <minsi>, %select_n3A_725, %reduce_min3A_726 [1] : vector<256x512xi32> to vector<256xi32>
    %broadcast_in_dim3A_728 = vector.shape_cast %reduce_min3A_727 : vector<256xi32> to vector<256x1xi32>
    %eq3A_729 = vector.broadcast %broadcast_in_dim3A_728 : vector<256x1xi32> to vector<256x512xi32>
    %eq3A_730 = arith.cmpi eq, %iota3A, %eq3A_729 : vector<256x512xi32>
    %jit3A_731 = arith.constant 0xFF800000 : f32
    %broadcast_in_dim3A_732 = vector.broadcast %jit3A_731 : f32 to vector<256x512xf32>
    %select_n3A_733 = arith.select %eq3A_730, %broadcast_in_dim3A_732, %mul3A_714 : vector<256x512xi1>, vector<256x512xf32>
    %reduce_max3A_734 = arith.constant dense<0xFF800000> : vector<256xf32>
    %reduce_max3A_735 = vector.multi_reduction <maximumf>, %select_n3A_733, %reduce_max3A_734 [1] : vector<256x512xf32> to vector<256xf32>
    %broadcast_in_dim3A_736 = vector.shape_cast %reduce_max3A_735 : vector<256xf32> to vector<256x1xf32>
    %eq3A_737 = vector.broadcast %broadcast_in_dim3A_736 : vector<256x1xf32> to vector<256x512xf32>
    %eq3A_738 = arith.cmpf oeq, %select_n3A_733, %eq3A_737 : vector<256x512xf32>
    %jit3A_739 = arith.constant 512 : i32
    %broadcast_in_dim3A_740 = vector.broadcast %jit3A_739 : i32 to vector<256x512xi32>
    %select_n3A_741 = arith.select %eq3A_738, %iota3A, %broadcast_in_dim3A_740 : vector<256x512xi1>, vector<256x512xi32>
    %reduce_min3A_742 = arith.constant dense<2147483647> : vector<256xi32>
    %reduce_min3A_743 = vector.multi_reduction <minsi>, %select_n3A_741, %reduce_min3A_742 [1] : vector<256x512xi32> to vector<256xi32>
    %broadcast_in_dim3A_744 = vector.shape_cast %reduce_min3A_743 : vector<256xi32> to vector<256x1xi32>
    %eq3A_745 = vector.broadcast %broadcast_in_dim3A_744 : vector<256x1xi32> to vector<256x512xi32>
    %eq3A_746 = arith.cmpi eq, %iota3A, %eq3A_745 : vector<256x512xi32>
    %jit3A_747 = arith.constant 0xFF800000 : f32
    %broadcast_in_dim3A_748 = vector.broadcast %jit3A_747 : f32 to vector<256x512xf32>
    %select_n3A_749 = arith.select %eq3A_746, %broadcast_in_dim3A_748, %select_n3A_733 : vector<256x512xi1>, vector<256x512xf32>
    %reduce_max3A_750 = arith.constant dense<0xFF800000> : vector<256xf32>
    %reduce_max3A_751 = vector.multi_reduction <maximumf>, %select_n3A_749, %reduce_max3A_750 [1] : vector<256x512xf32> to vector<256xf32>
    %broadcast_in_dim3A_752 = vector.shape_cast %reduce_max3A_751 : vector<256xf32> to vector<256x1xf32>
    %eq3A_753 = vector.broadcast %broadcast_in_dim3A_752 : vector<256x1xf32> to vector<256x512xf32>
    %eq3A_754 = arith.cmpf oeq, %select_n3A_749, %eq3A_753 : vector<256x512xf32>
    %jit3A_755 = arith.constant 512 : i32
    %broadcast_in_dim3A_756 = vector.broadcast %jit3A_755 : i32 to vector<256x512xi32>
    %select_n3A_757 = arith.select %eq3A_754, %iota3A, %broadcast_in_dim3A_756 : vector<256x512xi1>, vector<256x512xi32>
    %reduce_min3A_758 = arith.constant dense<2147483647> : vector<256xi32>
    %reduce_min3A_759 = vector.multi_reduction <minsi>, %select_n3A_757, %reduce_min3A_758 [1] : vector<256x512xi32> to vector<256xi32>
    %broadcast_in_dim3A_760 = vector.shape_cast %reduce_min3A_759 : vector<256xi32> to vector<256x1xi32>
    %eq3A_761 = vector.broadcast %broadcast_in_dim3A_760 : vector<256x1xi32> to vector<256x512xi32>
    %eq3A_762 = arith.cmpi eq, %iota3A, %eq3A_761 : vector<256x512xi32>
    %jit3A_763 = arith.constant 0xFF800000 : f32
    %broadcast_in_dim3A_764 = vector.broadcast %jit3A_763 : f32 to vector<256x512xf32>
    %select_n3A_765 = arith.select %eq3A_762, %broadcast_in_dim3A_764, %select_n3A_749 : vector<256x512xi1>, vector<256x512xf32>
    %reduce_max3A_766 = arith.constant dense<0xFF800000> : vector<256xf32>
    %reduce_max3A_767 = vector.multi_reduction <maximumf>, %select_n3A_765, %reduce_max3A_766 [1] : vector<256x512xf32> to vector<256xf32>
    %broadcast_in_dim3A_768 = vector.shape_cast %reduce_max3A_767 : vector<256xf32> to vector<256x1xf32>
    %eq3A_769 = vector.broadcast %broadcast_in_dim3A_768 : vector<256x1xf32> to vector<256x512xf32>
    %eq3A_770 = arith.cmpf oeq, %select_n3A_765, %eq3A_769 : vector<256x512xf32>
    %jit3A_771 = arith.constant 512 : i32
    %broadcast_in_dim3A_772 = vector.broadcast %jit3A_771 : i32 to vector<256x512xi32>
    %select_n3A_773 = arith.select %eq3A_770, %iota3A, %broadcast_in_dim3A_772 : vector<256x512xi1>, vector<256x512xi32>
    %reduce_min3A_774 = arith.constant dense<2147483647> : vector<256xi32>
    %reduce_min3A_775 = vector.multi_reduction <minsi>, %select_n3A_773, %reduce_min3A_774 [1] : vector<256x512xi32> to vector<256xi32>
    %broadcast_in_dim3A_776 = vector.shape_cast %reduce_min3A_775 : vector<256xi32> to vector<256x1xi32>
    %eq3A_777 = vector.broadcast %broadcast_in_dim3A_776 : vector<256x1xi32> to vector<256x512xi32>
    %eq3A_778 = arith.cmpi eq, %iota3A, %eq3A_777 : vector<256x512xi32>
    %jit3A_779 = arith.constant 0xFF800000 : f32
    %broadcast_in_dim3A_780 = vector.broadcast %jit3A_779 : f32 to vector<256x512xf32>
    %select_n3A_781 = arith.select %eq3A_778, %broadcast_in_dim3A_780, %select_n3A_765 : vector<256x512xi1>, vector<256x512xf32>
    %reduce_max3A_782 = arith.constant dense<0xFF800000> : vector<256xf32>
    %reduce_max3A_783 = vector.multi_reduction <maximumf>, %select_n3A_781, %reduce_max3A_782 [1] : vector<256x512xf32> to vector<256xf32>
    %broadcast_in_dim3A_784 = vector.shape_cast %reduce_max3A_783 : vector<256xf32> to vector<256x1xf32>
    %eq3A_785 = vector.broadcast %broadcast_in_dim3A_784 : vector<256x1xf32> to vector<256x512xf32>
    %eq3A_786 = arith.cmpf oeq, %select_n3A_781, %eq3A_785 : vector<256x512xf32>
    %jit3A_787 = arith.constant 512 : i32
    %broadcast_in_dim3A_788 = vector.broadcast %jit3A_787 : i32 to vector<256x512xi32>
    %select_n3A_789 = arith.select %eq3A_786, %iota3A, %broadcast_in_dim3A_788 : vector<256x512xi1>, vector<256x512xi32>
    %reduce_min3A_790 = arith.constant dense<2147483647> : vector<256xi32>
    %reduce_min3A_791 = vector.multi_reduction <minsi>, %select_n3A_789, %reduce_min3A_790 [1] : vector<256x512xi32> to vector<256xi32>
    %broadcast_in_dim3A_792 = vector.shape_cast %reduce_min3A_791 : vector<256xi32> to vector<256x1xi32>
    %eq3A_793 = vector.broadcast %broadcast_in_dim3A_792 : vector<256x1xi32> to vector<256x512xi32>
    %eq3A_794 = arith.cmpi eq, %iota3A, %eq3A_793 : vector<256x512xi32>
    %jit3A_795 = arith.constant 0xFF800000 : f32
    %broadcast_in_dim3A_796 = vector.broadcast %jit3A_795 : f32 to vector<256x512xf32>
    %select_n3A_797 = arith.select %eq3A_794, %broadcast_in_dim3A_796, %select_n3A_781 : vector<256x512xi1>, vector<256x512xf32>
    %reduce_max3A_798 = arith.constant dense<0xFF800000> : vector<256xf32>
    %reduce_max3A_799 = vector.multi_reduction <maximumf>, %select_n3A_797, %reduce_max3A_798 [1] : vector<256x512xf32> to vector<256xf32>
    %broadcast_in_dim3A_800 = vector.shape_cast %reduce_max3A_799 : vector<256xf32> to vector<256x1xf32>
    %eq3A_801 = vector.broadcast %broadcast_in_dim3A_800 : vector<256x1xf32> to vector<256x512xf32>
    %eq3A_802 = arith.cmpf oeq, %select_n3A_797, %eq3A_801 : vector<256x512xf32>
    %jit3A_803 = arith.constant 512 : i32
    %broadcast_in_dim3A_804 = vector.broadcast %jit3A_803 : i32 to vector<256x512xi32>
    %select_n3A_805 = arith.select %eq3A_802, %iota3A, %broadcast_in_dim3A_804 : vector<256x512xi1>, vector<256x512xi32>
    %reduce_min3A_806 = arith.constant dense<2147483647> : vector<256xi32>
    %reduce_min3A_807 = vector.multi_reduction <minsi>, %select_n3A_805, %reduce_min3A_806 [1] : vector<256x512xi32> to vector<256xi32>
    %broadcast_in_dim3A_808 = vector.shape_cast %reduce_min3A_807 : vector<256xi32> to vector<256x1xi32>
    %eq3A_809 = vector.broadcast %broadcast_in_dim3A_808 : vector<256x1xi32> to vector<256x512xi32>
    %eq3A_810 = arith.cmpi eq, %iota3A, %eq3A_809 : vector<256x512xi32>
    %jit3A_811 = arith.constant 0xFF800000 : f32
    %broadcast_in_dim3A_812 = vector.broadcast %jit3A_811 : f32 to vector<256x512xf32>
    %select_n3A_813 = arith.select %eq3A_810, %broadcast_in_dim3A_812, %select_n3A_797 : vector<256x512xi1>, vector<256x512xf32>
    %reduce_max3A_814 = arith.constant dense<0xFF800000> : vector<256xf32>
    %reduce_max3A_815 = vector.multi_reduction <maximumf>, %select_n3A_813, %reduce_max3A_814 [1] : vector<256x512xf32> to vector<256xf32>
    %broadcast_in_dim3A_816 = vector.shape_cast %reduce_max3A_815 : vector<256xf32> to vector<256x1xf32>
    %eq3A_817 = vector.broadcast %broadcast_in_dim3A_816 : vector<256x1xf32> to vector<256x512xf32>
    %eq3A_818 = arith.cmpf oeq, %select_n3A_813, %eq3A_817 : vector<256x512xf32>
    %jit3A_819 = arith.constant 512 : i32
    %broadcast_in_dim3A_820 = vector.broadcast %jit3A_819 : i32 to vector<256x512xi32>
    %select_n3A_821 = arith.select %eq3A_818, %iota3A, %broadcast_in_dim3A_820 : vector<256x512xi1>, vector<256x512xi32>
    %reduce_min3A_822 = arith.constant dense<2147483647> : vector<256xi32>
    %reduce_min3A_823 = vector.multi_reduction <minsi>, %select_n3A_821, %reduce_min3A_822 [1] : vector<256x512xi32> to vector<256xi32>
    %broadcast_in_dim3A_824 = vector.shape_cast %reduce_min3A_823 : vector<256xi32> to vector<256x1xi32>
    %eq3A_825 = vector.broadcast %broadcast_in_dim3A_824 : vector<256x1xi32> to vector<256x512xi32>
    %eq3A_826 = arith.cmpi eq, %iota3A, %eq3A_825 : vector<256x512xi32>
    %jit3A_827 = arith.constant 0xFF800000 : f32
    %broadcast_in_dim3A_828 = vector.broadcast %jit3A_827 : f32 to vector<256x512xf32>
    %select_n3A_829 = arith.select %eq3A_826, %broadcast_in_dim3A_828, %select_n3A_813 : vector<256x512xi1>, vector<256x512xf32>
    %reduce_max3A_830 = arith.constant dense<0xFF800000> : vector<256xf32>
    %reduce_max3A_831 = vector.multi_reduction <maximumf>, %select_n3A_829, %reduce_max3A_830 [1] : vector<256x512xf32> to vector<256xf32>
    %broadcast_in_dim3A_832 = vector.shape_cast %reduce_max3A_831 : vector<256xf32> to vector<256x1xf32>
    %eq3A_833 = vector.broadcast %broadcast_in_dim3A_832 : vector<256x1xf32> to vector<256x512xf32>
    %eq3A_834 = arith.cmpf oeq, %select_n3A_829, %eq3A_833 : vector<256x512xf32>
    %jit3A_835 = arith.constant 512 : i32
    %broadcast_in_dim3A_836 = vector.broadcast %jit3A_835 : i32 to vector<256x512xi32>
    %select_n3A_837 = arith.select %eq3A_834, %iota3A, %broadcast_in_dim3A_836 : vector<256x512xi1>, vector<256x512xi32>
    %reduce_min3A_838 = arith.constant dense<2147483647> : vector<256xi32>
    %reduce_min3A_839 = vector.multi_reduction <minsi>, %select_n3A_837, %reduce_min3A_838 [1] : vector<256x512xi32> to vector<256xi32>
    %broadcast_in_dim3A_840 = vector.shape_cast %reduce_min3A_839 : vector<256xi32> to vector<256x1xi32>
    %eq3A_841 = vector.broadcast %broadcast_in_dim3A_840 : vector<256x1xi32> to vector<256x512xi32>
    %eq3A_842 = arith.cmpi eq, %iota3A, %eq3A_841 : vector<256x512xi32>
    %jit3A_843 = arith.constant 0xFF800000 : f32
    %broadcast_in_dim3A_844 = vector.broadcast %jit3A_843 : f32 to vector<256x512xf32>
    %select_n3A_845 = arith.select %eq3A_842, %broadcast_in_dim3A_844, %select_n3A_829 : vector<256x512xi1>, vector<256x512xf32>
    %concatenate3A_846 = tpu.concatenate %broadcast_in_dim3A_720, %broadcast_in_dim3A_736, %broadcast_in_dim3A_752, %broadcast_in_dim3A_768, %broadcast_in_dim3A_784, %broadcast_in_dim3A_800, %broadcast_in_dim3A_816, %broadcast_in_dim3A_832 in 1 : vector<256x1xf32>, vector<256x1xf32>, vector<256x1xf32>, vector<256x1xf32>, vector<256x1xf32>, vector<256x1xf32>, vector<256x1xf32>, vector<256x1xf32> -> vector<256x8xf32>
    %slice3A_847 = vector.extract_strided_slice %concatenate3A_846 {offsets = [0, 0], sizes = [256, 1], strides = [1, 1]} : vector<256x8xf32> to vector<256x1xf32>
    %sub3A_848 = vector.broadcast %slice3A_847 : vector<256x1xf32> to vector<256x8xf32>
    %sub3A_849 = arith.subf %concatenate3A_846, %sub3A_848 : vector<256x8xf32>
    %exp3A_850 = math.exp %sub3A_849 : vector<256x8xf32>
    %reduce_sum3A_851 = arith.constant dense<0.000000e+00> : vector<256xf32>
    %reduce_sum3A_852 = vector.multi_reduction <add>, %exp3A_850, %reduce_sum3A_851 [1] : vector<256x8xf32> to vector<256xf32>
    %broadcast_in_dim3A_853 = vector.shape_cast %reduce_sum3A_852 : vector<256xf32> to vector<256x1xf32>
    %eq3A_854 = arith.constant 0xFF800000 : f32
    %eq3A_855 = vector.broadcast %eq3A_854 : f32 to vector<256x512xf32>
    %eq3A_856 = arith.cmpf oeq, %select_n3A_845, %eq3A_855 : vector<256x512xf32>
    %sub3A_857 = vector.broadcast %slice3A_847 : vector<256x1xf32> to vector<256x512xf32>
    %sub3A_858 = arith.subf %mul3A_714, %sub3A_857 : vector<256x512xf32>
    %exp3A_859 = math.exp %sub3A_858 : vector<256x512xf32>
    %div3A_860 = vector.broadcast %broadcast_in_dim3A_853 : vector<256x1xf32> to vector<256x512xf32>
    %div3A_861 = arith.divf %exp3A_859, %div3A_860 : vector<256x512xf32>
    %jit3A_862 = arith.constant 0.000000e+00 : f32
    %broadcast_in_dim3A_863 = vector.broadcast %jit3A_862 : f32 to vector<256x512xf32>
    %select_n3A_864 = arith.select %eq3A_856, %div3A_861, %broadcast_in_dim3A_863 : vector<256x512xi1>, vector<256x512xf32>
    %convert_element_type3A_865 = arith.truncf %select_n3A_864 : vector<256x512xf32> to vector<256x512xbf16>
    %get3A_866 = arith.constant 4 : index
    %get3A_867 = arith.constant 0 : index
    %get3A_868 = arith.constant 0 : index
    %get3A_869 = vector.load %arg5[%get3A_866, %get3A_867, %get3A_868] : memref<16x512x128xbf16, #tpu.memory_space<vmem>>, vector<1x512x128xbf16>
    %get3A_870 = vector.shape_cast %get3A_869 : vector<1x512x128xbf16> to vector<512x128xbf16>
    %dot_general3A_871 = arith.constant dense<0.000000e+00> : vector<256x128xf32>
    %dot_general3A_872 = tpu.matmul %convert_element_type3A_865, %get3A_870, %dot_general3A_871 {dimension_numbers = #tpu.dot_dimension_numbers<[1], [0], [0], [1], [0, 0, 1, 1], [], []>, transpose_lhs_hint = false} : vector<256x512xbf16>, vector<512x128xbf16>, vector<256x128xf32> -> vector<256x128xf32>
    %slice3A_873 = vector.extract_strided_slice %add3A_34 {offsets = [0, 640], sizes = [256, 128], strides = [1, 1]} : vector<256x2048xf32> to vector<256x128xf32>
    %get3A_874 = arith.constant 5 : index
    %get3A_875 = arith.constant 0 : index
    %get3A_876 = arith.constant 0 : index
    %get3A_877 = vector.load %arg4[%get3A_874, %get3A_875, %get3A_876] : memref<16x512x128xf32, #tpu.memory_space<vmem>>, vector<1x512x128xf32>
    %get3A_878 = vector.shape_cast %get3A_877 : vector<1x512x128xf32> to vector<512x128xf32>
    %dot_general3A_879 = arith.constant dense<0.000000e+00> : vector<256x512xf32>
    %dot_general3A_880 = tpu.matmul %slice3A_873, %get3A_878, %dot_general3A_879 {dimension_numbers = #tpu.dot_dimension_numbers<[1], [1], [0], [0], [0, 0, 1, 0], [], []>, transpose_lhs_hint = false} : vector<256x128xf32>, vector<512x128xf32>, vector<256x512xf32> -> vector<256x512xf32>
    %mul3A_881 = vector.broadcast %div3A_42 : f32 to vector<256x512xf32>
    %mul3A_882 = arith.mulf %dot_general3A_880, %mul3A_881 : vector<256x512xf32>
    %swap3A_883 = arith.constant 0 : index
    %swap3A_884 = arith.constant 2560 : index
    %swap3A_885 = vector.load %arg13[%swap3A_883, %swap3A_884] : memref<256x8192xf32, #tpu.memory_space<vmem>>, vector<256x512xf32>
    tpu.vector_store %arg13[%swap3A_883, %swap3A_884], %mul3A_882 {strides = array<i32>} : memref<256x8192xf32, #tpu.memory_space<vmem>>, vector<256x512xf32>,
    %reduce_max3A_886 = arith.constant dense<0xFF800000> : vector<256xf32>
    %reduce_max3A_887 = vector.multi_reduction <maximumf>, %mul3A_882, %reduce_max3A_886 [1] : vector<256x512xf32> to vector<256xf32>
    %broadcast_in_dim3A_888 = vector.shape_cast %reduce_max3A_887 : vector<256xf32> to vector<256x1xf32>
    %eq3A_889 = vector.broadcast %broadcast_in_dim3A_888 : vector<256x1xf32> to vector<256x512xf32>
    %eq3A_890 = arith.cmpf oeq, %mul3A_882, %eq3A_889 : vector<256x512xf32>
    %jit3A_891 = arith.constant 512 : i32
    %broadcast_in_dim3A_892 = vector.broadcast %jit3A_891 : i32 to vector<256x512xi32>
    %select_n3A_893 = arith.select %eq3A_890, %iota3A, %broadcast_in_dim3A_892 : vector<256x512xi1>, vector<256x512xi32>
    %reduce_min3A_894 = arith.constant dense<2147483647> : vector<256xi32>
    %reduce_min3A_895 = vector.multi_reduction <minsi>, %select_n3A_893, %reduce_min3A_894 [1] : vector<256x512xi32> to vector<256xi32>
    %broadcast_in_dim3A_896 = vector.shape_cast %reduce_min3A_895 : vector<256xi32> to vector<256x1xi32>
    %eq3A_897 = vector.broadcast %broadcast_in_dim3A_896 : vector<256x1xi32> to vector<256x512xi32>
    %eq3A_898 = arith.cmpi eq, %iota3A, %eq3A_897 : vector<256x512xi32>
    %jit3A_899 = arith.constant 0xFF800000 : f32
    %broadcast_in_dim3A_900 = vector.broadcast %jit3A_899 : f32 to vector<256x512xf32>
    %select_n3A_901 = arith.select %eq3A_898, %broadcast_in_dim3A_900, %mul3A_882 : vector<256x512xi1>, vector<256x512xf32>
    %reduce_max3A_902 = arith.constant dense<0xFF800000> : vector<256xf32>
    %reduce_max3A_903 = vector.multi_reduction <maximumf>, %select_n3A_901, %reduce_max3A_902 [1] : vector<256x512xf32> to vector<256xf32>
    %broadcast_in_dim3A_904 = vector.shape_cast %reduce_max3A_903 : vector<256xf32> to vector<256x1xf32>
    %eq3A_905 = vector.broadcast %broadcast_in_dim3A_904 : vector<256x1xf32> to vector<256x512xf32>
    %eq3A_906 = arith.cmpf oeq, %select_n3A_901, %eq3A_905 : vector<256x512xf32>
    %jit3A_907 = arith.constant 512 : i32
    %broadcast_in_dim3A_908 = vector.broadcast %jit3A_907 : i32 to vector<256x512xi32>
    %select_n3A_909 = arith.select %eq3A_906, %iota3A, %broadcast_in_dim3A_908 : vector<256x512xi1>, vector<256x512xi32>
    %reduce_min3A_910 = arith.constant dense<2147483647> : vector<256xi32>
    %reduce_min3A_911 = vector.multi_reduction <minsi>, %select_n3A_909, %reduce_min3A_910 [1] : vector<256x512xi32> to vector<256xi32>
    %broadcast_in_dim3A_912 = vector.shape_cast %reduce_min3A_911 : vector<256xi32> to vector<256x1xi32>
    %eq3A_913 = vector.broadcast %broadcast_in_dim3A_912 : vector<256x1xi32> to vector<256x512xi32>
    %eq3A_914 = arith.cmpi eq, %iota3A, %eq3A_913 : vector<256x512xi32>
    %jit3A_915 = arith.constant 0xFF800000 : f32
    %broadcast_in_dim3A_916 = vector.broadcast %jit3A_915 : f32 to vector<256x512xf32>
    %select_n3A_917 = arith.select %eq3A_914, %broadcast_in_dim3A_916, %select_n3A_901 : vector<256x512xi1>, vector<256x512xf32>
    %reduce_max3A_918 = arith.constant dense<0xFF800000> : vector<256xf32>
    %reduce_max3A_919 = vector.multi_reduction <maximumf>, %select_n3A_917, %reduce_max3A_918 [1] : vector<256x512xf32> to vector<256xf32>
    %broadcast_in_dim3A_920 = vector.shape_cast %reduce_max3A_919 : vector<256xf32> to vector<256x1xf32>
    %eq3A_921 = vector.broadcast %broadcast_in_dim3A_920 : vector<256x1xf32> to vector<256x512xf32>
    %eq3A_922 = arith.cmpf oeq, %select_n3A_917, %eq3A_921 : vector<256x512xf32>
    %jit3A_923 = arith.constant 512 : i32
    %broadcast_in_dim3A_924 = vector.broadcast %jit3A_923 : i32 to vector<256x512xi32>
    %select_n3A_925 = arith.select %eq3A_922, %iota3A, %broadcast_in_dim3A_924 : vector<256x512xi1>, vector<256x512xi32>
    %reduce_min3A_926 = arith.constant dense<2147483647> : vector<256xi32>
    %reduce_min3A_927 = vector.multi_reduction <minsi>, %select_n3A_925, %reduce_min3A_926 [1] : vector<256x512xi32> to vector<256xi32>
    %broadcast_in_dim3A_928 = vector.shape_cast %reduce_min3A_927 : vector<256xi32> to vector<256x1xi32>
    %eq3A_929 = vector.broadcast %broadcast_in_dim3A_928 : vector<256x1xi32> to vector<256x512xi32>
    %eq3A_930 = arith.cmpi eq, %iota3A, %eq3A_929 : vector<256x512xi32>
    %jit3A_931 = arith.constant 0xFF800000 : f32
    %broadcast_in_dim3A_932 = vector.broadcast %jit3A_931 : f32 to vector<256x512xf32>
    %select_n3A_933 = arith.select %eq3A_930, %broadcast_in_dim3A_932, %select_n3A_917 : vector<256x512xi1>, vector<256x512xf32>
    %reduce_max3A_934 = arith.constant dense<0xFF800000> : vector<256xf32>
    %reduce_max3A_935 = vector.multi_reduction <maximumf>, %select_n3A_933, %reduce_max3A_934 [1] : vector<256x512xf32> to vector<256xf32>
    %broadcast_in_dim3A_936 = vector.shape_cast %reduce_max3A_935 : vector<256xf32> to vector<256x1xf32>
    %eq3A_937 = vector.broadcast %broadcast_in_dim3A_936 : vector<256x1xf32> to vector<256x512xf32>
    %eq3A_938 = arith.cmpf oeq, %select_n3A_933, %eq3A_937 : vector<256x512xf32>
    %jit3A_939 = arith.constant 512 : i32
    %broadcast_in_dim3A_940 = vector.broadcast %jit3A_939 : i32 to vector<256x512xi32>
    %select_n3A_941 = arith.select %eq3A_938, %iota3A, %broadcast_in_dim3A_940 : vector<256x512xi1>, vector<256x512xi32>
    %reduce_min3A_942 = arith.constant dense<2147483647> : vector<256xi32>
    %reduce_min3A_943 = vector.multi_reduction <minsi>, %select_n3A_941, %reduce_min3A_942 [1] : vector<256x512xi32> to vector<256xi32>
    %broadcast_in_dim3A_944 = vector.shape_cast %reduce_min3A_943 : vector<256xi32> to vector<256x1xi32>
    %eq3A_945 = vector.broadcast %broadcast_in_dim3A_944 : vector<256x1xi32> to vector<256x512xi32>
    %eq3A_946 = arith.cmpi eq, %iota3A, %eq3A_945 : vector<256x512xi32>
    %jit3A_947 = arith.constant 0xFF800000 : f32
    %broadcast_in_dim3A_948 = vector.broadcast %jit3A_947 : f32 to vector<256x512xf32>
    %select_n3A_949 = arith.select %eq3A_946, %broadcast_in_dim3A_948, %select_n3A_933 : vector<256x512xi1>, vector<256x512xf32>
    %reduce_max3A_950 = arith.constant dense<0xFF800000> : vector<256xf32>
    %reduce_max3A_951 = vector.multi_reduction <maximumf>, %select_n3A_949, %reduce_max3A_950 [1] : vector<256x512xf32> to vector<256xf32>
    %broadcast_in_dim3A_952 = vector.shape_cast %reduce_max3A_951 : vector<256xf32> to vector<256x1xf32>
    %eq3A_953 = vector.broadcast %broadcast_in_dim3A_952 : vector<256x1xf32> to vector<256x512xf32>
    %eq3A_954 = arith.cmpf oeq, %select_n3A_949, %eq3A_953 : vector<256x512xf32>
    %jit3A_955 = arith.constant 512 : i32
    %broadcast_in_dim3A_956 = vector.broadcast %jit3A_955 : i32 to vector<256x512xi32>
    %select_n3A_957 = arith.select %eq3A_954, %iota3A, %broadcast_in_dim3A_956 : vector<256x512xi1>, vector<256x512xi32>
    %reduce_min3A_958 = arith.constant dense<2147483647> : vector<256xi32>
    %reduce_min3A_959 = vector.multi_reduction <minsi>, %select_n3A_957, %reduce_min3A_958 [1] : vector<256x512xi32> to vector<256xi32>
    %broadcast_in_dim3A_960 = vector.shape_cast %reduce_min3A_959 : vector<256xi32> to vector<256x1xi32>
    %eq3A_961 = vector.broadcast %broadcast_in_dim3A_960 : vector<256x1xi32> to vector<256x512xi32>
    %eq3A_962 = arith.cmpi eq, %iota3A, %eq3A_961 : vector<256x512xi32>
    %jit3A_963 = arith.constant 0xFF800000 : f32
    %broadcast_in_dim3A_964 = vector.broadcast %jit3A_963 : f32 to vector<256x512xf32>
    %select_n3A_965 = arith.select %eq3A_962, %broadcast_in_dim3A_964, %select_n3A_949 : vector<256x512xi1>, vector<256x512xf32>
    %reduce_max3A_966 = arith.constant dense<0xFF800000> : vector<256xf32>
    %reduce_max3A_967 = vector.multi_reduction <maximumf>, %select_n3A_965, %reduce_max3A_966 [1] : vector<256x512xf32> to vector<256xf32>
    %broadcast_in_dim3A_968 = vector.shape_cast %reduce_max3A_967 : vector<256xf32> to vector<256x1xf32>
    %eq3A_969 = vector.broadcast %broadcast_in_dim3A_968 : vector<256x1xf32> to vector<256x512xf32>
    %eq3A_970 = arith.cmpf oeq, %select_n3A_965, %eq3A_969 : vector<256x512xf32>
    %jit3A_971 = arith.constant 512 : i32
    %broadcast_in_dim3A_972 = vector.broadcast %jit3A_971 : i32 to vector<256x512xi32>
    %select_n3A_973 = arith.select %eq3A_970, %iota3A, %broadcast_in_dim3A_972 : vector<256x512xi1>, vector<256x512xi32>
    %reduce_min3A_974 = arith.constant dense<2147483647> : vector<256xi32>
    %reduce_min3A_975 = vector.multi_reduction <minsi>, %select_n3A_973, %reduce_min3A_974 [1] : vector<256x512xi32> to vector<256xi32>
    %broadcast_in_dim3A_976 = vector.shape_cast %reduce_min3A_975 : vector<256xi32> to vector<256x1xi32>
    %eq3A_977 = vector.broadcast %broadcast_in_dim3A_976 : vector<256x1xi32> to vector<256x512xi32>
    %eq3A_978 = arith.cmpi eq, %iota3A, %eq3A_977 : vector<256x512xi32>
    %jit3A_979 = arith.constant 0xFF800000 : f32
    %broadcast_in_dim3A_980 = vector.broadcast %jit3A_979 : f32 to vector<256x512xf32>
    %select_n3A_981 = arith.select %eq3A_978, %broadcast_in_dim3A_980, %select_n3A_965 : vector<256x512xi1>, vector<256x512xf32>
    %reduce_max3A_982 = arith.constant dense<0xFF800000> : vector<256xf32>
    %reduce_max3A_983 = vector.multi_reduction <maximumf>, %select_n3A_981, %reduce_max3A_982 [1] : vector<256x512xf32> to vector<256xf32>
    %broadcast_in_dim3A_984 = vector.shape_cast %reduce_max3A_983 : vector<256xf32> to vector<256x1xf32>
    %eq3A_985 = vector.broadcast %broadcast_in_dim3A_984 : vector<256x1xf32> to vector<256x512xf32>
    %eq3A_986 = arith.cmpf oeq, %select_n3A_981, %eq3A_985 : vector<256x512xf32>
    %jit3A_987 = arith.constant 512 : i32
    %broadcast_in_dim3A_988 = vector.broadcast %jit3A_987 : i32 to vector<256x512xi32>
    %select_n3A_989 = arith.select %eq3A_986, %iota3A, %broadcast_in_dim3A_988 : vector<256x512xi1>, vector<256x512xi32>
    %reduce_min3A_990 = arith.constant dense<2147483647> : vector<256xi32>
    %reduce_min3A_991 = vector.multi_reduction <minsi>, %select_n3A_989, %reduce_min3A_990 [1] : vector<256x512xi32> to vector<256xi32>
    %broadcast_in_dim3A_992 = vector.shape_cast %reduce_min3A_991 : vector<256xi32> to vector<256x1xi32>
    %eq3A_993 = vector.broadcast %broadcast_in_dim3A_992 : vector<256x1xi32> to vector<256x512xi32>
    %eq3A_994 = arith.cmpi eq, %iota3A, %eq3A_993 : vector<256x512xi32>
    %jit3A_995 = arith.constant 0xFF800000 : f32
    %broadcast_in_dim3A_996 = vector.broadcast %jit3A_995 : f32 to vector<256x512xf32>
    %select_n3A_997 = arith.select %eq3A_994, %broadcast_in_dim3A_996, %select_n3A_981 : vector<256x512xi1>, vector<256x512xf32>
    %reduce_max3A_998 = arith.constant dense<0xFF800000> : vector<256xf32>
    %reduce_max3A_999 = vector.multi_reduction <maximumf>, %select_n3A_997, %reduce_max3A_998 [1] : vector<256x512xf32> to vector<256xf32>
    %broadcast_in_dim3A_1000 = vector.shape_cast %reduce_max3A_999 : vector<256xf32> to vector<256x1xf32>
    %eq3A_1001 = vector.broadcast %broadcast_in_dim3A_1000 : vector<256x1xf32> to vector<256x512xf32>
    %eq3A_1002 = arith.cmpf oeq, %select_n3A_997, %eq3A_1001 : vector<256x512xf32>
    %jit3A_1003 = arith.constant 512 : i32
    %broadcast_in_dim3A_1004 = vector.broadcast %jit3A_1003 : i32 to vector<256x512xi32>
    %select_n3A_1005 = arith.select %eq3A_1002, %iota3A, %broadcast_in_dim3A_1004 : vector<256x512xi1>, vector<256x512xi32>
    %reduce_min3A_1006 = arith.constant dense<2147483647> : vector<256xi32>
    %reduce_min3A_1007 = vector.multi_reduction <minsi>, %select_n3A_1005, %reduce_min3A_1006 [1] : vector<256x512xi32> to vector<256xi32>
    %broadcast_in_dim3A_1008 = vector.shape_cast %reduce_min3A_1007 : vector<256xi32> to vector<256x1xi32>
    %eq3A_1009 = vector.broadcast %broadcast_in_dim3A_1008 : vector<256x1xi32> to vector<256x512xi32>
    %eq3A_1010 = arith.cmpi eq, %iota3A, %eq3A_1009 : vector<256x512xi32>
    %jit3A_1011 = arith.constant 0xFF800000 : f32
    %broadcast_in_dim3A_1012 = vector.broadcast %jit3A_1011 : f32 to vector<256x512xf32>
    %select_n3A_1013 = arith.select %eq3A_1010, %broadcast_in_dim3A_1012, %select_n3A_997 : vector<256x512xi1>, vector<256x512xf32>
    %concatenate3A_1014 = tpu.concatenate %broadcast_in_dim3A_888, %broadcast_in_dim3A_904, %broadcast_in_dim3A_920, %broadcast_in_dim3A_936, %broadcast_in_dim3A_952, %broadcast_in_dim3A_968, %broadcast_in_dim3A_984, %broadcast_in_dim3A_1000 in 1 : vector<256x1xf32>, vector<256x1xf32>, vector<256x1xf32>, vector<256x1xf32>, vector<256x1xf32>, vector<256x1xf32>, vector<256x1xf32>, vector<256x1xf32> -> vector<256x8xf32>
    %slice3A_1015 = vector.extract_strided_slice %concatenate3A_1014 {offsets = [0, 0], sizes = [256, 1], strides = [1, 1]} : vector<256x8xf32> to vector<256x1xf32>
    %sub3A_1016 = vector.broadcast %slice3A_1015 : vector<256x1xf32> to vector<256x8xf32>
    %sub3A_1017 = arith.subf %concatenate3A_1014, %sub3A_1016 : vector<256x8xf32>
    %exp3A_1018 = math.exp %sub3A_1017 : vector<256x8xf32>
    %reduce_sum3A_1019 = arith.constant dense<0.000000e+00> : vector<256xf32>
    %reduce_sum3A_1020 = vector.multi_reduction <add>, %exp3A_1018, %reduce_sum3A_1019 [1] : vector<256x8xf32> to vector<256xf32>
    %broadcast_in_dim3A_1021 = vector.shape_cast %reduce_sum3A_1020 : vector<256xf32> to vector<256x1xf32>
    %eq3A_1022 = arith.constant 0xFF800000 : f32
    %eq3A_1023 = vector.broadcast %eq3A_1022 : f32 to vector<256x512xf32>
    %eq3A_1024 = arith.cmpf oeq, %select_n3A_1013, %eq3A_1023 : vector<256x512xf32>
    %sub3A_1025 = vector.broadcast %slice3A_1015 : vector<256x1xf32> to vector<256x512xf32>
    %sub3A_1026 = arith.subf %mul3A_882, %sub3A_1025 : vector<256x512xf32>
    %exp3A_1027 = math.exp %sub3A_1026 : vector<256x512xf32>
    %div3A_1028 = vector.broadcast %broadcast_in_dim3A_1021 : vector<256x1xf32> to vector<256x512xf32>
    %div3A_1029 = arith.divf %exp3A_1027, %div3A_1028 : vector<256x512xf32>
    %jit3A_1030 = arith.constant 0.000000e+00 : f32
    %broadcast_in_dim3A_1031 = vector.broadcast %jit3A_1030 : f32 to vector<256x512xf32>
    %select_n3A_1032 = arith.select %eq3A_1024, %div3A_1029, %broadcast_in_dim3A_1031 : vector<256x512xi1>, vector<256x512xf32>
    %convert_element_type3A_1033 = arith.truncf %select_n3A_1032 : vector<256x512xf32> to vector<256x512xbf16>
    %get3A_1034 = arith.constant 5 : index
    %get3A_1035 = arith.constant 0 : index
    %get3A_1036 = arith.constant 0 : index
    %get3A_1037 = vector.load %arg5[%get3A_1034, %get3A_1035, %get3A_1036] : memref<16x512x128xbf16, #tpu.memory_space<vmem>>, vector<1x512x128xbf16>
    %get3A_1038 = vector.shape_cast %get3A_1037 : vector<1x512x128xbf16> to vector<512x128xbf16>
    %dot_general3A_1039 = arith.constant dense<0.000000e+00> : vector<256x128xf32>
    %dot_general3A_1040 = tpu.matmul %convert_element_type3A_1033, %get3A_1038, %dot_general3A_1039 {dimension_numbers = #tpu.dot_dimension_numbers<[1], [0], [0], [1], [0, 0, 1, 1], [], []>, transpose_lhs_hint = false} : vector<256x512xbf16>, vector<512x128xbf16>, vector<256x128xf32> -> vector<256x128xf32>
    %slice3A_1041 = vector.extract_strided_slice %add3A_34 {offsets = [0, 768], sizes = [256, 128], strides = [1, 1]} : vector<256x2048xf32> to vector<256x128xf32>
    %get3A_1042 = arith.constant 6 : index
    %get3A_1043 = arith.constant 0 : index
    %get3A_1044 = arith.constant 0 : index
    %get3A_1045 = vector.load %arg4[%get3A_1042, %get3A_1043, %get3A_1044] : memref<16x512x128xf32, #tpu.memory_space<vmem>>, vector<1x512x128xf32>
    %get3A_1046 = vector.shape_cast %get3A_1045 : vector<1x512x128xf32> to vector<512x128xf32>
    %dot_general3A_1047 = arith.constant dense<0.000000e+00> : vector<256x512xf32>
    %dot_general3A_1048 = tpu.matmul %slice3A_1041, %get3A_1046, %dot_general3A_1047 {dimension_numbers = #tpu.dot_dimension_numbers<[1], [1], [0], [0], [0, 0, 1, 0], [], []>, transpose_lhs_hint = false} : vector<256x128xf32>, vector<512x128xf32>, vector<256x512xf32> -> vector<256x512xf32>
    %mul3A_1049 = vector.broadcast %div3A_42 : f32 to vector<256x512xf32>
    %mul3A_1050 = arith.mulf %dot_general3A_1048, %mul3A_1049 : vector<256x512xf32>
    %swap3A_1051 = arith.constant 0 : index
    %swap3A_1052 = arith.constant 3072 : index
    %swap3A_1053 = vector.load %arg13[%swap3A_1051, %swap3A_1052] : memref<256x8192xf32, #tpu.memory_space<vmem>>, vector<256x512xf32>
    tpu.vector_store %arg13[%swap3A_1051, %swap3A_1052], %mul3A_1050 {strides = array<i32>} : memref<256x8192xf32, #tpu.memory_space<vmem>>, vector<256x512xf32>,
    %reduce_max3A_1054 = arith.constant dense<0xFF800000> : vector<256xf32>
    %reduce_max3A_1055 = vector.multi_reduction <maximumf>, %mul3A_1050, %reduce_max3A_1054 [1] : vector<256x512xf32> to vector<256xf32>
    %broadcast_in_dim3A_1056 = vector.shape_cast %reduce_max3A_1055 : vector<256xf32> to vector<256x1xf32>
    %eq3A_1057 = vector.broadcast %broadcast_in_dim3A_1056 : vector<256x1xf32> to vector<256x512xf32>
    %eq3A_1058 = arith.cmpf oeq, %mul3A_1050, %eq3A_1057 : vector<256x512xf32>
    %jit3A_1059 = arith.constant 512 : i32
    %broadcast_in_dim3A_1060 = vector.broadcast %jit3A_1059 : i32 to vector<256x512xi32>
    %select_n3A_1061 = arith.select %eq3A_1058, %iota3A, %broadcast_in_dim3A_1060 : vector<256x512xi1>, vector<256x512xi32>
    %reduce_min3A_1062 = arith.constant dense<2147483647> : vector<256xi32>
    %reduce_min3A_1063 = vector.multi_reduction <minsi>, %select_n3A_1061, %reduce_min3A_1062 [1] : vector<256x512xi32> to vector<256xi32>
    %broadcast_in_dim3A_1064 = vector.shape_cast %reduce_min3A_1063 : vector<256xi32> to vector<256x1xi32>
    %eq3A_1065 = vector.broadcast %broadcast_in_dim3A_1064 : vector<256x1xi32> to vector<256x512xi32>
    %eq3A_1066 = arith.cmpi eq, %iota3A, %eq3A_1065 : vector<256x512xi32>
    %jit3A_1067 = arith.constant 0xFF800000 : f32
    %broadcast_in_dim3A_1068 = vector.broadcast %jit3A_1067 : f32 to vector<256x512xf32>
    %select_n3A_1069 = arith.select %eq3A_1066, %broadcast_in_dim3A_1068, %mul3A_1050 : vector<256x512xi1>, vector<256x512xf32>
    %reduce_max3A_1070 = arith.constant dense<0xFF800000> : vector<256xf32>
    %reduce_max3A_1071 = vector.multi_reduction <maximumf>, %select_n3A_1069, %reduce_max3A_1070 [1] : vector<256x512xf32> to vector<256xf32>
    %broadcast_in_dim3A_1072 = vector.shape_cast %reduce_max3A_1071 : vector<256xf32> to vector<256x1xf32>
    %eq3A_1073 = vector.broadcast %broadcast_in_dim3A_1072 : vector<256x1xf32> to vector<256x512xf32>
    %eq3A_1074 = arith.cmpf oeq, %select_n3A_1069, %eq3A_1073 : vector<256x512xf32>
    %jit3A_1075 = arith.constant 512 : i32
    %broadcast_in_dim3A_1076 = vector.broadcast %jit3A_1075 : i32 to vector<256x512xi32>
    %select_n3A_1077 = arith.select %eq3A_1074, %iota3A, %broadcast_in_dim3A_1076 : vector<256x512xi1>, vector<256x512xi32>
    %reduce_min3A_1078 = arith.constant dense<2147483647> : vector<256xi32>
    %reduce_min3A_1079 = vector.multi_reduction <minsi>, %select_n3A_1077, %reduce_min3A_1078 [1] : vector<256x512xi32> to vector<256xi32>
    %broadcast_in_dim3A_1080 = vector.shape_cast %reduce_min3A_1079 : vector<256xi32> to vector<256x1xi32>
    %eq3A_1081 = vector.broadcast %broadcast_in_dim3A_1080 : vector<256x1xi32> to vector<256x512xi32>
    %eq3A_1082 = arith.cmpi eq, %iota3A, %eq3A_1081 : vector<256x512xi32>
    %jit3A_1083 = arith.constant 0xFF800000 : f32
    %broadcast_in_dim3A_1084 = vector.broadcast %jit3A_1083 : f32 to vector<256x512xf32>
    %select_n3A_1085 = arith.select %eq3A_1082, %broadcast_in_dim3A_1084, %select_n3A_1069 : vector<256x512xi1>, vector<256x512xf32>
    %reduce_max3A_1086 = arith.constant dense<0xFF800000> : vector<256xf32>
    %reduce_max3A_1087 = vector.multi_reduction <maximumf>, %select_n3A_1085, %reduce_max3A_1086 [1] : vector<256x512xf32> to vector<256xf32>
    %broadcast_in_dim3A_1088 = vector.shape_cast %reduce_max3A_1087 : vector<256xf32> to vector<256x1xf32>
    %eq3A_1089 = vector.broadcast %broadcast_in_dim3A_1088 : vector<256x1xf32> to vector<256x512xf32>
    %eq3A_1090 = arith.cmpf oeq, %select_n3A_1085, %eq3A_1089 : vector<256x512xf32>
    %jit3A_1091 = arith.constant 512 : i32
    %broadcast_in_dim3A_1092 = vector.broadcast %jit3A_1091 : i32 to vector<256x512xi32>
    %select_n3A_1093 = arith.select %eq3A_1090, %iota3A, %broadcast_in_dim3A_1092 : vector<256x512xi1>, vector<256x512xi32>
    %reduce_min3A_1094 = arith.constant dense<2147483647> : vector<256xi32>
    %reduce_min3A_1095 = vector.multi_reduction <minsi>, %select_n3A_1093, %reduce_min3A_1094 [1] : vector<256x512xi32> to vector<256xi32>
    %broadcast_in_dim3A_1096 = vector.shape_cast %reduce_min3A_1095 : vector<256xi32> to vector<256x1xi32>
    %eq3A_1097 = vector.broadcast %broadcast_in_dim3A_1096 : vector<256x1xi32> to vector<256x512xi32>
    %eq3A_1098 = arith.cmpi eq, %iota3A, %eq3A_1097 : vector<256x512xi32>
    %jit3A_1099 = arith.constant 0xFF800000 : f32
    %broadcast_in_dim3A_1100 = vector.broadcast %jit3A_1099 : f32 to vector<256x512xf32>
    %select_n3A_1101 = arith.select %eq3A_1098, %broadcast_in_dim3A_1100, %select_n3A_1085 : vector<256x512xi1>, vector<256x512xf32>
    %reduce_max3A_1102 = arith.constant dense<0xFF800000> : vector<256xf32>
    %reduce_max3A_1103 = vector.multi_reduction <maximumf>, %select_n3A_1101, %reduce_max3A_1102 [1] : vector<256x512xf32> to vector<256xf32>
    %broadcast_in_dim3A_1104 = vector.shape_cast %reduce_max3A_1103 : vector<256xf32> to vector<256x1xf32>
    %eq3A_1105 = vector.broadcast %broadcast_in_dim3A_1104 : vector<256x1xf32> to vector<256x512xf32>
    %eq3A_1106 = arith.cmpf oeq, %select_n3A_1101, %eq3A_1105 : vector<256x512xf32>
    %jit3A_1107 = arith.constant 512 : i32
    %broadcast_in_dim3A_1108 = vector.broadcast %jit3A_1107 : i32 to vector<256x512xi32>
    %select_n3A_1109 = arith.select %eq3A_1106, %iota3A, %broadcast_in_dim3A_1108 : vector<256x512xi1>, vector<256x512xi32>
    %reduce_min3A_1110 = arith.constant dense<2147483647> : vector<256xi32>
    %reduce_min3A_1111 = vector.multi_reduction <minsi>, %select_n3A_1109, %reduce_min3A_1110 [1] : vector<256x512xi32> to vector<256xi32>
    %broadcast_in_dim3A_1112 = vector.shape_cast %reduce_min3A_1111 : vector<256xi32> to vector<256x1xi32>
    %eq3A_1113 = vector.broadcast %broadcast_in_dim3A_1112 : vector<256x1xi32> to vector<256x512xi32>
    %eq3A_1114 = arith.cmpi eq, %iota3A, %eq3A_1113 : vector<256x512xi32>
    %jit3A_1115 = arith.constant 0xFF800000 : f32
    %broadcast_in_dim3A_1116 = vector.broadcast %jit3A_1115 : f32 to vector<256x512xf32>
    %select_n3A_1117 = arith.select %eq3A_1114, %broadcast_in_dim3A_1116, %select_n3A_1101 : vector<256x512xi1>, vector<256x512xf32>
    %reduce_max3A_1118 = arith.constant dense<0xFF800000> : vector<256xf32>
    %reduce_max3A_1119 = vector.multi_reduction <maximumf>, %select_n3A_1117, %reduce_max3A_1118 [1] : vector<256x512xf32> to vector<256xf32>
    %broadcast_in_dim3A_1120 = vector.shape_cast %reduce_max3A_1119 : vector<256xf32> to vector<256x1xf32>
    %eq3A_1121 = vector.broadcast %broadcast_in_dim3A_1120 : vector<256x1xf32> to vector<256x512xf32>
    %eq3A_1122 = arith.cmpf oeq, %select_n3A_1117, %eq3A_1121 : vector<256x512xf32>
    %jit3A_1123 = arith.constant 512 : i32
    %broadcast_in_dim3A_1124 = vector.broadcast %jit3A_1123 : i32 to vector<256x512xi32>
    %select_n3A_1125 = arith.select %eq3A_1122, %iota3A, %broadcast_in_dim3A_1124 : vector<256x512xi1>, vector<256x512xi32>
    %reduce_min3A_1126 = arith.constant dense<2147483647> : vector<256xi32>
    %reduce_min3A_1127 = vector.multi_reduction <minsi>, %select_n3A_1125, %reduce_min3A_1126 [1] : vector<256x512xi32> to vector<256xi32>
    %broadcast_in_dim3A_1128 = vector.shape_cast %reduce_min3A_1127 : vector<256xi32> to vector<256x1xi32>
    %eq3A_1129 = vector.broadcast %broadcast_in_dim3A_1128 : vector<256x1xi32> to vector<256x512xi32>
    %eq3A_1130 = arith.cmpi eq, %iota3A, %eq3A_1129 : vector<256x512xi32>
    %jit3A_1131 = arith.constant 0xFF800000 : f32
    %broadcast_in_dim3A_1132 = vector.broadcast %jit3A_1131 : f32 to vector<256x512xf32>
    %select_n3A_1133 = arith.select %eq3A_1130, %broadcast_in_dim3A_1132, %select_n3A_1117 : vector<256x512xi1>, vector<256x512xf32>
    %reduce_max3A_1134 = arith.constant dense<0xFF800000> : vector<256xf32>
    %reduce_max3A_1135 = vector.multi_reduction <maximumf>, %select_n3A_1133, %reduce_max3A_1134 [1] : vector<256x512xf32> to vector<256xf32>
    %broadcast_in_dim3A_1136 = vector.shape_cast %reduce_max3A_1135 : vector<256xf32> to vector<256x1xf32>
    %eq3A_1137 = vector.broadcast %broadcast_in_dim3A_1136 : vector<256x1xf32> to vector<256x512xf32>
    %eq3A_1138 = arith.cmpf oeq, %select_n3A_1133, %eq3A_1137 : vector<256x512xf32>
    %jit3A_1139 = arith.constant 512 : i32
    %broadcast_in_dim3A_1140 = vector.broadcast %jit3A_1139 : i32 to vector<256x512xi32>
    %select_n3A_1141 = arith.select %eq3A_1138, %iota3A, %broadcast_in_dim3A_1140 : vector<256x512xi1>, vector<256x512xi32>
    %reduce_min3A_1142 = arith.constant dense<2147483647> : vector<256xi32>
    %reduce_min3A_1143 = vector.multi_reduction <minsi>, %select_n3A_1141, %reduce_min3A_1142 [1] : vector<256x512xi32> to vector<256xi32>
    %broadcast_in_dim3A_1144 = vector.shape_cast %reduce_min3A_1143 : vector<256xi32> to vector<256x1xi32>
    %eq3A_1145 = vector.broadcast %broadcast_in_dim3A_1144 : vector<256x1xi32> to vector<256x512xi32>
    %eq3A_1146 = arith.cmpi eq, %iota3A, %eq3A_1145 : vector<256x512xi32>
    %jit3A_1147 = arith.constant 0xFF800000 : f32
    %broadcast_in_dim3A_1148 = vector.broadcast %jit3A_1147 : f32 to vector<256x512xf32>
    %select_n3A_1149 = arith.select %eq3A_1146, %broadcast_in_dim3A_1148, %select_n3A_1133 : vector<256x512xi1>, vector<256x512xf32>
    %reduce_max3A_1150 = arith.constant dense<0xFF800000> : vector<256xf32>
    %reduce_max3A_1151 = vector.multi_reduction <maximumf>, %select_n3A_1149, %reduce_max3A_1150 [1] : vector<256x512xf32> to vector<256xf32>
    %broadcast_in_dim3A_1152 = vector.shape_cast %reduce_max3A_1151 : vector<256xf32> to vector<256x1xf32>
    %eq3A_1153 = vector.broadcast %broadcast_in_dim3A_1152 : vector<256x1xf32> to vector<256x512xf32>
    %eq3A_1154 = arith.cmpf oeq, %select_n3A_1149, %eq3A_1153 : vector<256x512xf32>
    %jit3A_1155 = arith.constant 512 : i32
    %broadcast_in_dim3A_1156 = vector.broadcast %jit3A_1155 : i32 to vector<256x512xi32>
    %select_n3A_1157 = arith.select %eq3A_1154, %iota3A, %broadcast_in_dim3A_1156 : vector<256x512xi1>, vector<256x512xi32>
    %reduce_min3A_1158 = arith.constant dense<2147483647> : vector<256xi32>
    %reduce_min3A_1159 = vector.multi_reduction <minsi>, %select_n3A_1157, %reduce_min3A_1158 [1] : vector<256x512xi32> to vector<256xi32>
    %broadcast_in_dim3A_1160 = vector.shape_cast %reduce_min3A_1159 : vector<256xi32> to vector<256x1xi32>
    %eq3A_1161 = vector.broadcast %broadcast_in_dim3A_1160 : vector<256x1xi32> to vector<256x512xi32>
    %eq3A_1162 = arith.cmpi eq, %iota3A, %eq3A_1161 : vector<256x512xi32>
    %jit3A_1163 = arith.constant 0xFF800000 : f32
    %broadcast_in_dim3A_1164 = vector.broadcast %jit3A_1163 : f32 to vector<256x512xf32>
    %select_n3A_1165 = arith.select %eq3A_1162, %broadcast_in_dim3A_1164, %select_n3A_1149 : vector<256x512xi1>, vector<256x512xf32>
    %reduce_max3A_1166 = arith.constant dense<0xFF800000> : vector<256xf32>
    %reduce_max3A_1167 = vector.multi_reduction <maximumf>, %select_n3A_1165, %reduce_max3A_1166 [1] : vector<256x512xf32> to vector<256xf32>
    %broadcast_in_dim3A_1168 = vector.shape_cast %reduce_max3A_1167 : vector<256xf32> to vector<256x1xf32>
    %eq3A_1169 = vector.broadcast %broadcast_in_dim3A_1168 : vector<256x1xf32> to vector<256x512xf32>
    %eq3A_1170 = arith.cmpf oeq, %select_n3A_1165, %eq3A_1169 : vector<256x512xf32>
    %jit3A_1171 = arith.constant 512 : i32
    %broadcast_in_dim3A_1172 = vector.broadcast %jit3A_1171 : i32 to vector<256x512xi32>
    %select_n3A_1173 = arith.select %eq3A_1170, %iota3A, %broadcast_in_dim3A_1172 : vector<256x512xi1>, vector<256x512xi32>
    %reduce_min3A_1174 = arith.constant dense<2147483647> : vector<256xi32>
    %reduce_min3A_1175 = vector.multi_reduction <minsi>, %select_n3A_1173, %reduce_min3A_1174 [1] : vector<256x512xi32> to vector<256xi32>
    %broadcast_in_dim3A_1176 = vector.shape_cast %reduce_min3A_1175 : vector<256xi32> to vector<256x1xi32>
    %eq3A_1177 = vector.broadcast %broadcast_in_dim3A_1176 : vector<256x1xi32> to vector<256x512xi32>
    %eq3A_1178 = arith.cmpi eq, %iota3A, %eq3A_1177 : vector<256x512xi32>
    %jit3A_1179 = arith.constant 0xFF800000 : f32
    %broadcast_in_dim3A_1180 = vector.broadcast %jit3A_1179 : f32 to vector<256x512xf32>
    %select_n3A_1181 = arith.select %eq3A_1178, %broadcast_in_dim3A_1180, %select_n3A_1165 : vector<256x512xi1>, vector<256x512xf32>
    %concatenate3A_1182 = tpu.concatenate %broadcast_in_dim3A_1056, %broadcast_in_dim3A_1072, %broadcast_in_dim3A_1088, %broadcast_in_dim3A_1104, %broadcast_in_dim3A_1120, %broadcast_in_dim3A_1136, %broadcast_in_dim3A_1152, %broadcast_in_dim3A_1168 in 1 : vector<256x1xf32>, vector<256x1xf32>, vector<256x1xf32>, vector<256x1xf32>, vector<256x1xf32>, vector<256x1xf32>, vector<256x1xf32>, vector<256x1xf32> -> vector<256x8xf32>
    %slice3A_1183 = vector.extract_strided_slice %concatenate3A_1182 {offsets = [0, 0], sizes = [256, 1], strides = [1, 1]} : vector<256x8xf32> to vector<256x1xf32>
    %sub3A_1184 = vector.broadcast %slice3A_1183 : vector<256x1xf32> to vector<256x8xf32>
    %sub3A_1185 = arith.subf %concatenate3A_1182, %sub3A_1184 : vector<256x8xf32>
    %exp3A_1186 = math.exp %sub3A_1185 : vector<256x8xf32>
    %reduce_sum3A_1187 = arith.constant dense<0.000000e+00> : vector<256xf32>
    %reduce_sum3A_1188 = vector.multi_reduction <add>, %exp3A_1186, %reduce_sum3A_1187 [1] : vector<256x8xf32> to vector<256xf32>
    %broadcast_in_dim3A_1189 = vector.shape_cast %reduce_sum3A_1188 : vector<256xf32> to vector<256x1xf32>
    %eq3A_1190 = arith.constant 0xFF800000 : f32
    %eq3A_1191 = vector.broadcast %eq3A_1190 : f32 to vector<256x512xf32>
    %eq3A_1192 = arith.cmpf oeq, %select_n3A_1181, %eq3A_1191 : vector<256x512xf32>
    %sub3A_1193 = vector.broadcast %slice3A_1183 : vector<256x1xf32> to vector<256x512xf32>
    %sub3A_1194 = arith.subf %mul3A_1050, %sub3A_1193 : vector<256x512xf32>
    %exp3A_1195 = math.exp %sub3A_1194 : vector<256x512xf32>
    %div3A_1196 = vector.broadcast %broadcast_in_dim3A_1189 : vector<256x1xf32> to vector<256x512xf32>
    %div3A_1197 = arith.divf %exp3A_1195, %div3A_1196 : vector<256x512xf32>
    %jit3A_1198 = arith.constant 0.000000e+00 : f32
    %broadcast_in_dim3A_1199 = vector.broadcast %jit3A_1198 : f32 to vector<256x512xf32>
    %select_n3A_1200 = arith.select %eq3A_1192, %div3A_1197, %broadcast_in_dim3A_1199 : vector<256x512xi1>, vector<256x512xf32>
    %convert_element_type3A_1201 = arith.truncf %select_n3A_1200 : vector<256x512xf32> to vector<256x512xbf16>
    %get3A_1202 = arith.constant 6 : index
    %get3A_1203 = arith.constant 0 : index
    %get3A_1204 = arith.constant 0 : index
    %get3A_1205 = vector.load %arg5[%get3A_1202, %get3A_1203, %get3A_1204] : memref<16x512x128xbf16, #tpu.memory_space<vmem>>, vector<1x512x128xbf16>
    %get3A_1206 = vector.shape_cast %get3A_1205 : vector<1x512x128xbf16> to vector<512x128xbf16>
    %dot_general3A_1207 = arith.constant dense<0.000000e+00> : vector<256x128xf32>
    %dot_general3A_1208 = tpu.matmul %convert_element_type3A_1201, %get3A_1206, %dot_general3A_1207 {dimension_numbers = #tpu.dot_dimension_numbers<[1], [0], [0], [1], [0, 0, 1, 1], [], []>, transpose_lhs_hint = false} : vector<256x512xbf16>, vector<512x128xbf16>, vector<256x128xf32> -> vector<256x128xf32>
    %slice3A_1209 = vector.extract_strided_slice %add3A_34 {offsets = [0, 896], sizes = [256, 128], strides = [1, 1]} : vector<256x2048xf32> to vector<256x128xf32>
    %get3A_1210 = arith.constant 7 : index
    %get3A_1211 = arith.constant 0 : index
    %get3A_1212 = arith.constant 0 : index
    %get3A_1213 = vector.load %arg4[%get3A_1210, %get3A_1211, %get3A_1212] : memref<16x512x128xf32, #tpu.memory_space<vmem>>, vector<1x512x128xf32>
    %get3A_1214 = vector.shape_cast %get3A_1213 : vector<1x512x128xf32> to vector<512x128xf32>
    %dot_general3A_1215 = arith.constant dense<0.000000e+00> : vector<256x512xf32>
    %dot_general3A_1216 = tpu.matmul %slice3A_1209, %get3A_1214, %dot_general3A_1215 {dimension_numbers = #tpu.dot_dimension_numbers<[1], [1], [0], [0], [0, 0, 1, 0], [], []>, transpose_lhs_hint = false} : vector<256x128xf32>, vector<512x128xf32>, vector<256x512xf32> -> vector<256x512xf32>
    %mul3A_1217 = vector.broadcast %div3A_42 : f32 to vector<256x512xf32>
    %mul3A_1218 = arith.mulf %dot_general3A_1216, %mul3A_1217 : vector<256x512xf32>
    %swap3A_1219 = arith.constant 0 : index
    %swap3A_1220 = arith.constant 3584 : index
    %swap3A_1221 = vector.load %arg13[%swap3A_1219, %swap3A_1220] : memref<256x8192xf32, #tpu.memory_space<vmem>>, vector<256x512xf32>
    tpu.vector_store %arg13[%swap3A_1219, %swap3A_1220], %mul3A_1218 {strides = array<i32>} : memref<256x8192xf32, #tpu.memory_space<vmem>>, vector<256x512xf32>,
    %reduce_max3A_1222 = arith.constant dense<0xFF800000> : vector<256xf32>
    %reduce_max3A_1223 = vector.multi_reduction <maximumf>, %mul3A_1218, %reduce_max3A_1222 [1] : vector<256x512xf32> to vector<256xf32>
    %broadcast_in_dim3A_1224 = vector.shape_cast %reduce_max3A_1223 : vector<256xf32> to vector<256x1xf32>
    %eq3A_1225 = vector.broadcast %broadcast_in_dim3A_1224 : vector<256x1xf32> to vector<256x512xf32>
    %eq3A_1226 = arith.cmpf oeq, %mul3A_1218, %eq3A_1225 : vector<256x512xf32>
    %jit3A_1227 = arith.constant 512 : i32
    %broadcast_in_dim3A_1228 = vector.broadcast %jit3A_1227 : i32 to vector<256x512xi32>
    %select_n3A_1229 = arith.select %eq3A_1226, %iota3A, %broadcast_in_dim3A_1228 : vector<256x512xi1>, vector<256x512xi32>
    %reduce_min3A_1230 = arith.constant dense<2147483647> : vector<256xi32>
    %reduce_min3A_1231 = vector.multi_reduction <minsi>, %select_n3A_1229, %reduce_min3A_1230 [1] : vector<256x512xi32> to vector<256xi32>
    %broadcast_in_dim3A_1232 = vector.shape_cast %reduce_min3A_1231 : vector<256xi32> to vector<256x1xi32>
    %eq3A_1233 = vector.broadcast %broadcast_in_dim3A_1232 : vector<256x1xi32> to vector<256x512xi32>
    %eq3A_1234 = arith.cmpi eq, %iota3A, %eq3A_1233 : vector<256x512xi32>
    %jit3A_1235 = arith.constant 0xFF800000 : f32
    %broadcast_in_dim3A_1236 = vector.broadcast %jit3A_1235 : f32 to vector<256x512xf32>
    %select_n3A_1237 = arith.select %eq3A_1234, %broadcast_in_dim3A_1236, %mul3A_1218 : vector<256x512xi1>, vector<256x512xf32>
    %reduce_max3A_1238 = arith.constant dense<0xFF800000> : vector<256xf32>
    %reduce_max3A_1239 = vector.multi_reduction <maximumf>, %select_n3A_1237, %reduce_max3A_1238 [1] : vector<256x512xf32> to vector<256xf32>
    %broadcast_in_dim3A_1240 = vector.shape_cast %reduce_max3A_1239 : vector<256xf32> to vector<256x1xf32>
    %eq3A_1241 = vector.broadcast %broadcast_in_dim3A_1240 : vector<256x1xf32> to vector<256x512xf32>
    %eq3A_1242 = arith.cmpf oeq, %select_n3A_1237, %eq3A_1241 : vector<256x512xf32>
    %jit3A_1243 = arith.constant 512 : i32
    %broadcast_in_dim3A_1244 = vector.broadcast %jit3A_1243 : i32 to vector<256x512xi32>
    %select_n3A_1245 = arith.select %eq3A_1242, %iota3A, %broadcast_in_dim3A_1244 : vector<256x512xi1>, vector<256x512xi32>
    %reduce_min3A_1246 = arith.constant dense<2147483647> : vector<256xi32>
    %reduce_min3A_1247 = vector.multi_reduction <minsi>, %select_n3A_1245, %reduce_min3A_1246 [1] : vector<256x512xi32> to vector<256xi32>
    %broadcast_in_dim3A_1248 = vector.shape_cast %reduce_min3A_1247 : vector<256xi32> to vector<256x1xi32>
    %eq3A_1249 = vector.broadcast %broadcast_in_dim3A_1248 : vector<256x1xi32> to vector<256x512xi32>
    %eq3A_1250 = arith.cmpi eq, %iota3A, %eq3A_1249 : vector<256x512xi32>
    %jit3A_1251 = arith.constant 0xFF800000 : f32
    %broadcast_in_dim3A_1252 = vector.broadcast %jit3A_1251 : f32 to vector<256x512xf32>
    %select_n3A_1253 = arith.select %eq3A_1250, %broadcast_in_dim3A_1252, %select_n3A_1237 : vector<256x512xi1>, vector<256x512xf32>
    %reduce_max3A_1254 = arith.constant dense<0xFF800000> : vector<256xf32>
    %reduce_max3A_1255 = vector.multi_reduction <maximumf>, %select_n3A_1253, %reduce_max3A_1254 [1] : vector<256x512xf32> to vector<256xf32>
    %broadcast_in_dim3A_1256 = vector.shape_cast %reduce_max3A_1255 : vector<256xf32> to vector<256x1xf32>
    %eq3A_1257 = vector.broadcast %broadcast_in_dim3A_1256 : vector<256x1xf32> to vector<256x512xf32>
    %eq3A_1258 = arith.cmpf oeq, %select_n3A_1253, %eq3A_1257 : vector<256x512xf32>
    %jit3A_1259 = arith.constant 512 : i32
    %broadcast_in_dim3A_1260 = vector.broadcast %jit3A_1259 : i32 to vector<256x512xi32>
    %select_n3A_1261 = arith.select %eq3A_1258, %iota3A, %broadcast_in_dim3A_1260 : vector<256x512xi1>, vector<256x512xi32>
    %reduce_min3A_1262 = arith.constant dense<2147483647> : vector<256xi32>
    %reduce_min3A_1263 = vector.multi_reduction <minsi>, %select_n3A_1261, %reduce_min3A_1262 [1] : vector<256x512xi32> to vector<256xi32>
    %broadcast_in_dim3A_1264 = vector.shape_cast %reduce_min3A_1263 : vector<256xi32> to vector<256x1xi32>
    %eq3A_1265 = vector.broadcast %broadcast_in_dim3A_1264 : vector<256x1xi32> to vector<256x512xi32>
    %eq3A_1266 = arith.cmpi eq, %iota3A, %eq3A_1265 : vector<256x512xi32>
    %jit3A_1267 = arith.constant 0xFF800000 : f32
    %broadcast_in_dim3A_1268 = vector.broadcast %jit3A_1267 : f32 to vector<256x512xf32>
    %select_n3A_1269 = arith.select %eq3A_1266, %broadcast_in_dim3A_1268, %select_n3A_1253 : vector<256x512xi1>, vector<256x512xf32>
    %reduce_max3A_1270 = arith.constant dense<0xFF800000> : vector<256xf32>
    %reduce_max3A_1271 = vector.multi_reduction <maximumf>, %select_n3A_1269, %reduce_max3A_1270 [1] : vector<256x512xf32> to vector<256xf32>
    %broadcast_in_dim3A_1272 = vector.shape_cast %reduce_max3A_1271 : vector<256xf32> to vector<256x1xf32>
    %eq3A_1273 = vector.broadcast %broadcast_in_dim3A_1272 : vector<256x1xf32> to vector<256x512xf32>
    %eq3A_1274 = arith.cmpf oeq, %select_n3A_1269, %eq3A_1273 : vector<256x512xf32>
    %jit3A_1275 = arith.constant 512 : i32
    %broadcast_in_dim3A_1276 = vector.broadcast %jit3A_1275 : i32 to vector<256x512xi32>
    %select_n3A_1277 = arith.select %eq3A_1274, %iota3A, %broadcast_in_dim3A_1276 : vector<256x512xi1>, vector<256x512xi32>
    %reduce_min3A_1278 = arith.constant dense<2147483647> : vector<256xi32>
    %reduce_min3A_1279 = vector.multi_reduction <minsi>, %select_n3A_1277, %reduce_min3A_1278 [1] : vector<256x512xi32> to vector<256xi32>
    %broadcast_in_dim3A_1280 = vector.shape_cast %reduce_min3A_1279 : vector<256xi32> to vector<256x1xi32>
    %eq3A_1281 = vector.broadcast %broadcast_in_dim3A_1280 : vector<256x1xi32> to vector<256x512xi32>
    %eq3A_1282 = arith.cmpi eq, %iota3A, %eq3A_1281 : vector<256x512xi32>
    %jit3A_1283 = arith.constant 0xFF800000 : f32
    %broadcast_in_dim3A_1284 = vector.broadcast %jit3A_1283 : f32 to vector<256x512xf32>
    %select_n3A_1285 = arith.select %eq3A_1282, %broadcast_in_dim3A_1284, %select_n3A_1269 : vector<256x512xi1>, vector<256x512xf32>
    %reduce_max3A_1286 = arith.constant dense<0xFF800000> : vector<256xf32>
    %reduce_max3A_1287 = vector.multi_reduction <maximumf>, %select_n3A_1285, %reduce_max3A_1286 [1] : vector<256x512xf32> to vector<256xf32>
    %broadcast_in_dim3A_1288 = vector.shape_cast %reduce_max3A_1287 : vector<256xf32> to vector<256x1xf32>
    %eq3A_1289 = vector.broadcast %broadcast_in_dim3A_1288 : vector<256x1xf32> to vector<256x512xf32>
    %eq3A_1290 = arith.cmpf oeq, %select_n3A_1285, %eq3A_1289 : vector<256x512xf32>
    %jit3A_1291 = arith.constant 512 : i32
    %broadcast_in_dim3A_1292 = vector.broadcast %jit3A_1291 : i32 to vector<256x512xi32>
    %select_n3A_1293 = arith.select %eq3A_1290, %iota3A, %broadcast_in_dim3A_1292 : vector<256x512xi1>, vector<256x512xi32>
    %reduce_min3A_1294 = arith.constant dense<2147483647> : vector<256xi32>
    %reduce_min3A_1295 = vector.multi_reduction <minsi>, %select_n3A_1293, %reduce_min3A_1294 [1] : vector<256x512xi32> to vector<256xi32>
    %broadcast_in_dim3A_1296 = vector.shape_cast %reduce_min3A_1295 : vector<256xi32> to vector<256x1xi32>
    %eq3A_1297 = vector.broadcast %broadcast_in_dim3A_1296 : vector<256x1xi32> to vector<256x512xi32>
    %eq3A_1298 = arith.cmpi eq, %iota3A, %eq3A_1297 : vector<256x512xi32>
    %jit3A_1299 = arith.constant 0xFF800000 : f32
    %broadcast_in_dim3A_1300 = vector.broadcast %jit3A_1299 : f32 to vector<256x512xf32>
    %select_n3A_1301 = arith.select %eq3A_1298, %broadcast_in_dim3A_1300, %select_n3A_1285 : vector<256x512xi1>, vector<256x512xf32>
    %reduce_max3A_1302 = arith.constant dense<0xFF800000> : vector<256xf32>
    %reduce_max3A_1303 = vector.multi_reduction <maximumf>, %select_n3A_1301, %reduce_max3A_1302 [1] : vector<256x512xf32> to vector<256xf32>
    %broadcast_in_dim3A_1304 = vector.shape_cast %reduce_max3A_1303 : vector<256xf32> to vector<256x1xf32>
    %eq3A_1305 = vector.broadcast %broadcast_in_dim3A_1304 : vector<256x1xf32> to vector<256x512xf32>
    %eq3A_1306 = arith.cmpf oeq, %select_n3A_1301, %eq3A_1305 : vector<256x512xf32>
    %jit3A_1307 = arith.constant 512 : i32
    %broadcast_in_dim3A_1308 = vector.broadcast %jit3A_1307 : i32 to vector<256x512xi32>
    %select_n3A_1309 = arith.select %eq3A_1306, %iota3A, %broadcast_in_dim3A_1308 : vector<256x512xi1>, vector<256x512xi32>
    %reduce_min3A_1310 = arith.constant dense<2147483647> : vector<256xi32>
    %reduce_min3A_1311 = vector.multi_reduction <minsi>, %select_n3A_1309, %reduce_min3A_1310 [1] : vector<256x512xi32> to vector<256xi32>
    %broadcast_in_dim3A_1312 = vector.shape_cast %reduce_min3A_1311 : vector<256xi32> to vector<256x1xi32>
    %eq3A_1313 = vector.broadcast %broadcast_in_dim3A_1312 : vector<256x1xi32> to vector<256x512xi32>
    %eq3A_1314 = arith.cmpi eq, %iota3A, %eq3A_1313 : vector<256x512xi32>
    %jit3A_1315 = arith.constant 0xFF800000 : f32
    %broadcast_in_dim3A_1316 = vector.broadcast %jit3A_1315 : f32 to vector<256x512xf32>
    %select_n3A_1317 = arith.select %eq3A_1314, %broadcast_in_dim3A_1316, %select_n3A_1301 : vector<256x512xi1>, vector<256x512xf32>
    %reduce_max3A_1318 = arith.constant dense<0xFF800000> : vector<256xf32>
    %reduce_max3A_1319 = vector.multi_reduction <maximumf>, %select_n3A_1317, %reduce_max3A_1318 [1] : vector<256x512xf32> to vector<256xf32>
    %broadcast_in_dim3A_1320 = vector.shape_cast %reduce_max3A_1319 : vector<256xf32> to vector<256x1xf32>
    %eq3A_1321 = vector.broadcast %broadcast_in_dim3A_1320 : vector<256x1xf32> to vector<256x512xf32>
    %eq3A_1322 = arith.cmpf oeq, %select_n3A_1317, %eq3A_1321 : vector<256x512xf32>
    %jit3A_1323 = arith.constant 512 : i32
    %broadcast_in_dim3A_1324 = vector.broadcast %jit3A_1323 : i32 to vector<256x512xi32>
    %select_n3A_1325 = arith.select %eq3A_1322, %iota3A, %broadcast_in_dim3A_1324 : vector<256x512xi1>, vector<256x512xi32>
    %reduce_min3A_1326 = arith.constant dense<2147483647> : vector<256xi32>
    %reduce_min3A_1327 = vector.multi_reduction <minsi>, %select_n3A_1325, %reduce_min3A_1326 [1] : vector<256x512xi32> to vector<256xi32>
    %broadcast_in_dim3A_1328 = vector.shape_cast %reduce_min3A_1327 : vector<256xi32> to vector<256x1xi32>
    %eq3A_1329 = vector.broadcast %broadcast_in_dim3A_1328 : vector<256x1xi32> to vector<256x512xi32>
    %eq3A_1330 = arith.cmpi eq, %iota3A, %eq3A_1329 : vector<256x512xi32>
    %jit3A_1331 = arith.constant 0xFF800000 : f32
    %broadcast_in_dim3A_1332 = vector.broadcast %jit3A_1331 : f32 to vector<256x512xf32>
    %select_n3A_1333 = arith.select %eq3A_1330, %broadcast_in_dim3A_1332, %select_n3A_1317 : vector<256x512xi1>, vector<256x512xf32>
    %reduce_max3A_1334 = arith.constant dense<0xFF800000> : vector<256xf32>
    %reduce_max3A_1335 = vector.multi_reduction <maximumf>, %select_n3A_1333, %reduce_max3A_1334 [1] : vector<256x512xf32> to vector<256xf32>
    %broadcast_in_dim3A_1336 = vector.shape_cast %reduce_max3A_1335 : vector<256xf32> to vector<256x1xf32>
    %eq3A_1337 = vector.broadcast %broadcast_in_dim3A_1336 : vector<256x1xf32> to vector<256x512xf32>
    %eq3A_1338 = arith.cmpf oeq, %select_n3A_1333, %eq3A_1337 : vector<256x512xf32>
    %jit3A_1339 = arith.constant 512 : i32
    %broadcast_in_dim3A_1340 = vector.broadcast %jit3A_1339 : i32 to vector<256x512xi32>
    %select_n3A_1341 = arith.select %eq3A_1338, %iota3A, %broadcast_in_dim3A_1340 : vector<256x512xi1>, vector<256x512xi32>
    %reduce_min3A_1342 = arith.constant dense<2147483647> : vector<256xi32>
    %reduce_min3A_1343 = vector.multi_reduction <minsi>, %select_n3A_1341, %reduce_min3A_1342 [1] : vector<256x512xi32> to vector<256xi32>
    %broadcast_in_dim3A_1344 = vector.shape_cast %reduce_min3A_1343 : vector<256xi32> to vector<256x1xi32>
    %eq3A_1345 = vector.broadcast %broadcast_in_dim3A_1344 : vector<256x1xi32> to vector<256x512xi32>
    %eq3A_1346 = arith.cmpi eq, %iota3A, %eq3A_1345 : vector<256x512xi32>
    %jit3A_1347 = arith.constant 0xFF800000 : f32
    %broadcast_in_dim3A_1348 = vector.broadcast %jit3A_1347 : f32 to vector<256x512xf32>
    %select_n3A_1349 = arith.select %eq3A_1346, %broadcast_in_dim3A_1348, %select_n3A_1333 : vector<256x512xi1>, vector<256x512xf32>
    %concatenate3A_1350 = tpu.concatenate %broadcast_in_dim3A_1224, %broadcast_in_dim3A_1240, %broadcast_in_dim3A_1256, %broadcast_in_dim3A_1272, %broadcast_in_dim3A_1288, %broadcast_in_dim3A_1304, %broadcast_in_dim3A_1320, %broadcast_in_dim3A_1336 in 1 : vector<256x1xf32>, vector<256x1xf32>, vector<256x1xf32>, vector<256x1xf32>, vector<256x1xf32>, vector<256x1xf32>, vector<256x1xf32>, vector<256x1xf32> -> vector<256x8xf32>
    %slice3A_1351 = vector.extract_strided_slice %concatenate3A_1350 {offsets = [0, 0], sizes = [256, 1], strides = [1, 1]} : vector<256x8xf32> to vector<256x1xf32>
    %sub3A_1352 = vector.broadcast %slice3A_1351 : vector<256x1xf32> to vector<256x8xf32>
    %sub3A_1353 = arith.subf %concatenate3A_1350, %sub3A_1352 : vector<256x8xf32>
    %exp3A_1354 = math.exp %sub3A_1353 : vector<256x8xf32>
    %reduce_sum3A_1355 = arith.constant dense<0.000000e+00> : vector<256xf32>
    %reduce_sum3A_1356 = vector.multi_reduction <add>, %exp3A_1354, %reduce_sum3A_1355 [1] : vector<256x8xf32> to vector<256xf32>
    %broadcast_in_dim3A_1357 = vector.shape_cast %reduce_sum3A_1356 : vector<256xf32> to vector<256x1xf32>
    %eq3A_1358 = arith.constant 0xFF800000 : f32
    %eq3A_1359 = vector.broadcast %eq3A_1358 : f32 to vector<256x512xf32>
    %eq3A_1360 = arith.cmpf oeq, %select_n3A_1349, %eq3A_1359 : vector<256x512xf32>
    %sub3A_1361 = vector.broadcast %slice3A_1351 : vector<256x1xf32> to vector<256x512xf32>
    %sub3A_1362 = arith.subf %mul3A_1218, %sub3A_1361 : vector<256x512xf32>
    %exp3A_1363 = math.exp %sub3A_1362 : vector<256x512xf32>
    %div3A_1364 = vector.broadcast %broadcast_in_dim3A_1357 : vector<256x1xf32> to vector<256x512xf32>
    %div3A_1365 = arith.divf %exp3A_1363, %div3A_1364 : vector<256x512xf32>
    %jit3A_1366 = arith.constant 0.000000e+00 : f32
    %broadcast_in_dim3A_1367 = vector.broadcast %jit3A_1366 : f32 to vector<256x512xf32>
    %select_n3A_1368 = arith.select %eq3A_1360, %div3A_1365, %broadcast_in_dim3A_1367 : vector<256x512xi1>, vector<256x512xf32>
    %convert_element_type3A_1369 = arith.truncf %select_n3A_1368 : vector<256x512xf32> to vector<256x512xbf16>
    %get3A_1370 = arith.constant 7 : index
    %get3A_1371 = arith.constant 0 : index
    %get3A_1372 = arith.constant 0 : index
    %get3A_1373 = vector.load %arg5[%get3A_1370, %get3A_1371, %get3A_1372] : memref<16x512x128xbf16, #tpu.memory_space<vmem>>, vector<1x512x128xbf16>
    %get3A_1374 = vector.shape_cast %get3A_1373 : vector<1x512x128xbf16> to vector<512x128xbf16>
    %dot_general3A_1375 = arith.constant dense<0.000000e+00> : vector<256x128xf32>
    %dot_general3A_1376 = tpu.matmul %convert_element_type3A_1369, %get3A_1374, %dot_general3A_1375 {dimension_numbers = #tpu.dot_dimension_numbers<[1], [0], [0], [1], [0, 0, 1, 1], [], []>, transpose_lhs_hint = false} : vector<256x512xbf16>, vector<512x128xbf16>, vector<256x128xf32> -> vector<256x128xf32>
    %slice3A_1377 = vector.extract_strided_slice %add3A_34 {offsets = [0, 1024], sizes = [256, 128], strides = [1, 1]} : vector<256x2048xf32> to vector<256x128xf32>
    %get3A_1378 = arith.constant 8 : index
    %get3A_1379 = arith.constant 0 : index
    %get3A_1380 = arith.constant 0 : index
    %get3A_1381 = vector.load %arg4[%get3A_1378, %get3A_1379, %get3A_1380] : memref<16x512x128xf32, #tpu.memory_space<vmem>>, vector<1x512x128xf32>
    %get3A_1382 = vector.shape_cast %get3A_1381 : vector<1x512x128xf32> to vector<512x128xf32>
    %dot_general3A_1383 = arith.constant dense<0.000000e+00> : vector<256x512xf32>
    %dot_general3A_1384 = tpu.matmul %slice3A_1377, %get3A_1382, %dot_general3A_1383 {dimension_numbers = #tpu.dot_dimension_numbers<[1], [1], [0], [0], [0, 0, 1, 0], [], []>, transpose_lhs_hint = false} : vector<256x128xf32>, vector<512x128xf32>, vector<256x512xf32> -> vector<256x512xf32>
    %mul3A_1385 = vector.broadcast %div3A_42 : f32 to vector<256x512xf32>
    %mul3A_1386 = arith.mulf %dot_general3A_1384, %mul3A_1385 : vector<256x512xf32>
    %swap3A_1387 = arith.constant 0 : index
    %swap3A_1388 = arith.constant 4096 : index
    %swap3A_1389 = vector.load %arg13[%swap3A_1387, %swap3A_1388] : memref<256x8192xf32, #tpu.memory_space<vmem>>, vector<256x512xf32>
    tpu.vector_store %arg13[%swap3A_1387, %swap3A_1388], %mul3A_1386 {strides = array<i32>} : memref<256x8192xf32, #tpu.memory_space<vmem>>, vector<256x512xf32>,
    %reduce_max3A_1390 = arith.constant dense<0xFF800000> : vector<256xf32>
    %reduce_max3A_1391 = vector.multi_reduction <maximumf>, %mul3A_1386, %reduce_max3A_1390 [1] : vector<256x512xf32> to vector<256xf32>
    %broadcast_in_dim3A_1392 = vector.shape_cast %reduce_max3A_1391 : vector<256xf32> to vector<256x1xf32>
    %eq3A_1393 = vector.broadcast %broadcast_in_dim3A_1392 : vector<256x1xf32> to vector<256x512xf32>
    %eq3A_1394 = arith.cmpf oeq, %mul3A_1386, %eq3A_1393 : vector<256x512xf32>
    %jit3A_1395 = arith.constant 512 : i32
    %broadcast_in_dim3A_1396 = vector.broadcast %jit3A_1395 : i32 to vector<256x512xi32>
    %select_n3A_1397 = arith.select %eq3A_1394, %iota3A, %broadcast_in_dim3A_1396 : vector<256x512xi1>, vector<256x512xi32>
    %reduce_min3A_1398 = arith.constant dense<2147483647> : vector<256xi32>
    %reduce_min3A_1399 = vector.multi_reduction <minsi>, %select_n3A_1397, %reduce_min3A_1398 [1] : vector<256x512xi32> to vector<256xi32>
    %broadcast_in_dim3A_1400 = vector.shape_cast %reduce_min3A_1399 : vector<256xi32> to vector<256x1xi32>
    %eq3A_1401 = vector.broadcast %broadcast_in_dim3A_1400 : vector<256x1xi32> to vector<256x512xi32>
    %eq3A_1402 = arith.cmpi eq, %iota3A, %eq3A_1401 : vector<256x512xi32>
    %jit3A_1403 = arith.constant 0xFF800000 : f32
    %broadcast_in_dim3A_1404 = vector.broadcast %jit3A_1403 : f32 to vector<256x512xf32>
    %select_n3A_1405 = arith.select %eq3A_1402, %broadcast_in_dim3A_1404, %mul3A_1386 : vector<256x512xi1>, vector<256x512xf32>
    %reduce_max3A_1406 = arith.constant dense<0xFF800000> : vector<256xf32>
    %reduce_max3A_1407 = vector.multi_reduction <maximumf>, %select_n3A_1405, %reduce_max3A_1406 [1] : vector<256x512xf32> to vector<256xf32>
    %broadcast_in_dim3A_1408 = vector.shape_cast %reduce_max3A_1407 : vector<256xf32> to vector<256x1xf32>
    %eq3A_1409 = vector.broadcast %broadcast_in_dim3A_1408 : vector<256x1xf32> to vector<256x512xf32>
    %eq3A_1410 = arith.cmpf oeq, %select_n3A_1405, %eq3A_1409 : vector<256x512xf32>
    %jit3A_1411 = arith.constant 512 : i32
    %broadcast_in_dim3A_1412 = vector.broadcast %jit3A_1411 : i32 to vector<256x512xi32>
    %select_n3A_1413 = arith.select %eq3A_1410, %iota3A, %broadcast_in_dim3A_1412 : vector<256x512xi1>, vector<256x512xi32>
    %reduce_min3A_1414 = arith.constant dense<2147483647> : vector<256xi32>
    %reduce_min3A_1415 = vector.multi_reduction <minsi>, %select_n3A_1413, %reduce_min3A_1414 [1] : vector<256x512xi32> to vector<256xi32>
    %broadcast_in_dim3A_1416 = vector.shape_cast %reduce_min3A_1415 : vector<256xi32> to vector<256x1xi32>
    %eq3A_1417 = vector.broadcast %broadcast_in_dim3A_1416 : vector<256x1xi32> to vector<256x512xi32>
    %eq3A_1418 = arith.cmpi eq, %iota3A, %eq3A_1417 : vector<256x512xi32>
    %jit3A_1419 = arith.constant 0xFF800000 : f32
    %broadcast_in_dim3A_1420 = vector.broadcast %jit3A_1419 : f32 to vector<256x512xf32>
    %select_n3A_1421 = arith.select %eq3A_1418, %broadcast_in_dim3A_1420, %select_n3A_1405 : vector<256x512xi1>, vector<256x512xf32>
    %reduce_max3A_1422 = arith.constant dense<0xFF800000> : vector<256xf32>
    %reduce_max3A_1423 = vector.multi_reduction <maximumf>, %select_n3A_1421, %reduce_max3A_1422 [1] : vector<256x512xf32> to vector<256xf32>
    %broadcast_in_dim3A_1424 = vector.shape_cast %reduce_max3A_1423 : vector<256xf32> to vector<256x1xf32>
    %eq3A_1425 = vector.broadcast %broadcast_in_dim3A_1424 : vector<256x1xf32> to vector<256x512xf32>
    %eq3A_1426 = arith.cmpf oeq, %select_n3A_1421, %eq3A_1425 : vector<256x512xf32>
    %jit3A_1427 = arith.constant 512 : i32
    %broadcast_in_dim3A_1428 = vector.broadcast %jit3A_1427 : i32 to vector<256x512xi32>
    %select_n3A_1429 = arith.select %eq3A_1426, %iota3A, %broadcast_in_dim3A_1428 : vector<256x512xi1>, vector<256x512xi32>
    %reduce_min3A_1430 = arith.constant dense<2147483647> : vector<256xi32>
    %reduce_min3A_1431 = vector.multi_reduction <minsi>, %select_n3A_1429, %reduce_min3A_1430 [1] : vector<256x512xi32> to vector<256xi32>
    %broadcast_in_dim3A_1432 = vector.shape_cast %reduce_min3A_1431 : vector<256xi32> to vector<256x1xi32>
    %eq3A_1433 = vector.broadcast %broadcast_in_dim3A_1432 : vector<256x1xi32> to vector<256x512xi32>
    %eq3A_1434 = arith.cmpi eq, %iota3A, %eq3A_1433 : vector<256x512xi32>
    %jit3A_1435 = arith.constant 0xFF800000 : f32
    %broadcast_in_dim3A_1436 = vector.broadcast %jit3A_1435 : f32 to vector<256x512xf32>
    %select_n3A_1437 = arith.select %eq3A_1434, %broadcast_in_dim3A_1436, %select_n3A_1421 : vector<256x512xi1>, vector<256x512xf32>
    %reduce_max3A_1438 = arith.constant dense<0xFF800000> : vector<256xf32>
    %reduce_max3A_1439 = vector.multi_reduction <maximumf>, %select_n3A_1437, %reduce_max3A_1438 [1] : vector<256x512xf32> to vector<256xf32>
    %broadcast_in_dim3A_1440 = vector.shape_cast %reduce_max3A_1439 : vector<256xf32> to vector<256x1xf32>
    %eq3A_1441 = vector.broadcast %broadcast_in_dim3A_1440 : vector<256x1xf32> to vector<256x512xf32>
    %eq3A_1442 = arith.cmpf oeq, %select_n3A_1437, %eq3A_1441 : vector<256x512xf32>
    %jit3A_1443 = arith.constant 512 : i32
    %broadcast_in_dim3A_1444 = vector.broadcast %jit3A_1443 : i32 to vector<256x512xi32>
    %select_n3A_1445 = arith.select %eq3A_1442, %iota3A, %broadcast_in_dim3A_1444 : vector<256x512xi1>, vector<256x512xi32>
    %reduce_min3A_1446 = arith.constant dense<2147483647> : vector<256xi32>
    %reduce_min3A_1447 = vector.multi_reduction <minsi>, %select_n3A_1445, %reduce_min3A_1446 [1] : vector<256x512xi32> to vector<256xi32>
    %broadcast_in_dim3A_1448 = vector.shape_cast %reduce_min3A_1447 : vector<256xi32> to vector<256x1xi32>
    %eq3A_1449 = vector.broadcast %broadcast_in_dim3A_1448 : vector<256x1xi32> to vector<256x512xi32>
    %eq3A_1450 = arith.cmpi eq, %iota3A, %eq3A_1449 : vector<256x512xi32>
    %jit3A_1451 = arith.constant 0xFF800000 : f32
    %broadcast_in_dim3A_1452 = vector.broadcast %jit3A_1451 : f32 to vector<256x512xf32>
    %select_n3A_1453 = arith.select %eq3A_1450, %broadcast_in_dim3A_1452, %select_n3A_1437 : vector<256x512xi1>, vector<256x512xf32>
    %reduce_max3A_1454 = arith.constant dense<0xFF800000> : vector<256xf32>
    %reduce_max3A_1455 = vector.multi_reduction <maximumf>, %select_n3A_1453, %reduce_max3A_1454 [1] : vector<256x512xf32> to vector<256xf32>
    %broadcast_in_dim3A_1456 = vector.shape_cast %reduce_max3A_1455 : vector<256xf32> to vector<256x1xf32>
    %eq3A_1457 = vector.broadcast %broadcast_in_dim3A_1456 : vector<256x1xf32> to vector<256x512xf32>
    %eq3A_1458 = arith.cmpf oeq, %select_n3A_1453, %eq3A_1457 : vector<256x512xf32>
    %jit3A_1459 = arith.constant 512 : i32
    %broadcast_in_dim3A_1460 = vector.broadcast %jit3A_1459 : i32 to vector<256x512xi32>
    %select_n3A_1461 = arith.select %eq3A_1458, %iota3A, %broadcast_in_dim3A_1460 : vector<256x512xi1>, vector<256x512xi32>
    %reduce_min3A_1462 = arith.constant dense<2147483647> : vector<256xi32>
    %reduce_min3A_1463 = vector.multi_reduction <minsi>, %select_n3A_1461, %reduce_min3A_1462 [1] : vector<256x512xi32> to vector<256xi32>
    %broadcast_in_dim3A_1464 = vector.shape_cast %reduce_min3A_1463 : vector<256xi32> to vector<256x1xi32>
    %eq3A_1465 = vector.broadcast %broadcast_in_dim3A_1464 : vector<256x1xi32> to vector<256x512xi32>
    %eq3A_1466 = arith.cmpi eq, %iota3A, %eq3A_1465 : vector<256x512xi32>
    %jit3A_1467 = arith.constant 0xFF800000 : f32
    %broadcast_in_dim3A_1468 = vector.broadcast %jit3A_1467 : f32 to vector<256x512xf32>
    %select_n3A_1469 = arith.select %eq3A_1466, %broadcast_in_dim3A_1468, %select_n3A_1453 : vector<256x512xi1>, vector<256x512xf32>
    %reduce_max3A_1470 = arith.constant dense<0xFF800000> : vector<256xf32>
    %reduce_max3A_1471 = vector.multi_reduction <maximumf>, %select_n3A_1469, %reduce_max3A_1470 [1] : vector<256x512xf32> to vector<256xf32>
    %broadcast_in_dim3A_1472 = vector.shape_cast %reduce_max3A_1471 : vector<256xf32> to vector<256x1xf32>
    %eq3A_1473 = vector.broadcast %broadcast_in_dim3A_1472 : vector<256x1xf32> to vector<256x512xf32>
    %eq3A_1474 = arith.cmpf oeq, %select_n3A_1469, %eq3A_1473 : vector<256x512xf32>
    %jit3A_1475 = arith.constant 512 : i32
    %broadcast_in_dim3A_1476 = vector.broadcast %jit3A_1475 : i32 to vector<256x512xi32>
    %select_n3A_1477 = arith.select %eq3A_1474, %iota3A, %broadcast_in_dim3A_1476 : vector<256x512xi1>, vector<256x512xi32>
    %reduce_min3A_1478 = arith.constant dense<2147483647> : vector<256xi32>
    %reduce_min3A_1479 = vector.multi_reduction <minsi>, %select_n3A_1477, %reduce_min3A_1478 [1] : vector<256x512xi32> to vector<256xi32>
    %broadcast_in_dim3A_1480 = vector.shape_cast %reduce_min3A_1479 : vector<256xi32> to vector<256x1xi32>
    %eq3A_1481 = vector.broadcast %broadcast_in_dim3A_1480 : vector<256x1xi32> to vector<256x512xi32>
    %eq3A_1482 = arith.cmpi eq, %iota3A, %eq3A_1481 : vector<256x512xi32>
    %jit3A_1483 = arith.constant 0xFF800000 : f32
    %broadcast_in_dim3A_1484 = vector.broadcast %jit3A_1483 : f32 to vector<256x512xf32>
    %select_n3A_1485 = arith.select %eq3A_1482, %broadcast_in_dim3A_1484, %select_n3A_1469 : vector<256x512xi1>, vector<256x512xf32>
    %reduce_max3A_1486 = arith.constant dense<0xFF800000> : vector<256xf32>
    %reduce_max3A_1487 = vector.multi_reduction <maximumf>, %select_n3A_1485, %reduce_max3A_1486 [1] : vector<256x512xf32> to vector<256xf32>
    %broadcast_in_dim3A_1488 = vector.shape_cast %reduce_max3A_1487 : vector<256xf32> to vector<256x1xf32>
    %eq3A_1489 = vector.broadcast %broadcast_in_dim3A_1488 : vector<256x1xf32> to vector<256x512xf32>
    %eq3A_1490 = arith.cmpf oeq, %select_n3A_1485, %eq3A_1489 : vector<256x512xf32>
    %jit3A_1491 = arith.constant 512 : i32
    %broadcast_in_dim3A_1492 = vector.broadcast %jit3A_1491 : i32 to vector<256x512xi32>
    %select_n3A_1493 = arith.select %eq3A_1490, %iota3A, %broadcast_in_dim3A_1492 : vector<256x512xi1>, vector<256x512xi32>
    %reduce_min3A_1494 = arith.constant dense<2147483647> : vector<256xi32>
    %reduce_min3A_1495 = vector.multi_reduction <minsi>, %select_n3A_1493, %reduce_min3A_1494 [1] : vector<256x512xi32> to vector<256xi32>
    %broadcast_in_dim3A_1496 = vector.shape_cast %reduce_min3A_1495 : vector<256xi32> to vector<256x1xi32>
    %eq3A_1497 = vector.broadcast %broadcast_in_dim3A_1496 : vector<256x1xi32> to vector<256x512xi32>
    %eq3A_1498 = arith.cmpi eq, %iota3A, %eq3A_1497 : vector<256x512xi32>
    %jit3A_1499 = arith.constant 0xFF800000 : f32
    %broadcast_in_dim3A_1500 = vector.broadcast %jit3A_1499 : f32 to vector<256x512xf32>
    %select_n3A_1501 = arith.select %eq3A_1498, %broadcast_in_dim3A_1500, %select_n3A_1485 : vector<256x512xi1>, vector<256x512xf32>
    %reduce_max3A_1502 = arith.constant dense<0xFF800000> : vector<256xf32>
    %reduce_max3A_1503 = vector.multi_reduction <maximumf>, %select_n3A_1501, %reduce_max3A_1502 [1] : vector<256x512xf32> to vector<256xf32>
    %broadcast_in_dim3A_1504 = vector.shape_cast %reduce_max3A_1503 : vector<256xf32> to vector<256x1xf32>
    %eq3A_1505 = vector.broadcast %broadcast_in_dim3A_1504 : vector<256x1xf32> to vector<256x512xf32>
    %eq3A_1506 = arith.cmpf oeq, %select_n3A_1501, %eq3A_1505 : vector<256x512xf32>
    %jit3A_1507 = arith.constant 512 : i32
    %broadcast_in_dim3A_1508 = vector.broadcast %jit3A_1507 : i32 to vector<256x512xi32>
    %select_n3A_1509 = arith.select %eq3A_1506, %iota3A, %broadcast_in_dim3A_1508 : vector<256x512xi1>, vector<256x512xi32>
    %reduce_min3A_1510 = arith.constant dense<2147483647> : vector<256xi32>
    %reduce_min3A_1511 = vector.multi_reduction <minsi>, %select_n3A_1509, %reduce_min3A_1510 [1] : vector<256x512xi32> to vector<256xi32>
    %broadcast_in_dim3A_1512 = vector.shape_cast %reduce_min3A_1511 : vector<256xi32> to vector<256x1xi32>
    %eq3A_1513 = vector.broadcast %broadcast_in_dim3A_1512 : vector<256x1xi32> to vector<256x512xi32>
    %eq3A_1514 = arith.cmpi eq, %iota3A, %eq3A_1513 : vector<256x512xi32>
    %jit3A_1515 = arith.constant 0xFF800000 : f32
    %broadcast_in_dim3A_1516 = vector.broadcast %jit3A_1515 : f32 to vector<256x512xf32>
    %select_n3A_1517 = arith.select %eq3A_1514, %broadcast_in_dim3A_1516, %select_n3A_1501 : vector<256x512xi1>, vector<256x512xf32>
    %concatenate3A_1518 = tpu.concatenate %broadcast_in_dim3A_1392, %broadcast_in_dim3A_1408, %broadcast_in_dim3A_1424, %broadcast_in_dim3A_1440, %broadcast_in_dim3A_1456, %broadcast_in_dim3A_1472, %broadcast_in_dim3A_1488, %broadcast_in_dim3A_1504 in 1 : vector<256x1xf32>, vector<256x1xf32>, vector<256x1xf32>, vector<256x1xf32>, vector<256x1xf32>, vector<256x1xf32>, vector<256x1xf32>, vector<256x1xf32> -> vector<256x8xf32>
    %slice3A_1519 = vector.extract_strided_slice %concatenate3A_1518 {offsets = [0, 0], sizes = [256, 1], strides = [1, 1]} : vector<256x8xf32> to vector<256x1xf32>
    %sub3A_1520 = vector.broadcast %slice3A_1519 : vector<256x1xf32> to vector<256x8xf32>
    %sub3A_1521 = arith.subf %concatenate3A_1518, %sub3A_1520 : vector<256x8xf32>
    %exp3A_1522 = math.exp %sub3A_1521 : vector<256x8xf32>
    %reduce_sum3A_1523 = arith.constant dense<0.000000e+00> : vector<256xf32>
    %reduce_sum3A_1524 = vector.multi_reduction <add>, %exp3A_1522, %reduce_sum3A_1523 [1] : vector<256x8xf32> to vector<256xf32>
    %broadcast_in_dim3A_1525 = vector.shape_cast %reduce_sum3A_1524 : vector<256xf32> to vector<256x1xf32>
    %eq3A_1526 = arith.constant 0xFF800000 : f32
    %eq3A_1527 = vector.broadcast %eq3A_1526 : f32 to vector<256x512xf32>
    %eq3A_1528 = arith.cmpf oeq, %select_n3A_1517, %eq3A_1527 : vector<256x512xf32>
    %sub3A_1529 = vector.broadcast %slice3A_1519 : vector<256x1xf32> to vector<256x512xf32>
    %sub3A_1530 = arith.subf %mul3A_1386, %sub3A_1529 : vector<256x512xf32>
    %exp3A_1531 = math.exp %sub3A_1530 : vector<256x512xf32>
    %div3A_1532 = vector.broadcast %broadcast_in_dim3A_1525 : vector<256x1xf32> to vector<256x512xf32>
    %div3A_1533 = arith.divf %exp3A_1531, %div3A_1532 : vector<256x512xf32>
    %jit3A_1534 = arith.constant 0.000000e+00 : f32
    %broadcast_in_dim3A_1535 = vector.broadcast %jit3A_1534 : f32 to vector<256x512xf32>
    %select_n3A_1536 = arith.select %eq3A_1528, %div3A_1533, %broadcast_in_dim3A_1535 : vector<256x512xi1>, vector<256x512xf32>
    %convert_element_type3A_1537 = arith.truncf %select_n3A_1536 : vector<256x512xf32> to vector<256x512xbf16>
    %get3A_1538 = arith.constant 8 : index
    %get3A_1539 = arith.constant 0 : index
    %get3A_1540 = arith.constant 0 : index
    %get3A_1541 = vector.load %arg5[%get3A_1538, %get3A_1539, %get3A_1540] : memref<16x512x128xbf16, #tpu.memory_space<vmem>>, vector<1x512x128xbf16>
    %get3A_1542 = vector.shape_cast %get3A_1541 : vector<1x512x128xbf16> to vector<512x128xbf16>
    %dot_general3A_1543 = arith.constant dense<0.000000e+00> : vector<256x128xf32>
    %dot_general3A_1544 = tpu.matmul %convert_element_type3A_1537, %get3A_1542, %dot_general3A_1543 {dimension_numbers = #tpu.dot_dimension_numbers<[1], [0], [0], [1], [0, 0, 1, 1], [], []>, transpose_lhs_hint = false} : vector<256x512xbf16>, vector<512x128xbf16>, vector<256x128xf32> -> vector<256x128xf32>
    %slice3A_1545 = vector.extract_strided_slice %add3A_34 {offsets = [0, 1152], sizes = [256, 128], strides = [1, 1]} : vector<256x2048xf32> to vector<256x128xf32>
    %get3A_1546 = arith.constant 9 : index
    %get3A_1547 = arith.constant 0 : index
    %get3A_1548 = arith.constant 0 : index
    %get3A_1549 = vector.load %arg4[%get3A_1546, %get3A_1547, %get3A_1548] : memref<16x512x128xf32, #tpu.memory_space<vmem>>, vector<1x512x128xf32>
    %get3A_1550 = vector.shape_cast %get3A_1549 : vector<1x512x128xf32> to vector<512x128xf32>
    %dot_general3A_1551 = arith.constant dense<0.000000e+00> : vector<256x512xf32>
    %dot_general3A_1552 = tpu.matmul %slice3A_1545, %get3A_1550, %dot_general3A_1551 {dimension_numbers = #tpu.dot_dimension_numbers<[1], [1], [0], [0], [0, 0, 1, 0], [], []>, transpose_lhs_hint = false} : vector<256x128xf32>, vector<512x128xf32>, vector<256x512xf32> -> vector<256x512xf32>
    %mul3A_1553 = vector.broadcast %div3A_42 : f32 to vector<256x512xf32>
    %mul3A_1554 = arith.mulf %dot_general3A_1552, %mul3A_1553 : vector<256x512xf32>
    %swap3A_1555 = arith.constant 0 : index
    %swap3A_1556 = arith.constant 4608 : index
    %swap3A_1557 = vector.load %arg13[%swap3A_1555, %swap3A_1556] : memref<256x8192xf32, #tpu.memory_space<vmem>>, vector<256x512xf32>
    tpu.vector_store %arg13[%swap3A_1555, %swap3A_1556], %mul3A_1554 {strides = array<i32>} : memref<256x8192xf32, #tpu.memory_space<vmem>>, vector<256x512xf32>,
    %reduce_max3A_1558 = arith.constant dense<0xFF800000> : vector<256xf32>
    %reduce_max3A_1559 = vector.multi_reduction <maximumf>, %mul3A_1554, %reduce_max3A_1558 [1] : vector<256x512xf32> to vector<256xf32>
    %broadcast_in_dim3A_1560 = vector.shape_cast %reduce_max3A_1559 : vector<256xf32> to vector<256x1xf32>
    %eq3A_1561 = vector.broadcast %broadcast_in_dim3A_1560 : vector<256x1xf32> to vector<256x512xf32>
    %eq3A_1562 = arith.cmpf oeq, %mul3A_1554, %eq3A_1561 : vector<256x512xf32>
    %jit3A_1563 = arith.constant 512 : i32
    %broadcast_in_dim3A_1564 = vector.broadcast %jit3A_1563 : i32 to vector<256x512xi32>
    %select_n3A_1565 = arith.select %eq3A_1562, %iota3A, %broadcast_in_dim3A_1564 : vector<256x512xi1>, vector<256x512xi32>
    %reduce_min3A_1566 = arith.constant dense<2147483647> : vector<256xi32>
    %reduce_min3A_1567 = vector.multi_reduction <minsi>, %select_n3A_1565, %reduce_min3A_1566 [1] : vector<256x512xi32> to vector<256xi32>
    %broadcast_in_dim3A_1568 = vector.shape_cast %reduce_min3A_1567 : vector<256xi32> to vector<256x1xi32>
    %eq3A_1569 = vector.broadcast %broadcast_in_dim3A_1568 : vector<256x1xi32> to vector<256x512xi32>
    %eq3A_1570 = arith.cmpi eq, %iota3A, %eq3A_1569 : vector<256x512xi32>
    %jit3A_1571 = arith.constant 0xFF800000 : f32
    %broadcast_in_dim3A_1572 = vector.broadcast %jit3A_1571 : f32 to vector<256x512xf32>
    %select_n3A_1573 = arith.select %eq3A_1570, %broadcast_in_dim3A_1572, %mul3A_1554 : vector<256x512xi1>, vector<256x512xf32>
    %reduce_max3A_1574 = arith.constant dense<0xFF800000> : vector<256xf32>
    %reduce_max3A_1575 = vector.multi_reduction <maximumf>, %select_n3A_1573, %reduce_max3A_1574 [1] : vector<256x512xf32> to vector<256xf32>
    %broadcast_in_dim3A_1576 = vector.shape_cast %reduce_max3A_1575 : vector<256xf32> to vector<256x1xf32>
    %eq3A_1577 = vector.broadcast %broadcast_in_dim3A_1576 : vector<256x1xf32> to vector<256x512xf32>
    %eq3A_1578 = arith.cmpf oeq, %select_n3A_1573, %eq3A_1577 : vector<256x512xf32>
    %jit3A_1579 = arith.constant 512 : i32
    %broadcast_in_dim3A_1580 = vector.broadcast %jit3A_1579 : i32 to vector<256x512xi32>
    %select_n3A_1581 = arith.select %eq3A_1578, %iota3A, %broadcast_in_dim3A_1580 : vector<256x512xi1>, vector<256x512xi32>
    %reduce_min3A_1582 = arith.constant dense<2147483647> : vector<256xi32>
    %reduce_min3A_1583 = vector.multi_reduction <minsi>, %select_n3A_1581, %reduce_min3A_1582 [1] : vector<256x512xi32> to vector<256xi32>
    %broadcast_in_dim3A_1584 = vector.shape_cast %reduce_min3A_1583 : vector<256xi32> to vector<256x1xi32>
    %eq3A_1585 = vector.broadcast %broadcast_in_dim3A_1584 : vector<256x1xi32> to vector<256x512xi32>
    %eq3A_1586 = arith.cmpi eq, %iota3A, %eq3A_1585 : vector<256x512xi32>
    %jit3A_1587 = arith.constant 0xFF800000 : f32
    %broadcast_in_dim3A_1588 = vector.broadcast %jit3A_1587 : f32 to vector<256x512xf32>
    %select_n3A_1589 = arith.select %eq3A_1586, %broadcast_in_dim3A_1588, %select_n3A_1573 : vector<256x512xi1>, vector<256x512xf32>
    %reduce_max3A_1590 = arith.constant dense<0xFF800000> : vector<256xf32>
    %reduce_max3A_1591 = vector.multi_reduction <maximumf>, %select_n3A_1589, %reduce_max3A_1590 [1] : vector<256x512xf32> to vector<256xf32>
    %broadcast_in_dim3A_1592 = vector.shape_cast %reduce_max3A_1591 : vector<256xf32> to vector<256x1xf32>
    %eq3A_1593 = vector.broadcast %broadcast_in_dim3A_1592 : vector<256x1xf32> to vector<256x512xf32>
    %eq3A_1594 = arith.cmpf oeq, %select_n3A_1589, %eq3A_1593 : vector<256x512xf32>
    %jit3A_1595 = arith.constant 512 : i32
    %broadcast_in_dim3A_1596 = vector.broadcast %jit3A_1595 : i32 to vector<256x512xi32>
    %select_n3A_1597 = arith.select %eq3A_1594, %iota3A, %broadcast_in_dim3A_1596 : vector<256x512xi1>, vector<256x512xi32>
    %reduce_min3A_1598 = arith.constant dense<2147483647> : vector<256xi32>
    %reduce_min3A_1599 = vector.multi_reduction <minsi>, %select_n3A_1597, %reduce_min3A_1598 [1] : vector<256x512xi32> to vector<256xi32>
    %broadcast_in_dim3A_1600 = vector.shape_cast %reduce_min3A_1599 : vector<256xi32> to vector<256x1xi32>
    %eq3A_1601 = vector.broadcast %broadcast_in_dim3A_1600 : vector<256x1xi32> to vector<256x512xi32>
    %eq3A_1602 = arith.cmpi eq, %iota3A, %eq3A_1601 : vector<256x512xi32>
    %jit3A_1603 = arith.constant 0xFF800000 : f32
    %broadcast_in_dim3A_1604 = vector.broadcast %jit3A_1603 : f32 to vector<256x512xf32>
    %select_n3A_1605 = arith.select %eq3A_1602, %broadcast_in_dim3A_1604, %select_n3A_1589 : vector<256x512xi1>, vector<256x512xf32>
    %reduce_max3A_1606 = arith.constant dense<0xFF800000> : vector<256xf32>
    %reduce_max3A_1607 = vector.multi_reduction <maximumf>, %select_n3A_1605, %reduce_max3A_1606 [1] : vector<256x512xf32> to vector<256xf32>
    %broadcast_in_dim3A_1608 = vector.shape_cast %reduce_max3A_1607 : vector<256xf32> to vector<256x1xf32>
    %eq3A_1609 = vector.broadcast %broadcast_in_dim3A_1608 : vector<256x1xf32> to vector<256x512xf32>
    %eq3A_1610 = arith.cmpf oeq, %select_n3A_1605, %eq3A_1609 : vector<256x512xf32>
    %jit3A_1611 = arith.constant 512 : i32
    %broadcast_in_dim3A_1612 = vector.broadcast %jit3A_1611 : i32 to vector<256x512xi32>
    %select_n3A_1613 = arith.select %eq3A_1610, %iota3A, %broadcast_in_dim3A_1612 : vector<256x512xi1>, vector<256x512xi32>
    %reduce_min3A_1614 = arith.constant dense<2147483647> : vector<256xi32>
    %reduce_min3A_1615 = vector.multi_reduction <minsi>, %select_n3A_1613, %reduce_min3A_1614 [1] : vector<256x512xi32> to vector<256xi32>
    %broadcast_in_dim3A_1616 = vector.shape_cast %reduce_min3A_1615 : vector<256xi32> to vector<256x1xi32>
    %eq3A_1617 = vector.broadcast %broadcast_in_dim3A_1616 : vector<256x1xi32> to vector<256x512xi32>
    %eq3A_1618 = arith.cmpi eq, %iota3A, %eq3A_1617 : vector<256x512xi32>
    %jit3A_1619 = arith.constant 0xFF800000 : f32
    %broadcast_in_dim3A_1620 = vector.broadcast %jit3A_1619 : f32 to vector<256x512xf32>
    %select_n3A_1621 = arith.select %eq3A_1618, %broadcast_in_dim3A_1620, %select_n3A_1605 : vector<256x512xi1>, vector<256x512xf32>
    %reduce_max3A_1622 = arith.constant dense<0xFF800000> : vector<256xf32>
    %reduce_max3A_1623 = vector.multi_reduction <maximumf>, %select_n3A_1621, %reduce_max3A_1622 [1] : vector<256x512xf32> to vector<256xf32>
    %broadcast_in_dim3A_1624 = vector.shape_cast %reduce_max3A_1623 : vector<256xf32> to vector<256x1xf32>
    %eq3A_1625 = vector.broadcast %broadcast_in_dim3A_1624 : vector<256x1xf32> to vector<256x512xf32>
    %eq3A_1626 = arith.cmpf oeq, %select_n3A_1621, %eq3A_1625 : vector<256x512xf32>
    %jit3A_1627 = arith.constant 512 : i32
    %broadcast_in_dim3A_1628 = vector.broadcast %jit3A_1627 : i32 to vector<256x512xi32>
    %select_n3A_1629 = arith.select %eq3A_1626, %iota3A, %broadcast_in_dim3A_1628 : vector<256x512xi1>, vector<256x512xi32>
    %reduce_min3A_1630 = arith.constant dense<2147483647> : vector<256xi32>
    %reduce_min3A_1631 = vector.multi_reduction <minsi>, %select_n3A_1629, %reduce_min3A_1630 [1] : vector<256x512xi32> to vector<256xi32>
    %broadcast_in_dim3A_1632 = vector.shape_cast %reduce_min3A_1631 : vector<256xi32> to vector<256x1xi32>
    %eq3A_1633 = vector.broadcast %broadcast_in_dim3A_1632 : vector<256x1xi32> to vector<256x512xi32>
    %eq3A_1634 = arith.cmpi eq, %iota3A, %eq3A_1633 : vector<256x512xi32>
    %jit3A_1635 = arith.constant 0xFF800000 : f32
    %broadcast_in_dim3A_1636 = vector.broadcast %jit3A_1635 : f32 to vector<256x512xf32>
    %select_n3A_1637 = arith.select %eq3A_1634, %broadcast_in_dim3A_1636, %select_n3A_1621 : vector<256x512xi1>, vector<256x512xf32>
    %reduce_max3A_1638 = arith.constant dense<0xFF800000> : vector<256xf32>
    %reduce_max3A_1639 = vector.multi_reduction <maximumf>, %select_n3A_1637, %reduce_max3A_1638 [1] : vector<256x512xf32> to vector<256xf32>
    %broadcast_in_dim3A_1640 = vector.shape_cast %reduce_max3A_1639 : vector<256xf32> to vector<256x1xf32>
    %eq3A_1641 = vector.broadcast %broadcast_in_dim3A_1640 : vector<256x1xf32> to vector<256x512xf32>
    %eq3A_1642 = arith.cmpf oeq, %select_n3A_1637, %eq3A_1641 : vector<256x512xf32>
    %jit3A_1643 = arith.constant 512 : i32
    %broadcast_in_dim3A_1644 = vector.broadcast %jit3A_1643 : i32 to vector<256x512xi32>
    %select_n3A_1645 = arith.select %eq3A_1642, %iota3A, %broadcast_in_dim3A_1644 : vector<256x512xi1>, vector<256x512xi32>
    %reduce_min3A_1646 = arith.constant dense<2147483647> : vector<256xi32>
    %reduce_min3A_1647 = vector.multi_reduction <minsi>, %select_n3A_1645, %reduce_min3A_1646 [1] : vector<256x512xi32> to vector<256xi32>
    %broadcast_in_dim3A_1648 = vector.shape_cast %reduce_min3A_1647 : vector<256xi32> to vector<256x1xi32>
    %eq3A_1649 = vector.broadcast %broadcast_in_dim3A_1648 : vector<256x1xi32> to vector<256x512xi32>
    %eq3A_1650 = arith.cmpi eq, %iota3A, %eq3A_1649 : vector<256x512xi32>
    %jit3A_1651 = arith.constant 0xFF800000 : f32
    %broadcast_in_dim3A_1652 = vector.broadcast %jit3A_1651 : f32 to vector<256x512xf32>
    %select_n3A_1653 = arith.select %eq3A_1650, %broadcast_in_dim3A_1652, %select_n3A_1637 : vector<256x512xi1>, vector<256x512xf32>
    %reduce_max3A_1654 = arith.constant dense<0xFF800000> : vector<256xf32>
    %reduce_max3A_1655 = vector.multi_reduction <maximumf>, %select_n3A_1653, %reduce_max3A_1654 [1] : vector<256x512xf32> to vector<256xf32>
    %broadcast_in_dim3A_1656 = vector.shape_cast %reduce_max3A_1655 : vector<256xf32> to vector<256x1xf32>
    %eq3A_1657 = vector.broadcast %broadcast_in_dim3A_1656 : vector<256x1xf32> to vector<256x512xf32>
    %eq3A_1658 = arith.cmpf oeq, %select_n3A_1653, %eq3A_1657 : vector<256x512xf32>
    %jit3A_1659 = arith.constant 512 : i32
    %broadcast_in_dim3A_1660 = vector.broadcast %jit3A_1659 : i32 to vector<256x512xi32>
    %select_n3A_1661 = arith.select %eq3A_1658, %iota3A, %broadcast_in_dim3A_1660 : vector<256x512xi1>, vector<256x512xi32>
    %reduce_min3A_1662 = arith.constant dense<2147483647> : vector<256xi32>
    %reduce_min3A_1663 = vector.multi_reduction <minsi>, %select_n3A_1661, %reduce_min3A_1662 [1] : vector<256x512xi32> to vector<256xi32>
    %broadcast_in_dim3A_1664 = vector.shape_cast %reduce_min3A_1663 : vector<256xi32> to vector<256x1xi32>
    %eq3A_1665 = vector.broadcast %broadcast_in_dim3A_1664 : vector<256x1xi32> to vector<256x512xi32>
    %eq3A_1666 = arith.cmpi eq, %iota3A, %eq3A_1665 : vector<256x512xi32>
    %jit3A_1667 = arith.constant 0xFF800000 : f32
    %broadcast_in_dim3A_1668 = vector.broadcast %jit3A_1667 : f32 to vector<256x512xf32>
    %select_n3A_1669 = arith.select %eq3A_1666, %broadcast_in_dim3A_1668, %select_n3A_1653 : vector<256x512xi1>, vector<256x512xf32>
    %reduce_max3A_1670 = arith.constant dense<0xFF800000> : vector<256xf32>
    %reduce_max3A_1671 = vector.multi_reduction <maximumf>, %select_n3A_1669, %reduce_max3A_1670 [1] : vector<256x512xf32> to vector<256xf32>
    %broadcast_in_dim3A_1672 = vector.shape_cast %reduce_max3A_1671 : vector<256xf32> to vector<256x1xf32>
    %eq3A_1673 = vector.broadcast %broadcast_in_dim3A_1672 : vector<256x1xf32> to vector<256x512xf32>
    %eq3A_1674 = arith.cmpf oeq, %select_n3A_1669, %eq3A_1673 : vector<256x512xf32>
    %jit3A_1675 = arith.constant 512 : i32
    %broadcast_in_dim3A_1676 = vector.broadcast %jit3A_1675 : i32 to vector<256x512xi32>
    %select_n3A_1677 = arith.select %eq3A_1674, %iota3A, %broadcast_in_dim3A_1676 : vector<256x512xi1>, vector<256x512xi32>
    %reduce_min3A_1678 = arith.constant dense<2147483647> : vector<256xi32>
    %reduce_min3A_1679 = vector.multi_reduction <minsi>, %select_n3A_1677, %reduce_min3A_1678 [1] : vector<256x512xi32> to vector<256xi32>
    %broadcast_in_dim3A_1680 = vector.shape_cast %reduce_min3A_1679 : vector<256xi32> to vector<256x1xi32>
    %eq3A_1681 = vector.broadcast %broadcast_in_dim3A_1680 : vector<256x1xi32> to vector<256x512xi32>
    %eq3A_1682 = arith.cmpi eq, %iota3A, %eq3A_1681 : vector<256x512xi32>
    %jit3A_1683 = arith.constant 0xFF800000 : f32
    %broadcast_in_dim3A_1684 = vector.broadcast %jit3A_1683 : f32 to vector<256x512xf32>
    %select_n3A_1685 = arith.select %eq3A_1682, %broadcast_in_dim3A_1684, %select_n3A_1669 : vector<256x512xi1>, vector<256x512xf32>
    %concatenate3A_1686 = tpu.concatenate %broadcast_in_dim3A_1560, %broadcast_in_dim3A_1576, %broadcast_in_dim3A_1592, %broadcast_in_dim3A_1608, %broadcast_in_dim3A_1624, %broadcast_in_dim3A_1640, %broadcast_in_dim3A_1656, %broadcast_in_dim3A_1672 in 1 : vector<256x1xf32>, vector<256x1xf32>, vector<256x1xf32>, vector<256x1xf32>, vector<256x1xf32>, vector<256x1xf32>, vector<256x1xf32>, vector<256x1xf32> -> vector<256x8xf32>
    %slice3A_1687 = vector.extract_strided_slice %concatenate3A_1686 {offsets = [0, 0], sizes = [256, 1], strides = [1, 1]} : vector<256x8xf32> to vector<256x1xf32>
    %sub3A_1688 = vector.broadcast %slice3A_1687 : vector<256x1xf32> to vector<256x8xf32>
    %sub3A_1689 = arith.subf %concatenate3A_1686, %sub3A_1688 : vector<256x8xf32>
    %exp3A_1690 = math.exp %sub3A_1689 : vector<256x8xf32>
    %reduce_sum3A_1691 = arith.constant dense<0.000000e+00> : vector<256xf32>
    %reduce_sum3A_1692 = vector.multi_reduction <add>, %exp3A_1690, %reduce_sum3A_1691 [1] : vector<256x8xf32> to vector<256xf32>
    %broadcast_in_dim3A_1693 = vector.shape_cast %reduce_sum3A_1692 : vector<256xf32> to vector<256x1xf32>
    %eq3A_1694 = arith.constant 0xFF800000 : f32
    %eq3A_1695 = vector.broadcast %eq3A_1694 : f32 to vector<256x512xf32>
    %eq3A_1696 = arith.cmpf oeq, %select_n3A_1685, %eq3A_1695 : vector<256x512xf32>
    %sub3A_1697 = vector.broadcast %slice3A_1687 : vector<256x1xf32> to vector<256x512xf32>
    %sub3A_1698 = arith.subf %mul3A_1554, %sub3A_1697 : vector<256x512xf32>
    %exp3A_1699 = math.exp %sub3A_1698 : vector<256x512xf32>
    %div3A_1700 = vector.broadcast %broadcast_in_dim3A_1693 : vector<256x1xf32> to vector<256x512xf32>
    %div3A_1701 = arith.divf %exp3A_1699, %div3A_1700 : vector<256x512xf32>
    %jit3A_1702 = arith.constant 0.000000e+00 : f32
    %broadcast_in_dim3A_1703 = vector.broadcast %jit3A_1702 : f32 to vector<256x512xf32>
    %select_n3A_1704 = arith.select %eq3A_1696, %div3A_1701, %broadcast_in_dim3A_1703 : vector<256x512xi1>, vector<256x512xf32>
    %convert_element_type3A_1705 = arith.truncf %select_n3A_1704 : vector<256x512xf32> to vector<256x512xbf16>
    %get3A_1706 = arith.constant 9 : index
    %get3A_1707 = arith.constant 0 : index
    %get3A_1708 = arith.constant 0 : index
    %get3A_1709 = vector.load %arg5[%get3A_1706, %get3A_1707, %get3A_1708] : memref<16x512x128xbf16, #tpu.memory_space<vmem>>, vector<1x512x128xbf16>
    %get3A_1710 = vector.shape_cast %get3A_1709 : vector<1x512x128xbf16> to vector<512x128xbf16>
    %dot_general3A_1711 = arith.constant dense<0.000000e+00> : vector<256x128xf32>
    %dot_general3A_1712 = tpu.matmul %convert_element_type3A_1705, %get3A_1710, %dot_general3A_1711 {dimension_numbers = #tpu.dot_dimension_numbers<[1], [0], [0], [1], [0, 0, 1, 1], [], []>, transpose_lhs_hint = false} : vector<256x512xbf16>, vector<512x128xbf16>, vector<256x128xf32> -> vector<256x128xf32>
    %slice3A_1713 = vector.extract_strided_slice %add3A_34 {offsets = [0, 1280], sizes = [256, 128], strides = [1, 1]} : vector<256x2048xf32> to vector<256x128xf32>
    %get3A_1714 = arith.constant 10 : index
    %get3A_1715 = arith.constant 0 : index
    %get3A_1716 = arith.constant 0 : index
    %get3A_1717 = vector.load %arg4[%get3A_1714, %get3A_1715, %get3A_1716] : memref<16x512x128xf32, #tpu.memory_space<vmem>>, vector<1x512x128xf32>
    %get3A_1718 = vector.shape_cast %get3A_1717 : vector<1x512x128xf32> to vector<512x128xf32>
    %dot_general3A_1719 = arith.constant dense<0.000000e+00> : vector<256x512xf32>
    %dot_general3A_1720 = tpu.matmul %slice3A_1713, %get3A_1718, %dot_general3A_1719 {dimension_numbers = #tpu.dot_dimension_numbers<[1], [1], [0], [0], [0, 0, 1, 0], [], []>, transpose_lhs_hint = false} : vector<256x128xf32>, vector<512x128xf32>, vector<256x512xf32> -> vector<256x512xf32>
    %mul3A_1721 = vector.broadcast %div3A_42 : f32 to vector<256x512xf32>
    %mul3A_1722 = arith.mulf %dot_general3A_1720, %mul3A_1721 : vector<256x512xf32>
    %swap3A_1723 = arith.constant 0 : index
    %swap3A_1724 = arith.constant 5120 : index
    %swap3A_1725 = vector.load %arg13[%swap3A_1723, %swap3A_1724] : memref<256x8192xf32, #tpu.memory_space<vmem>>, vector<256x512xf32>
    tpu.vector_store %arg13[%swap3A_1723, %swap3A_1724], %mul3A_1722 {strides = array<i32>} : memref<256x8192xf32, #tpu.memory_space<vmem>>, vector<256x512xf32>,
    %reduce_max3A_1726 = arith.constant dense<0xFF800000> : vector<256xf32>
    %reduce_max3A_1727 = vector.multi_reduction <maximumf>, %mul3A_1722, %reduce_max3A_1726 [1] : vector<256x512xf32> to vector<256xf32>
    %broadcast_in_dim3A_1728 = vector.shape_cast %reduce_max3A_1727 : vector<256xf32> to vector<256x1xf32>
    %eq3A_1729 = vector.broadcast %broadcast_in_dim3A_1728 : vector<256x1xf32> to vector<256x512xf32>
    %eq3A_1730 = arith.cmpf oeq, %mul3A_1722, %eq3A_1729 : vector<256x512xf32>
    %jit3A_1731 = arith.constant 512 : i32
    %broadcast_in_dim3A_1732 = vector.broadcast %jit3A_1731 : i32 to vector<256x512xi32>
    %select_n3A_1733 = arith.select %eq3A_1730, %iota3A, %broadcast_in_dim3A_1732 : vector<256x512xi1>, vector<256x512xi32>
    %reduce_min3A_1734 = arith.constant dense<2147483647> : vector<256xi32>
    %reduce_min3A_1735 = vector.multi_reduction <minsi>, %select_n3A_1733, %reduce_min3A_1734 [1] : vector<256x512xi32> to vector<256xi32>
    %broadcast_in_dim3A_1736 = vector.shape_cast %reduce_min3A_1735 : vector<256xi32> to vector<256x1xi32>
    %eq3A_1737 = vector.broadcast %broadcast_in_dim3A_1736 : vector<256x1xi32> to vector<256x512xi32>
    %eq3A_1738 = arith.cmpi eq, %iota3A, %eq3A_1737 : vector<256x512xi32>
    %jit3A_1739 = arith.constant 0xFF800000 : f32
    %broadcast_in_dim3A_1740 = vector.broadcast %jit3A_1739 : f32 to vector<256x512xf32>
    %select_n3A_1741 = arith.select %eq3A_1738, %broadcast_in_dim3A_1740, %mul3A_1722 : vector<256x512xi1>, vector<256x512xf32>
    %reduce_max3A_1742 = arith.constant dense<0xFF800000> : vector<256xf32>
    %reduce_max3A_1743 = vector.multi_reduction <maximumf>, %select_n3A_1741, %reduce_max3A_1742 [1] : vector<256x512xf32> to vector<256xf32>
    %broadcast_in_dim3A_1744 = vector.shape_cast %reduce_max3A_1743 : vector<256xf32> to vector<256x1xf32>
    %eq3A_1745 = vector.broadcast %broadcast_in_dim3A_1744 : vector<256x1xf32> to vector<256x512xf32>
    %eq3A_1746 = arith.cmpf oeq, %select_n3A_1741, %eq3A_1745 : vector<256x512xf32>
    %jit3A_1747 = arith.constant 512 : i32
    %broadcast_in_dim3A_1748 = vector.broadcast %jit3A_1747 : i32 to vector<256x512xi32>
    %select_n3A_1749 = arith.select %eq3A_1746, %iota3A, %broadcast_in_dim3A_1748 : vector<256x512xi1>, vector<256x512xi32>
    %reduce_min3A_1750 = arith.constant dense<2147483647> : vector<256xi32>
    %reduce_min3A_1751 = vector.multi_reduction <minsi>, %select_n3A_1749, %reduce_min3A_1750 [1] : vector<256x512xi32> to vector<256xi32>
    %broadcast_in_dim3A_1752 = vector.shape_cast %reduce_min3A_1751 : vector<256xi32> to vector<256x1xi32>
    %eq3A_1753 = vector.broadcast %broadcast_in_dim3A_1752 : vector<256x1xi32> to vector<256x512xi32>
    %eq3A_1754 = arith.cmpi eq, %iota3A, %eq3A_1753 : vector<256x512xi32>
    %jit3A_1755 = arith.constant 0xFF800000 : f32
    %broadcast_in_dim3A_1756 = vector.broadcast %jit3A_1755 : f32 to vector<256x512xf32>
    %select_n3A_1757 = arith.select %eq3A_1754, %broadcast_in_dim3A_1756, %select_n3A_1741 : vector<256x512xi1>, vector<256x512xf32>
    %reduce_max3A_1758 = arith.constant dense<0xFF800000> : vector<256xf32>
    %reduce_max3A_1759 = vector.multi_reduction <maximumf>, %select_n3A_1757, %reduce_max3A_1758 [1] : vector<256x512xf32> to vector<256xf32>
    %broadcast_in_dim3A_1760 = vector.shape_cast %reduce_max3A_1759 : vector<256xf32> to vector<256x1xf32>
    %eq3A_1761 = vector.broadcast %broadcast_in_dim3A_1760 : vector<256x1xf32> to vector<256x512xf32>
    %eq3A_1762 = arith.cmpf oeq, %select_n3A_1757, %eq3A_1761 : vector<256x512xf32>
    %jit3A_1763 = arith.constant 512 : i32
    %broadcast_in_dim3A_1764 = vector.broadcast %jit3A_1763 : i32 to vector<256x512xi32>
    %select_n3A_1765 = arith.select %eq3A_1762, %iota3A, %broadcast_in_dim3A_1764 : vector<256x512xi1>, vector<256x512xi32>
    %reduce_min3A_1766 = arith.constant dense<2147483647> : vector<256xi32>
    %reduce_min3A_1767 = vector.multi_reduction <minsi>, %select_n3A_1765, %reduce_min3A_1766 [1] : vector<256x512xi32> to vector<256xi32>
    %broadcast_in_dim3A_1768 = vector.shape_cast %reduce_min3A_1767 : vector<256xi32> to vector<256x1xi32>
    %eq3A_1769 = vector.broadcast %broadcast_in_dim3A_1768 : vector<256x1xi32> to vector<256x512xi32>
    %eq3A_1770 = arith.cmpi eq, %iota3A, %eq3A_1769 : vector<256x512xi32>
    %jit3A_1771 = arith.constant 0xFF800000 : f32
    %broadcast_in_dim3A_1772 = vector.broadcast %jit3A_1771 : f32 to vector<256x512xf32>
    %select_n3A_1773 = arith.select %eq3A_1770, %broadcast_in_dim3A_1772, %select_n3A_1757 : vector<256x512xi1>, vector<256x512xf32>
    %reduce_max3A_1774 = arith.constant dense<0xFF800000> : vector<256xf32>
    %reduce_max3A_1775 = vector.multi_reduction <maximumf>, %select_n3A_1773, %reduce_max3A_1774 [1] : vector<256x512xf32> to vector<256xf32>
    %broadcast_in_dim3A_1776 = vector.shape_cast %reduce_max3A_1775 : vector<256xf32> to vector<256x1xf32>
    %eq3A_1777 = vector.broadcast %broadcast_in_dim3A_1776 : vector<256x1xf32> to vector<256x512xf32>
    %eq3A_1778 = arith.cmpf oeq, %select_n3A_1773, %eq3A_1777 : vector<256x512xf32>
    %jit3A_1779 = arith.constant 512 : i32
    %broadcast_in_dim3A_1780 = vector.broadcast %jit3A_1779 : i32 to vector<256x512xi32>
    %select_n3A_1781 = arith.select %eq3A_1778, %iota3A, %broadcast_in_dim3A_1780 : vector<256x512xi1>, vector<256x512xi32>
    %reduce_min3A_1782 = arith.constant dense<2147483647> : vector<256xi32>
    %reduce_min3A_1783 = vector.multi_reduction <minsi>, %select_n3A_1781, %reduce_min3A_1782 [1] : vector<256x512xi32> to vector<256xi32>
    %broadcast_in_dim3A_1784 = vector.shape_cast %reduce_min3A_1783 : vector<256xi32> to vector<256x1xi32>
    %eq3A_1785 = vector.broadcast %broadcast_in_dim3A_1784 : vector<256x1xi32> to vector<256x512xi32>
    %eq3A_1786 = arith.cmpi eq, %iota3A, %eq3A_1785 : vector<256x512xi32>
    %jit3A_1787 = arith.constant 0xFF800000 : f32
    %broadcast_in_dim3A_1788 = vector.broadcast %jit3A_1787 : f32 to vector<256x512xf32>
    %select_n3A_1789 = arith.select %eq3A_1786, %broadcast_in_dim3A_1788, %select_n3A_1773 : vector<256x512xi1>, vector<256x512xf32>
    %reduce_max3A_1790 = arith.constant dense<0xFF800000> : vector<256xf32>
    %reduce_max3A_1791 = vector.multi_reduction <maximumf>, %select_n3A_1789, %reduce_max3A_1790 [1] : vector<256x512xf32> to vector<256xf32>
    %broadcast_in_dim3A_1792 = vector.shape_cast %reduce_max3A_1791 : vector<256xf32> to vector<256x1xf32>
    %eq3A_1793 = vector.broadcast %broadcast_in_dim3A_1792 : vector<256x1xf32> to vector<256x512xf32>
    %eq3A_1794 = arith.cmpf oeq, %select_n3A_1789, %eq3A_1793 : vector<256x512xf32>
    %jit3A_1795 = arith.constant 512 : i32
    %broadcast_in_dim3A_1796 = vector.broadcast %jit3A_1795 : i32 to vector<256x512xi32>
    %select_n3A_1797 = arith.select %eq3A_1794, %iota3A, %broadcast_in_dim3A_1796 : vector<256x512xi1>, vector<256x512xi32>
    %reduce_min3A_1798 = arith.constant dense<2147483647> : vector<256xi32>
    %reduce_min3A_1799 = vector.multi_reduction <minsi>, %select_n3A_1797, %reduce_min3A_1798 [1] : vector<256x512xi32> to vector<256xi32>
    %broadcast_in_dim3A_1800 = vector.shape_cast %reduce_min3A_1799 : vector<256xi32> to vector<256x1xi32>
    %eq3A_1801 = vector.broadcast %broadcast_in_dim3A_1800 : vector<256x1xi32> to vector<256x512xi32>
    %eq3A_1802 = arith.cmpi eq, %iota3A, %eq3A_1801 : vector<256x512xi32>
    %jit3A_1803 = arith.constant 0xFF800000 : f32
    %broadcast_in_dim3A_1804 = vector.broadcast %jit3A_1803 : f32 to vector<256x512xf32>
    %select_n3A_1805 = arith.select %eq3A_1802, %broadcast_in_dim3A_1804, %select_n3A_1789 : vector<256x512xi1>, vector<256x512xf32>
    %reduce_max3A_1806 = arith.constant dense<0xFF800000> : vector<256xf32>
    %reduce_max3A_1807 = vector.multi_reduction <maximumf>, %select_n3A_1805, %reduce_max3A_1806 [1] : vector<256x512xf32> to vector<256xf32>
    %broadcast_in_dim3A_1808 = vector.shape_cast %reduce_max3A_1807 : vector<256xf32> to vector<256x1xf32>
    %eq3A_1809 = vector.broadcast %broadcast_in_dim3A_1808 : vector<256x1xf32> to vector<256x512xf32>
    %eq3A_1810 = arith.cmpf oeq, %select_n3A_1805, %eq3A_1809 : vector<256x512xf32>
    %jit3A_1811 = arith.constant 512 : i32
    %broadcast_in_dim3A_1812 = vector.broadcast %jit3A_1811 : i32 to vector<256x512xi32>
    %select_n3A_1813 = arith.select %eq3A_1810, %iota3A, %broadcast_in_dim3A_1812 : vector<256x512xi1>, vector<256x512xi32>
    %reduce_min3A_1814 = arith.constant dense<2147483647> : vector<256xi32>
    %reduce_min3A_1815 = vector.multi_reduction <minsi>, %select_n3A_1813, %reduce_min3A_1814 [1] : vector<256x512xi32> to vector<256xi32>
    %broadcast_in_dim3A_1816 = vector.shape_cast %reduce_min3A_1815 : vector<256xi32> to vector<256x1xi32>
    %eq3A_1817 = vector.broadcast %broadcast_in_dim3A_1816 : vector<256x1xi32> to vector<256x512xi32>
    %eq3A_1818 = arith.cmpi eq, %iota3A, %eq3A_1817 : vector<256x512xi32>
    %jit3A_1819 = arith.constant 0xFF800000 : f32
    %broadcast_in_dim3A_1820 = vector.broadcast %jit3A_1819 : f32 to vector<256x512xf32>
    %select_n3A_1821 = arith.select %eq3A_1818, %broadcast_in_dim3A_1820, %select_n3A_1805 : vector<256x512xi1>, vector<256x512xf32>
    %reduce_max3A_1822 = arith.constant dense<0xFF800000> : vector<256xf32>
    %reduce_max3A_1823 = vector.multi_reduction <maximumf>, %select_n3A_1821, %reduce_max3A_1822 [1] : vector<256x512xf32> to vector<256xf32>
    %broadcast_in_dim3A_1824 = vector.shape_cast %reduce_max3A_1823 : vector<256xf32> to vector<256x1xf32>
    %eq3A_1825 = vector.broadcast %broadcast_in_dim3A_1824 : vector<256x1xf32> to vector<256x512xf32>
    %eq3A_1826 = arith.cmpf oeq, %select_n3A_1821, %eq3A_1825 : vector<256x512xf32>
    %jit3A_1827 = arith.constant 512 : i32
    %broadcast_in_dim3A_1828 = vector.broadcast %jit3A_1827 : i32 to vector<256x512xi32>
    %select_n3A_1829 = arith.select %eq3A_1826, %iota3A, %broadcast_in_dim3A_1828 : vector<256x512xi1>, vector<256x512xi32>
    %reduce_min3A_1830 = arith.constant dense<2147483647> : vector<256xi32>
    %reduce_min3A_1831 = vector.multi_reduction <minsi>, %select_n3A_1829, %reduce_min3A_1830 [1] : vector<256x512xi32> to vector<256xi32>
    %broadcast_in_dim3A_1832 = vector.shape_cast %reduce_min3A_1831 : vector<256xi32> to vector<256x1xi32>
    %eq3A_1833 = vector.broadcast %broadcast_in_dim3A_1832 : vector<256x1xi32> to vector<256x512xi32>
    %eq3A_1834 = arith.cmpi eq, %iota3A, %eq3A_1833 : vector<256x512xi32>
    %jit3A_1835 = arith.constant 0xFF800000 : f32
    %broadcast_in_dim3A_1836 = vector.broadcast %jit3A_1835 : f32 to vector<256x512xf32>
    %select_n3A_1837 = arith.select %eq3A_1834, %broadcast_in_dim3A_1836, %select_n3A_1821 : vector<256x512xi1>, vector<256x512xf32>
    %reduce_max3A_1838 = arith.constant dense<0xFF800000> : vector<256xf32>
    %reduce_max3A_1839 = vector.multi_reduction <maximumf>, %select_n3A_1837, %reduce_max3A_1838 [1] : vector<256x512xf32> to vector<256xf32>
    %broadcast_in_dim3A_1840 = vector.shape_cast %reduce_max3A_1839 : vector<256xf32> to vector<256x1xf32>
    %eq3A_1841 = vector.broadcast %broadcast_in_dim3A_1840 : vector<256x1xf32> to vector<256x512xf32>
    %eq3A_1842 = arith.cmpf oeq, %select_n3A_1837, %eq3A_1841 : vector<256x512xf32>
    %jit3A_1843 = arith.constant 512 : i32
    %broadcast_in_dim3A_1844 = vector.broadcast %jit3A_1843 : i32 to vector<256x512xi32>
    %select_n3A_1845 = arith.select %eq3A_1842, %iota3A, %broadcast_in_dim3A_1844 : vector<256x512xi1>, vector<256x512xi32>
    %reduce_min3A_1846 = arith.constant dense<2147483647> : vector<256xi32>
    %reduce_min3A_1847 = vector.multi_reduction <minsi>, %select_n3A_1845, %reduce_min3A_1846 [1] : vector<256x512xi32> to vector<256xi32>
    %broadcast_in_dim3A_1848 = vector.shape_cast %reduce_min3A_1847 : vector<256xi32> to vector<256x1xi32>
    %eq3A_1849 = vector.broadcast %broadcast_in_dim3A_1848 : vector<256x1xi32> to vector<256x512xi32>
    %eq3A_1850 = arith.cmpi eq, %iota3A, %eq3A_1849 : vector<256x512xi32>
    %jit3A_1851 = arith.constant 0xFF800000 : f32
    %broadcast_in_dim3A_1852 = vector.broadcast %jit3A_1851 : f32 to vector<256x512xf32>
    %select_n3A_1853 = arith.select %eq3A_1850, %broadcast_in_dim3A_1852, %select_n3A_1837 : vector<256x512xi1>, vector<256x512xf32>
    %concatenate3A_1854 = tpu.concatenate %broadcast_in_dim3A_1728, %broadcast_in_dim3A_1744, %broadcast_in_dim3A_1760, %broadcast_in_dim3A_1776, %broadcast_in_dim3A_1792, %broadcast_in_dim3A_1808, %broadcast_in_dim3A_1824, %broadcast_in_dim3A_1840 in 1 : vector<256x1xf32>, vector<256x1xf32>, vector<256x1xf32>, vector<256x1xf32>, vector<256x1xf32>, vector<256x1xf32>, vector<256x1xf32>, vector<256x1xf32> -> vector<256x8xf32>
    %slice3A_1855 = vector.extract_strided_slice %concatenate3A_1854 {offsets = [0, 0], sizes = [256, 1], strides = [1, 1]} : vector<256x8xf32> to vector<256x1xf32>
    %sub3A_1856 = vector.broadcast %slice3A_1855 : vector<256x1xf32> to vector<256x8xf32>
    %sub3A_1857 = arith.subf %concatenate3A_1854, %sub3A_1856 : vector<256x8xf32>
    %exp3A_1858 = math.exp %sub3A_1857 : vector<256x8xf32>
    %reduce_sum3A_1859 = arith.constant dense<0.000000e+00> : vector<256xf32>
    %reduce_sum3A_1860 = vector.multi_reduction <add>, %exp3A_1858, %reduce_sum3A_1859 [1] : vector<256x8xf32> to vector<256xf32>
    %broadcast_in_dim3A_1861 = vector.shape_cast %reduce_sum3A_1860 : vector<256xf32> to vector<256x1xf32>
    %eq3A_1862 = arith.constant 0xFF800000 : f32
    %eq3A_1863 = vector.broadcast %eq3A_1862 : f32 to vector<256x512xf32>
    %eq3A_1864 = arith.cmpf oeq, %select_n3A_1853, %eq3A_1863 : vector<256x512xf32>
    %sub3A_1865 = vector.broadcast %slice3A_1855 : vector<256x1xf32> to vector<256x512xf32>
    %sub3A_1866 = arith.subf %mul3A_1722, %sub3A_1865 : vector<256x512xf32>
    %exp3A_1867 = math.exp %sub3A_1866 : vector<256x512xf32>
    %div3A_1868 = vector.broadcast %broadcast_in_dim3A_1861 : vector<256x1xf32> to vector<256x512xf32>
    %div3A_1869 = arith.divf %exp3A_1867, %div3A_1868 : vector<256x512xf32>
    %jit3A_1870 = arith.constant 0.000000e+00 : f32
    %broadcast_in_dim3A_1871 = vector.broadcast %jit3A_1870 : f32 to vector<256x512xf32>
    %select_n3A_1872 = arith.select %eq3A_1864, %div3A_1869, %broadcast_in_dim3A_1871 : vector<256x512xi1>, vector<256x512xf32>
    %convert_element_type3A_1873 = arith.truncf %select_n3A_1872 : vector<256x512xf32> to vector<256x512xbf16>
    %get3A_1874 = arith.constant 10 : index
    %get3A_1875 = arith.constant 0 : index
    %get3A_1876 = arith.constant 0 : index
    %get3A_1877 = vector.load %arg5[%get3A_1874, %get3A_1875, %get3A_1876] : memref<16x512x128xbf16, #tpu.memory_space<vmem>>, vector<1x512x128xbf16>
    %get3A_1878 = vector.shape_cast %get3A_1877 : vector<1x512x128xbf16> to vector<512x128xbf16>
    %dot_general3A_1879 = arith.constant dense<0.000000e+00> : vector<256x128xf32>
    %dot_general3A_1880 = tpu.matmul %convert_element_type3A_1873, %get3A_1878, %dot_general3A_1879 {dimension_numbers = #tpu.dot_dimension_numbers<[1], [0], [0], [1], [0, 0, 1, 1], [], []>, transpose_lhs_hint = false} : vector<256x512xbf16>, vector<512x128xbf16>, vector<256x128xf32> -> vector<256x128xf32>
    %slice3A_1881 = vector.extract_strided_slice %add3A_34 {offsets = [0, 1408], sizes = [256, 128], strides = [1, 1]} : vector<256x2048xf32> to vector<256x128xf32>
    %get3A_1882 = arith.constant 11 : index
    %get3A_1883 = arith.constant 0 : index
    %get3A_1884 = arith.constant 0 : index
    %get3A_1885 = vector.load %arg4[%get3A_1882, %get3A_1883, %get3A_1884] : memref<16x512x128xf32, #tpu.memory_space<vmem>>, vector<1x512x128xf32>
    %get3A_1886 = vector.shape_cast %get3A_1885 : vector<1x512x128xf32> to vector<512x128xf32>
    %dot_general3A_1887 = arith.constant dense<0.000000e+00> : vector<256x512xf32>
    %dot_general3A_1888 = tpu.matmul %slice3A_1881, %get3A_1886, %dot_general3A_1887 {dimension_numbers = #tpu.dot_dimension_numbers<[1], [1], [0], [0], [0, 0, 1, 0], [], []>, transpose_lhs_hint = false} : vector<256x128xf32>, vector<512x128xf32>, vector<256x512xf32> -> vector<256x512xf32>
    %mul3A_1889 = vector.broadcast %div3A_42 : f32 to vector<256x512xf32>
    %mul3A_1890 = arith.mulf %dot_general3A_1888, %mul3A_1889 : vector<256x512xf32>
    %swap3A_1891 = arith.constant 0 : index
    %swap3A_1892 = arith.constant 5632 : index
    %swap3A_1893 = vector.load %arg13[%swap3A_1891, %swap3A_1892] : memref<256x8192xf32, #tpu.memory_space<vmem>>, vector<256x512xf32>
    tpu.vector_store %arg13[%swap3A_1891, %swap3A_1892], %mul3A_1890 {strides = array<i32>} : memref<256x8192xf32, #tpu.memory_space<vmem>>, vector<256x512xf32>,
    %reduce_max3A_1894 = arith.constant dense<0xFF800000> : vector<256xf32>
    %reduce_max3A_1895 = vector.multi_reduction <maximumf>, %mul3A_1890, %reduce_max3A_1894 [1] : vector<256x512xf32> to vector<256xf32>
    %broadcast_in_dim3A_1896 = vector.shape_cast %reduce_max3A_1895 : vector<256xf32> to vector<256x1xf32>
    %eq3A_1897 = vector.broadcast %broadcast_in_dim3A_1896 : vector<256x1xf32> to vector<256x512xf32>
    %eq3A_1898 = arith.cmpf oeq, %mul3A_1890, %eq3A_1897 : vector<256x512xf32>
    %jit3A_1899 = arith.constant 512 : i32
    %broadcast_in_dim3A_1900 = vector.broadcast %jit3A_1899 : i32 to vector<256x512xi32>
    %select_n3A_1901 = arith.select %eq3A_1898, %iota3A, %broadcast_in_dim3A_1900 : vector<256x512xi1>, vector<256x512xi32>
    %reduce_min3A_1902 = arith.constant dense<2147483647> : vector<256xi32>
    %reduce_min3A_1903 = vector.multi_reduction <minsi>, %select_n3A_1901, %reduce_min3A_1902 [1] : vector<256x512xi32> to vector<256xi32>
    %broadcast_in_dim3A_1904 = vector.shape_cast %reduce_min3A_1903 : vector<256xi32> to vector<256x1xi32>
    %eq3A_1905 = vector.broadcast %broadcast_in_dim3A_1904 : vector<256x1xi32> to vector<256x512xi32>
    %eq3A_1906 = arith.cmpi eq, %iota3A, %eq3A_1905 : vector<256x512xi32>
    %jit3A_1907 = arith.constant 0xFF800000 : f32
    %broadcast_in_dim3A_1908 = vector.broadcast %jit3A_1907 : f32 to vector<256x512xf32>
    %select_n3A_1909 = arith.select %eq3A_1906, %broadcast_in_dim3A_1908, %mul3A_1890 : vector<256x512xi1>, vector<256x512xf32>
    %reduce_max3A_1910 = arith.constant dense<0xFF800000> : vector<256xf32>
    %reduce_max3A_1911 = vector.multi_reduction <maximumf>, %select_n3A_1909, %reduce_max3A_1910 [1] : vector<256x512xf32> to vector<256xf32>
    %broadcast_in_dim3A_1912 = vector.shape_cast %reduce_max3A_1911 : vector<256xf32> to vector<256x1xf32>
    %eq3A_1913 = vector.broadcast %broadcast_in_dim3A_1912 : vector<256x1xf32> to vector<256x512xf32>
    %eq3A_1914 = arith.cmpf oeq, %select_n3A_1909, %eq3A_1913 : vector<256x512xf32>
    %jit3A_1915 = arith.constant 512 : i32
    %broadcast_in_dim3A_1916 = vector.broadcast %jit3A_1915 : i32 to vector<256x512xi32>
    %select_n3A_1917 = arith.select %eq3A_1914, %iota3A, %broadcast_in_dim3A_1916 : vector<256x512xi1>, vector<256x512xi32>
    %reduce_min3A_1918 = arith.constant dense<2147483647> : vector<256xi32>
    %reduce_min3A_1919 = vector.multi_reduction <minsi>, %select_n3A_1917, %reduce_min3A_1918 [1] : vector<256x512xi32> to vector<256xi32>
    %broadcast_in_dim3A_1920 = vector.shape_cast %reduce_min3A_1919 : vector<256xi32> to vector<256x1xi32>
    %eq3A_1921 = vector.broadcast %broadcast_in_dim3A_1920 : vector<256x1xi32> to vector<256x512xi32>
    %eq3A_1922 = arith.cmpi eq, %iota3A, %eq3A_1921 : vector<256x512xi32>
    %jit3A_1923 = arith.constant 0xFF800000 : f32
    %broadcast_in_dim3A_1924 = vector.broadcast %jit3A_1923 : f32 to vector<256x512xf32>
    %select_n3A_1925 = arith.select %eq3A_1922, %broadcast_in_dim3A_1924, %select_n3A_1909 : vector<256x512xi1>, vector<256x512xf32>
    %reduce_max3A_1926 = arith.constant dense<0xFF800000> : vector<256xf32>
    %reduce_max3A_1927 = vector.multi_reduction <maximumf>, %select_n3A_1925, %reduce_max3A_1926 [1] : vector<256x512xf32> to vector<256xf32>
    %broadcast_in_dim3A_1928 = vector.shape_cast %reduce_max3A_1927 : vector<256xf32> to vector<256x1xf32>
    %eq3A_1929 = vector.broadcast %broadcast_in_dim3A_1928 : vector<256x1xf32> to vector<256x512xf32>
    %eq3A_1930 = arith.cmpf oeq, %select_n3A_1925, %eq3A_1929 : vector<256x512xf32>
    %jit3A_1931 = arith.constant 512 : i32
    %broadcast_in_dim3A_1932 = vector.broadcast %jit3A_1931 : i32 to vector<256x512xi32>
    %select_n3A_1933 = arith.select %eq3A_1930, %iota3A, %broadcast_in_dim3A_1932 : vector<256x512xi1>, vector<256x512xi32>
    %reduce_min3A_1934 = arith.constant dense<2147483647> : vector<256xi32>
    %reduce_min3A_1935 = vector.multi_reduction <minsi>, %select_n3A_1933, %reduce_min3A_1934 [1] : vector<256x512xi32> to vector<256xi32>
    %broadcast_in_dim3A_1936 = vector.shape_cast %reduce_min3A_1935 : vector<256xi32> to vector<256x1xi32>
    %eq3A_1937 = vector.broadcast %broadcast_in_dim3A_1936 : vector<256x1xi32> to vector<256x512xi32>
    %eq3A_1938 = arith.cmpi eq, %iota3A, %eq3A_1937 : vector<256x512xi32>
    %jit3A_1939 = arith.constant 0xFF800000 : f32
    %broadcast_in_dim3A_1940 = vector.broadcast %jit3A_1939 : f32 to vector<256x512xf32>
    %select_n3A_1941 = arith.select %eq3A_1938, %broadcast_in_dim3A_1940, %select_n3A_1925 : vector<256x512xi1>, vector<256x512xf32>
    %reduce_max3A_1942 = arith.constant dense<0xFF800000> : vector<256xf32>
    %reduce_max3A_1943 = vector.multi_reduction <maximumf>, %select_n3A_1941, %reduce_max3A_1942 [1] : vector<256x512xf32> to vector<256xf32>
    %broadcast_in_dim3A_1944 = vector.shape_cast %reduce_max3A_1943 : vector<256xf32> to vector<256x1xf32>
    %eq3A_1945 = vector.broadcast %broadcast_in_dim3A_1944 : vector<256x1xf32> to vector<256x512xf32>
    %eq3A_1946 = arith.cmpf oeq, %select_n3A_1941, %eq3A_1945 : vector<256x512xf32>
    %jit3A_1947 = arith.constant 512 : i32
    %broadcast_in_dim3A_1948 = vector.broadcast %jit3A_1947 : i32 to vector<256x512xi32>
    %select_n3A_1949 = arith.select %eq3A_1946, %iota3A, %broadcast_in_dim3A_1948 : vector<256x512xi1>, vector<256x512xi32>
    %reduce_min3A_1950 = arith.constant dense<2147483647> : vector<256xi32>
    %reduce_min3A_1951 = vector.multi_reduction <minsi>, %select_n3A_1949, %reduce_min3A_1950 [1] : vector<256x512xi32> to vector<256xi32>
    %broadcast_in_dim3A_1952 = vector.shape_cast %reduce_min3A_1951 : vector<256xi32> to vector<256x1xi32>
    %eq3A_1953 = vector.broadcast %broadcast_in_dim3A_1952 : vector<256x1xi32> to vector<256x512xi32>
    %eq3A_1954 = arith.cmpi eq, %iota3A, %eq3A_1953 : vector<256x512xi32>
    %jit3A_1955 = arith.constant 0xFF800000 : f32
    %broadcast_in_dim3A_1956 = vector.broadcast %jit3A_1955 : f32 to vector<256x512xf32>
    %select_n3A_1957 = arith.select %eq3A_1954, %broadcast_in_dim3A_1956, %select_n3A_1941 : vector<256x512xi1>, vector<256x512xf32>
    %reduce_max3A_1958 = arith.constant dense<0xFF800000> : vector<256xf32>
    %reduce_max3A_1959 = vector.multi_reduction <maximumf>, %select_n3A_1957, %reduce_max3A_1958 [1] : vector<256x512xf32> to vector<256xf32>
    %broadcast_in_dim3A_1960 = vector.shape_cast %reduce_max3A_1959 : vector<256xf32> to vector<256x1xf32>
    %eq3A_1961 = vector.broadcast %broadcast_in_dim3A_1960 : vector<256x1xf32> to vector<256x512xf32>
    %eq3A_1962 = arith.cmpf oeq, %select_n3A_1957, %eq3A_1961 : vector<256x512xf32>
    %jit3A_1963 = arith.constant 512 : i32
    %broadcast_in_dim3A_1964 = vector.broadcast %jit3A_1963 : i32 to vector<256x512xi32>
    %select_n3A_1965 = arith.select %eq3A_1962, %iota3A, %broadcast_in_dim3A_1964 : vector<256x512xi1>, vector<256x512xi32>
    %reduce_min3A_1966 = arith.constant dense<2147483647> : vector<256xi32>
    %reduce_min3A_1967 = vector.multi_reduction <minsi>, %select_n3A_1965, %reduce_min3A_1966 [1] : vector<256x512xi32> to vector<256xi32>
    %broadcast_in_dim3A_1968 = vector.shape_cast %reduce_min3A_1967 : vector<256xi32> to vector<256x1xi32>
    %eq3A_1969 = vector.broadcast %broadcast_in_dim3A_1968 : vector<256x1xi32> to vector<256x512xi32>
    %eq3A_1970 = arith.cmpi eq, %iota3A, %eq3A_1969 : vector<256x512xi32>
    %jit3A_1971 = arith.constant 0xFF800000 : f32
    %broadcast_in_dim3A_1972 = vector.broadcast %jit3A_1971 : f32 to vector<256x512xf32>
    %select_n3A_1973 = arith.select %eq3A_1970, %broadcast_in_dim3A_1972, %select_n3A_1957 : vector<256x512xi1>, vector<256x512xf32>
    %reduce_max3A_1974 = arith.constant dense<0xFF800000> : vector<256xf32>
    %reduce_max3A_1975 = vector.multi_reduction <maximumf>, %select_n3A_1973, %reduce_max3A_1974 [1] : vector<256x512xf32> to vector<256xf32>
    %broadcast_in_dim3A_1976 = vector.shape_cast %reduce_max3A_1975 : vector<256xf32> to vector<256x1xf32>
    %eq3A_1977 = vector.broadcast %broadcast_in_dim3A_1976 : vector<256x1xf32> to vector<256x512xf32>
    %eq3A_1978 = arith.cmpf oeq, %select_n3A_1973, %eq3A_1977 : vector<256x512xf32>
    %jit3A_1979 = arith.constant 512 : i32
    %broadcast_in_dim3A_1980 = vector.broadcast %jit3A_1979 : i32 to vector<256x512xi32>
    %select_n3A_1981 = arith.select %eq3A_1978, %iota3A, %broadcast_in_dim3A_1980 : vector<256x512xi1>, vector<256x512xi32>
    %reduce_min3A_1982 = arith.constant dense<2147483647> : vector<256xi32>
    %reduce_min3A_1983 = vector.multi_reduction <minsi>, %select_n3A_1981, %reduce_min3A_1982 [1] : vector<256x512xi32> to vector<256xi32>
    %broadcast_in_dim3A_1984 = vector.shape_cast %reduce_min3A_1983 : vector<256xi32> to vector<256x1xi32>
    %eq3A_1985 = vector.broadcast %broadcast_in_dim3A_1984 : vector<256x1xi32> to vector<256x512xi32>
    %eq3A_1986 = arith.cmpi eq, %iota3A, %eq3A_1985 : vector<256x512xi32>
    %jit3A_1987 = arith.constant 0xFF800000 : f32
    %broadcast_in_dim3A_1988 = vector.broadcast %jit3A_1987 : f32 to vector<256x512xf32>
    %select_n3A_1989 = arith.select %eq3A_1986, %broadcast_in_dim3A_1988, %select_n3A_1973 : vector<256x512xi1>, vector<256x512xf32>
    %reduce_max3A_1990 = arith.constant dense<0xFF800000> : vector<256xf32>
    %reduce_max3A_1991 = vector.multi_reduction <maximumf>, %select_n3A_1989, %reduce_max3A_1990 [1] : vector<256x512xf32> to vector<256xf32>
    %broadcast_in_dim3A_1992 = vector.shape_cast %reduce_max3A_1991 : vector<256xf32> to vector<256x1xf32>
    %eq3A_1993 = vector.broadcast %broadcast_in_dim3A_1992 : vector<256x1xf32> to vector<256x512xf32>
    %eq3A_1994 = arith.cmpf oeq, %select_n3A_1989, %eq3A_1993 : vector<256x512xf32>
    %jit3A_1995 = arith.constant 512 : i32
    %broadcast_in_dim3A_1996 = vector.broadcast %jit3A_1995 : i32 to vector<256x512xi32>
    %select_n3A_1997 = arith.select %eq3A_1994, %iota3A, %broadcast_in_dim3A_1996 : vector<256x512xi1>, vector<256x512xi32>
    %reduce_min3A_1998 = arith.constant dense<2147483647> : vector<256xi32>
    %reduce_min3A_1999 = vector.multi_reduction <minsi>, %select_n3A_1997, %reduce_min3A_1998 [1] : vector<256x512xi32> to vector<256xi32>
    %broadcast_in_dim3A_2000 = vector.shape_cast %reduce_min3A_1999 : vector<256xi32> to vector<256x1xi32>
    %eq3A_2001 = vector.broadcast %broadcast_in_dim3A_2000 : vector<256x1xi32> to vector<256x512xi32>
    %eq3A_2002 = arith.cmpi eq, %iota3A, %eq3A_2001 : vector<256x512xi32>
    %jit3A_2003 = arith.constant 0xFF800000 : f32
    %broadcast_in_dim3A_2004 = vector.broadcast %jit3A_2003 : f32 to vector<256x512xf32>
    %select_n3A_2005 = arith.select %eq3A_2002, %broadcast_in_dim3A_2004, %select_n3A_1989 : vector<256x512xi1>, vector<256x512xf32>
    %reduce_max3A_2006 = arith.constant dense<0xFF800000> : vector<256xf32>
    %reduce_max3A_2007 = vector.multi_reduction <maximumf>, %select_n3A_2005, %reduce_max3A_2006 [1] : vector<256x512xf32> to vector<256xf32>
    %broadcast_in_dim3A_2008 = vector.shape_cast %reduce_max3A_2007 : vector<256xf32> to vector<256x1xf32>
    %eq3A_2009 = vector.broadcast %broadcast_in_dim3A_2008 : vector<256x1xf32> to vector<256x512xf32>
    %eq3A_2010 = arith.cmpf oeq, %select_n3A_2005, %eq3A_2009 : vector<256x512xf32>
    %jit3A_2011 = arith.constant 512 : i32
    %broadcast_in_dim3A_2012 = vector.broadcast %jit3A_2011 : i32 to vector<256x512xi32>
    %select_n3A_2013 = arith.select %eq3A_2010, %iota3A, %broadcast_in_dim3A_2012 : vector<256x512xi1>, vector<256x512xi32>
    %reduce_min3A_2014 = arith.constant dense<2147483647> : vector<256xi32>
    %reduce_min3A_2015 = vector.multi_reduction <minsi>, %select_n3A_2013, %reduce_min3A_2014 [1] : vector<256x512xi32> to vector<256xi32>
    %broadcast_in_dim3A_2016 = vector.shape_cast %reduce_min3A_2015 : vector<256xi32> to vector<256x1xi32>
    %eq3A_2017 = vector.broadcast %broadcast_in_dim3A_2016 : vector<256x1xi32> to vector<256x512xi32>
    %eq3A_2018 = arith.cmpi eq, %iota3A, %eq3A_2017 : vector<256x512xi32>
    %jit3A_2019 = arith.constant 0xFF800000 : f32
    %broadcast_in_dim3A_2020 = vector.broadcast %jit3A_2019 : f32 to vector<256x512xf32>
    %select_n3A_2021 = arith.select %eq3A_2018, %broadcast_in_dim3A_2020, %select_n3A_2005 : vector<256x512xi1>, vector<256x512xf32>
    %concatenate3A_2022 = tpu.concatenate %broadcast_in_dim3A_1896, %broadcast_in_dim3A_1912, %broadcast_in_dim3A_1928, %broadcast_in_dim3A_1944, %broadcast_in_dim3A_1960, %broadcast_in_dim3A_1976, %broadcast_in_dim3A_1992, %broadcast_in_dim3A_2008 in 1 : vector<256x1xf32>, vector<256x1xf32>, vector<256x1xf32>, vector<256x1xf32>, vector<256x1xf32>, vector<256x1xf32>, vector<256x1xf32>, vector<256x1xf32> -> vector<256x8xf32>
    %slice3A_2023 = vector.extract_strided_slice %concatenate3A_2022 {offsets = [0, 0], sizes = [256, 1], strides = [1, 1]} : vector<256x8xf32> to vector<256x1xf32>
    %sub3A_2024 = vector.broadcast %slice3A_2023 : vector<256x1xf32> to vector<256x8xf32>
    %sub3A_2025 = arith.subf %concatenate3A_2022, %sub3A_2024 : vector<256x8xf32>
    %exp3A_2026 = math.exp %sub3A_2025 : vector<256x8xf32>
    %reduce_sum3A_2027 = arith.constant dense<0.000000e+00> : vector<256xf32>
    %reduce_sum3A_2028 = vector.multi_reduction <add>, %exp3A_2026, %reduce_sum3A_2027 [1] : vector<256x8xf32> to vector<256xf32>
    %broadcast_in_dim3A_2029 = vector.shape_cast %reduce_sum3A_2028 : vector<256xf32> to vector<256x1xf32>
    %eq3A_2030 = arith.constant 0xFF800000 : f32
    %eq3A_2031 = vector.broadcast %eq3A_2030 : f32 to vector<256x512xf32>
    %eq3A_2032 = arith.cmpf oeq, %select_n3A_2021, %eq3A_2031 : vector<256x512xf32>
    %sub3A_2033 = vector.broadcast %slice3A_2023 : vector<256x1xf32> to vector<256x512xf32>
    %sub3A_2034 = arith.subf %mul3A_1890, %sub3A_2033 : vector<256x512xf32>
    %exp3A_2035 = math.exp %sub3A_2034 : vector<256x512xf32>
    %div3A_2036 = vector.broadcast %broadcast_in_dim3A_2029 : vector<256x1xf32> to vector<256x512xf32>
    %div3A_2037 = arith.divf %exp3A_2035, %div3A_2036 : vector<256x512xf32>
    %jit3A_2038 = arith.constant 0.000000e+00 : f32
    %broadcast_in_dim3A_2039 = vector.broadcast %jit3A_2038 : f32 to vector<256x512xf32>
    %select_n3A_2040 = arith.select %eq3A_2032, %div3A_2037, %broadcast_in_dim3A_2039 : vector<256x512xi1>, vector<256x512xf32>
    %convert_element_type3A_2041 = arith.truncf %select_n3A_2040 : vector<256x512xf32> to vector<256x512xbf16>
    %get3A_2042 = arith.constant 11 : index
    %get3A_2043 = arith.constant 0 : index
    %get3A_2044 = arith.constant 0 : index
    %get3A_2045 = vector.load %arg5[%get3A_2042, %get3A_2043, %get3A_2044] : memref<16x512x128xbf16, #tpu.memory_space<vmem>>, vector<1x512x128xbf16>
    %get3A_2046 = vector.shape_cast %get3A_2045 : vector<1x512x128xbf16> to vector<512x128xbf16>
    %dot_general3A_2047 = arith.constant dense<0.000000e+00> : vector<256x128xf32>
    %dot_general3A_2048 = tpu.matmul %convert_element_type3A_2041, %get3A_2046, %dot_general3A_2047 {dimension_numbers = #tpu.dot_dimension_numbers<[1], [0], [0], [1], [0, 0, 1, 1], [], []>, transpose_lhs_hint = false} : vector<256x512xbf16>, vector<512x128xbf16>, vector<256x128xf32> -> vector<256x128xf32>
    %slice3A_2049 = vector.extract_strided_slice %add3A_34 {offsets = [0, 1536], sizes = [256, 128], strides = [1, 1]} : vector<256x2048xf32> to vector<256x128xf32>
    %get3A_2050 = arith.constant 12 : index
    %get3A_2051 = arith.constant 0 : index
    %get3A_2052 = arith.constant 0 : index
    %get3A_2053 = vector.load %arg4[%get3A_2050, %get3A_2051, %get3A_2052] : memref<16x512x128xf32, #tpu.memory_space<vmem>>, vector<1x512x128xf32>
    %get3A_2054 = vector.shape_cast %get3A_2053 : vector<1x512x128xf32> to vector<512x128xf32>
    %dot_general3A_2055 = arith.constant dense<0.000000e+00> : vector<256x512xf32>
    %dot_general3A_2056 = tpu.matmul %slice3A_2049, %get3A_2054, %dot_general3A_2055 {dimension_numbers = #tpu.dot_dimension_numbers<[1], [1], [0], [0], [0, 0, 1, 0], [], []>, transpose_lhs_hint = false} : vector<256x128xf32>, vector<512x128xf32>, vector<256x512xf32> -> vector<256x512xf32>
    %mul3A_2057 = vector.broadcast %div3A_42 : f32 to vector<256x512xf32>
    %mul3A_2058 = arith.mulf %dot_general3A_2056, %mul3A_2057 : vector<256x512xf32>
    %swap3A_2059 = arith.constant 0 : index
    %swap3A_2060 = arith.constant 6144 : index
    %swap3A_2061 = vector.load %arg13[%swap3A_2059, %swap3A_2060] : memref<256x8192xf32, #tpu.memory_space<vmem>>, vector<256x512xf32>
    tpu.vector_store %arg13[%swap3A_2059, %swap3A_2060], %mul3A_2058 {strides = array<i32>} : memref<256x8192xf32, #tpu.memory_space<vmem>>, vector<256x512xf32>,
    %reduce_max3A_2062 = arith.constant dense<0xFF800000> : vector<256xf32>
    %reduce_max3A_2063 = vector.multi_reduction <maximumf>, %mul3A_2058, %reduce_max3A_2062 [1] : vector<256x512xf32> to vector<256xf32>
    %broadcast_in_dim3A_2064 = vector.shape_cast %reduce_max3A_2063 : vector<256xf32> to vector<256x1xf32>
    %eq3A_2065 = vector.broadcast %broadcast_in_dim3A_2064 : vector<256x1xf32> to vector<256x512xf32>
    %eq3A_2066 = arith.cmpf oeq, %mul3A_2058, %eq3A_2065 : vector<256x512xf32>
    %jit3A_2067 = arith.constant 512 : i32
    %broadcast_in_dim3A_2068 = vector.broadcast %jit3A_2067 : i32 to vector<256x512xi32>
    %select_n3A_2069 = arith.select %eq3A_2066, %iota3A, %broadcast_in_dim3A_2068 : vector<256x512xi1>, vector<256x512xi32>
    %reduce_min3A_2070 = arith.constant dense<2147483647> : vector<256xi32>
    %reduce_min3A_2071 = vector.multi_reduction <minsi>, %select_n3A_2069, %reduce_min3A_2070 [1] : vector<256x512xi32> to vector<256xi32>
    %broadcast_in_dim3A_2072 = vector.shape_cast %reduce_min3A_2071 : vector<256xi32> to vector<256x1xi32>
    %eq3A_2073 = vector.broadcast %broadcast_in_dim3A_2072 : vector<256x1xi32> to vector<256x512xi32>
    %eq3A_2074 = arith.cmpi eq, %iota3A, %eq3A_2073 : vector<256x512xi32>
    %jit3A_2075 = arith.constant 0xFF800000 : f32
    %broadcast_in_dim3A_2076 = vector.broadcast %jit3A_2075 : f32 to vector<256x512xf32>
    %select_n3A_2077 = arith.select %eq3A_2074, %broadcast_in_dim3A_2076, %mul3A_2058 : vector<256x512xi1>, vector<256x512xf32>
    %reduce_max3A_2078 = arith.constant dense<0xFF800000> : vector<256xf32>
    %reduce_max3A_2079 = vector.multi_reduction <maximumf>, %select_n3A_2077, %reduce_max3A_2078 [1] : vector<256x512xf32> to vector<256xf32>
    %broadcast_in_dim3A_2080 = vector.shape_cast %reduce_max3A_2079 : vector<256xf32> to vector<256x1xf32>
    %eq3A_2081 = vector.broadcast %broadcast_in_dim3A_2080 : vector<256x1xf32> to vector<256x512xf32>
    %eq3A_2082 = arith.cmpf oeq, %select_n3A_2077, %eq3A_2081 : vector<256x512xf32>
    %jit3A_2083 = arith.constant 512 : i32
    %broadcast_in_dim3A_2084 = vector.broadcast %jit3A_2083 : i32 to vector<256x512xi32>
    %select_n3A_2085 = arith.select %eq3A_2082, %iota3A, %broadcast_in_dim3A_2084 : vector<256x512xi1>, vector<256x512xi32>
    %reduce_min3A_2086 = arith.constant dense<2147483647> : vector<256xi32>
    %reduce_min3A_2087 = vector.multi_reduction <minsi>, %select_n3A_2085, %reduce_min3A_2086 [1] : vector<256x512xi32> to vector<256xi32>
    %broadcast_in_dim3A_2088 = vector.shape_cast %reduce_min3A_2087 : vector<256xi32> to vector<256x1xi32>
    %eq3A_2089 = vector.broadcast %broadcast_in_dim3A_2088 : vector<256x1xi32> to vector<256x512xi32>
    %eq3A_2090 = arith.cmpi eq, %iota3A, %eq3A_2089 : vector<256x512xi32>
    %jit3A_2091 = arith.constant 0xFF800000 : f32
    %broadcast_in_dim3A_2092 = vector.broadcast %jit3A_2091 : f32 to vector<256x512xf32>
    %select_n3A_2093 = arith.select %eq3A_2090, %broadcast_in_dim3A_2092, %select_n3A_2077 : vector<256x512xi1>, vector<256x512xf32>
    %reduce_max3A_2094 = arith.constant dense<0xFF800000> : vector<256xf32>
    %reduce_max3A_2095 = vector.multi_reduction <maximumf>, %select_n3A_2093, %reduce_max3A_2094 [1] : vector<256x512xf32> to vector<256xf32>
    %broadcast_in_dim3A_2096 = vector.shape_cast %reduce_max3A_2095 : vector<256xf32> to vector<256x1xf32>
    %eq3A_2097 = vector.broadcast %broadcast_in_dim3A_2096 : vector<256x1xf32> to vector<256x512xf32>
    %eq3A_2098 = arith.cmpf oeq, %select_n3A_2093, %eq3A_2097 : vector<256x512xf32>
    %jit3A_2099 = arith.constant 512 : i32
    %broadcast_in_dim3A_2100 = vector.broadcast %jit3A_2099 : i32 to vector<256x512xi32>
    %select_n3A_2101 = arith.select %eq3A_2098, %iota3A, %broadcast_in_dim3A_2100 : vector<256x512xi1>, vector<256x512xi32>
    %reduce_min3A_2102 = arith.constant dense<2147483647> : vector<256xi32>
    %reduce_min3A_2103 = vector.multi_reduction <minsi>, %select_n3A_2101, %reduce_min3A_2102 [1] : vector<256x512xi32> to vector<256xi32>
    %broadcast_in_dim3A_2104 = vector.shape_cast %reduce_min3A_2103 : vector<256xi32> to vector<256x1xi32>
    %eq3A_2105 = vector.broadcast %broadcast_in_dim3A_2104 : vector<256x1xi32> to vector<256x512xi32>
    %eq3A_2106 = arith.cmpi eq, %iota3A, %eq3A_2105 : vector<256x512xi32>
    %jit3A_2107 = arith.constant 0xFF800000 : f32
    %broadcast_in_dim3A_2108 = vector.broadcast %jit3A_2107 : f32 to vector<256x512xf32>
    %select_n3A_2109 = arith.select %eq3A_2106, %broadcast_in_dim3A_2108, %select_n3A_2093 : vector<256x512xi1>, vector<256x512xf32>
    %reduce_max3A_2110 = arith.constant dense<0xFF800000> : vector<256xf32>
    %reduce_max3A_2111 = vector.multi_reduction <maximumf>, %select_n3A_2109, %reduce_max3A_2110 [1] : vector<256x512xf32> to vector<256xf32>
    %broadcast_in_dim3A_2112 = vector.shape_cast %reduce_max3A_2111 : vector<256xf32> to vector<256x1xf32>
    %eq3A_2113 = vector.broadcast %broadcast_in_dim3A_2112 : vector<256x1xf32> to vector<256x512xf32>
    %eq3A_2114 = arith.cmpf oeq, %select_n3A_2109, %eq3A_2113 : vector<256x512xf32>
    %jit3A_2115 = arith.constant 512 : i32
    %broadcast_in_dim3A_2116 = vector.broadcast %jit3A_2115 : i32 to vector<256x512xi32>
    %select_n3A_2117 = arith.select %eq3A_2114, %iota3A, %broadcast_in_dim3A_2116 : vector<256x512xi1>, vector<256x512xi32>
    %reduce_min3A_2118 = arith.constant dense<2147483647> : vector<256xi32>
    %reduce_min3A_2119 = vector.multi_reduction <minsi>, %select_n3A_2117, %reduce_min3A_2118 [1] : vector<256x512xi32> to vector<256xi32>
    %broadcast_in_dim3A_2120 = vector.shape_cast %reduce_min3A_2119 : vector<256xi32> to vector<256x1xi32>
    %eq3A_2121 = vector.broadcast %broadcast_in_dim3A_2120 : vector<256x1xi32> to vector<256x512xi32>
    %eq3A_2122 = arith.cmpi eq, %iota3A, %eq3A_2121 : vector<256x512xi32>
    %jit3A_2123 = arith.constant 0xFF800000 : f32
    %broadcast_in_dim3A_2124 = vector.broadcast %jit3A_2123 : f32 to vector<256x512xf32>
    %select_n3A_2125 = arith.select %eq3A_2122, %broadcast_in_dim3A_2124, %select_n3A_2109 : vector<256x512xi1>, vector<256x512xf32>
    %reduce_max3A_2126 = arith.constant dense<0xFF800000> : vector<256xf32>
    %reduce_max3A_2127 = vector.multi_reduction <maximumf>, %select_n3A_2125, %reduce_max3A_2126 [1] : vector<256x512xf32> to vector<256xf32>
    %broadcast_in_dim3A_2128 = vector.shape_cast %reduce_max3A_2127 : vector<256xf32> to vector<256x1xf32>
    %eq3A_2129 = vector.broadcast %broadcast_in_dim3A_2128 : vector<256x1xf32> to vector<256x512xf32>
    %eq3A_2130 = arith.cmpf oeq, %select_n3A_2125, %eq3A_2129 : vector<256x512xf32>
    %jit3A_2131 = arith.constant 512 : i32
    %broadcast_in_dim3A_2132 = vector.broadcast %jit3A_2131 : i32 to vector<256x512xi32>
    %select_n3A_2133 = arith.select %eq3A_2130, %iota3A, %broadcast_in_dim3A_2132 : vector<256x512xi1>, vector<256x512xi32>
    %reduce_min3A_2134 = arith.constant dense<2147483647> : vector<256xi32>
    %reduce_min3A_2135 = vector.multi_reduction <minsi>, %select_n3A_2133, %reduce_min3A_2134 [1] : vector<256x512xi32> to vector<256xi32>
    %broadcast_in_dim3A_2136 = vector.shape_cast %reduce_min3A_2135 : vector<256xi32> to vector<256x1xi32>
    %eq3A_2137 = vector.broadcast %broadcast_in_dim3A_2136 : vector<256x1xi32> to vector<256x512xi32>
    %eq3A_2138 = arith.cmpi eq, %iota3A, %eq3A_2137 : vector<256x512xi32>
    %jit3A_2139 = arith.constant 0xFF800000 : f32
    %broadcast_in_dim3A_2140 = vector.broadcast %jit3A_2139 : f32 to vector<256x512xf32>
    %select_n3A_2141 = arith.select %eq3A_2138, %broadcast_in_dim3A_2140, %select_n3A_2125 : vector<256x512xi1>, vector<256x512xf32>
    %reduce_max3A_2142 = arith.constant dense<0xFF800000> : vector<256xf32>
    %reduce_max3A_2143 = vector.multi_reduction <maximumf>, %select_n3A_2141, %reduce_max3A_2142 [1] : vector<256x512xf32> to vector<256xf32>
    %broadcast_in_dim3A_2144 = vector.shape_cast %reduce_max3A_2143 : vector<256xf32> to vector<256x1xf32>
    %eq3A_2145 = vector.broadcast %broadcast_in_dim3A_2144 : vector<256x1xf32> to vector<256x512xf32>
    %eq3A_2146 = arith.cmpf oeq, %select_n3A_2141, %eq3A_2145 : vector<256x512xf32>
    %jit3A_2147 = arith.constant 512 : i32
    %broadcast_in_dim3A_2148 = vector.broadcast %jit3A_2147 : i32 to vector<256x512xi32>
    %select_n3A_2149 = arith.select %eq3A_2146, %iota3A, %broadcast_in_dim3A_2148 : vector<256x512xi1>, vector<256x512xi32>
    %reduce_min3A_2150 = arith.constant dense<2147483647> : vector<256xi32>
    %reduce_min3A_2151 = vector.multi_reduction <minsi>, %select_n3A_2149, %reduce_min3A_2150 [1] : vector<256x512xi32> to vector<256xi32>
    %broadcast_in_dim3A_2152 = vector.shape_cast %reduce_min3A_2151 : vector<256xi32> to vector<256x1xi32>
    %eq3A_2153 = vector.broadcast %broadcast_in_dim3A_2152 : vector<256x1xi32> to vector<256x512xi32>
    %eq3A_2154 = arith.cmpi eq, %iota3A, %eq3A_2153 : vector<256x512xi32>
    %jit3A_2155 = arith.constant 0xFF800000 : f32
    %broadcast_in_dim3A_2156 = vector.broadcast %jit3A_2155 : f32 to vector<256x512xf32>
    %select_n3A_2157 = arith.select %eq3A_2154, %broadcast_in_dim3A_2156, %select_n3A_2141 : vector<256x512xi1>, vector<256x512xf32>
    %reduce_max3A_2158 = arith.constant dense<0xFF800000> : vector<256xf32>
    %reduce_max3A_2159 = vector.multi_reduction <maximumf>, %select_n3A_2157, %reduce_max3A_2158 [1] : vector<256x512xf32> to vector<256xf32>
    %broadcast_in_dim3A_2160 = vector.shape_cast %reduce_max3A_2159 : vector<256xf32> to vector<256x1xf32>
    %eq3A_2161 = vector.broadcast %broadcast_in_dim3A_2160 : vector<256x1xf32> to vector<256x512xf32>
    %eq3A_2162 = arith.cmpf oeq, %select_n3A_2157, %eq3A_2161 : vector<256x512xf32>
    %jit3A_2163 = arith.constant 512 : i32
    %broadcast_in_dim3A_2164 = vector.broadcast %jit3A_2163 : i32 to vector<256x512xi32>
    %select_n3A_2165 = arith.select %eq3A_2162, %iota3A, %broadcast_in_dim3A_2164 : vector<256x512xi1>, vector<256x512xi32>
    %reduce_min3A_2166 = arith.constant dense<2147483647> : vector<256xi32>
    %reduce_min3A_2167 = vector.multi_reduction <minsi>, %select_n3A_2165, %reduce_min3A_2166 [1] : vector<256x512xi32> to vector<256xi32>
    %broadcast_in_dim3A_2168 = vector.shape_cast %reduce_min3A_2167 : vector<256xi32> to vector<256x1xi32>
    %eq3A_2169 = vector.broadcast %broadcast_in_dim3A_2168 : vector<256x1xi32> to vector<256x512xi32>
    %eq3A_2170 = arith.cmpi eq, %iota3A, %eq3A_2169 : vector<256x512xi32>
    %jit3A_2171 = arith.constant 0xFF800000 : f32
    %broadcast_in_dim3A_2172 = vector.broadcast %jit3A_2171 : f32 to vector<256x512xf32>
    %select_n3A_2173 = arith.select %eq3A_2170, %broadcast_in_dim3A_2172, %select_n3A_2157 : vector<256x512xi1>, vector<256x512xf32>
    %reduce_max3A_2174 = arith.constant dense<0xFF800000> : vector<256xf32>
    %reduce_max3A_2175 = vector.multi_reduction <maximumf>, %select_n3A_2173, %reduce_max3A_2174 [1] : vector<256x512xf32> to vector<256xf32>
    %broadcast_in_dim3A_2176 = vector.shape_cast %reduce_max3A_2175 : vector<256xf32> to vector<256x1xf32>
    %eq3A_2177 = vector.broadcast %broadcast_in_dim3A_2176 : vector<256x1xf32> to vector<256x512xf32>
    %eq3A_2178 = arith.cmpf oeq, %select_n3A_2173, %eq3A_2177 : vector<256x512xf32>
    %jit3A_2179 = arith.constant 512 : i32
    %broadcast_in_dim3A_2180 = vector.broadcast %jit3A_2179 : i32 to vector<256x512xi32>
    %select_n3A_2181 = arith.select %eq3A_2178, %iota3A, %broadcast_in_dim3A_2180 : vector<256x512xi1>, vector<256x512xi32>
    %reduce_min3A_2182 = arith.constant dense<2147483647> : vector<256xi32>
    %reduce_min3A_2183 = vector.multi_reduction <minsi>, %select_n3A_2181, %reduce_min3A_2182 [1] : vector<256x512xi32> to vector<256xi32>
    %broadcast_in_dim3A_2184 = vector.shape_cast %reduce_min3A_2183 : vector<256xi32> to vector<256x1xi32>
    %eq3A_2185 = vector.broadcast %broadcast_in_dim3A_2184 : vector<256x1xi32> to vector<256x512xi32>
    %eq3A_2186 = arith.cmpi eq, %iota3A, %eq3A_2185 : vector<256x512xi32>
    %jit3A_2187 = arith.constant 0xFF800000 : f32
    %broadcast_in_dim3A_2188 = vector.broadcast %jit3A_2187 : f32 to vector<256x512xf32>
    %select_n3A_2189 = arith.select %eq3A_2186, %broadcast_in_dim3A_2188, %select_n3A_2173 : vector<256x512xi1>, vector<256x512xf32>
    %concatenate3A_2190 = tpu.concatenate %broadcast_in_dim3A_2064, %broadcast_in_dim3A_2080, %broadcast_in_dim3A_2096, %broadcast_in_dim3A_2112, %broadcast_in_dim3A_2128, %broadcast_in_dim3A_2144, %broadcast_in_dim3A_2160, %broadcast_in_dim3A_2176 in 1 : vector<256x1xf32>, vector<256x1xf32>, vector<256x1xf32>, vector<256x1xf32>, vector<256x1xf32>, vector<256x1xf32>, vector<256x1xf32>, vector<256x1xf32> -> vector<256x8xf32>
    %slice3A_2191 = vector.extract_strided_slice %concatenate3A_2190 {offsets = [0, 0], sizes = [256, 1], strides = [1, 1]} : vector<256x8xf32> to vector<256x1xf32>
    %sub3A_2192 = vector.broadcast %slice3A_2191 : vector<256x1xf32> to vector<256x8xf32>
    %sub3A_2193 = arith.subf %concatenate3A_2190, %sub3A_2192 : vector<256x8xf32>
    %exp3A_2194 = math.exp %sub3A_2193 : vector<256x8xf32>
    %reduce_sum3A_2195 = arith.constant dense<0.000000e+00> : vector<256xf32>
    %reduce_sum3A_2196 = vector.multi_reduction <add>, %exp3A_2194, %reduce_sum3A_2195 [1] : vector<256x8xf32> to vector<256xf32>
    %broadcast_in_dim3A_2197 = vector.shape_cast %reduce_sum3A_2196 : vector<256xf32> to vector<256x1xf32>
    %eq3A_2198 = arith.constant 0xFF800000 : f32
    %eq3A_2199 = vector.broadcast %eq3A_2198 : f32 to vector<256x512xf32>
    %eq3A_2200 = arith.cmpf oeq, %select_n3A_2189, %eq3A_2199 : vector<256x512xf32>
    %sub3A_2201 = vector.broadcast %slice3A_2191 : vector<256x1xf32> to vector<256x512xf32>
    %sub3A_2202 = arith.subf %mul3A_2058, %sub3A_2201 : vector<256x512xf32>
    %exp3A_2203 = math.exp %sub3A_2202 : vector<256x512xf32>
    %div3A_2204 = vector.broadcast %broadcast_in_dim3A_2197 : vector<256x1xf32> to vector<256x512xf32>
    %div3A_2205 = arith.divf %exp3A_2203, %div3A_2204 : vector<256x512xf32>
    %jit3A_2206 = arith.constant 0.000000e+00 : f32
    %broadcast_in_dim3A_2207 = vector.broadcast %jit3A_2206 : f32 to vector<256x512xf32>
    %select_n3A_2208 = arith.select %eq3A_2200, %div3A_2205, %broadcast_in_dim3A_2207 : vector<256x512xi1>, vector<256x512xf32>
    %convert_element_type3A_2209 = arith.truncf %select_n3A_2208 : vector<256x512xf32> to vector<256x512xbf16>
    %get3A_2210 = arith.constant 12 : index
    %get3A_2211 = arith.constant 0 : index
    %get3A_2212 = arith.constant 0 : index
    %get3A_2213 = vector.load %arg5[%get3A_2210, %get3A_2211, %get3A_2212] : memref<16x512x128xbf16, #tpu.memory_space<vmem>>, vector<1x512x128xbf16>
    %get3A_2214 = vector.shape_cast %get3A_2213 : vector<1x512x128xbf16> to vector<512x128xbf16>
    %dot_general3A_2215 = arith.constant dense<0.000000e+00> : vector<256x128xf32>
    %dot_general3A_2216 = tpu.matmul %convert_element_type3A_2209, %get3A_2214, %dot_general3A_2215 {dimension_numbers = #tpu.dot_dimension_numbers<[1], [0], [0], [1], [0, 0, 1, 1], [], []>, transpose_lhs_hint = false} : vector<256x512xbf16>, vector<512x128xbf16>, vector<256x128xf32> -> vector<256x128xf32>
    %slice3A_2217 = vector.extract_strided_slice %add3A_34 {offsets = [0, 1664], sizes = [256, 128], strides = [1, 1]} : vector<256x2048xf32> to vector<256x128xf32>
    %get3A_2218 = arith.constant 13 : index
    %get3A_2219 = arith.constant 0 : index
    %get3A_2220 = arith.constant 0 : index
    %get3A_2221 = vector.load %arg4[%get3A_2218, %get3A_2219, %get3A_2220] : memref<16x512x128xf32, #tpu.memory_space<vmem>>, vector<1x512x128xf32>
    %get3A_2222 = vector.shape_cast %get3A_2221 : vector<1x512x128xf32> to vector<512x128xf32>
    %dot_general3A_2223 = arith.constant dense<0.000000e+00> : vector<256x512xf32>
    %dot_general3A_2224 = tpu.matmul %slice3A_2217, %get3A_2222, %dot_general3A_2223 {dimension_numbers = #tpu.dot_dimension_numbers<[1], [1], [0], [0], [0, 0, 1, 0], [], []>, transpose_lhs_hint = false} : vector<256x128xf32>, vector<512x128xf32>, vector<256x512xf32> -> vector<256x512xf32>
    %mul3A_2225 = vector.broadcast %div3A_42 : f32 to vector<256x512xf32>
    %mul3A_2226 = arith.mulf %dot_general3A_2224, %mul3A_2225 : vector<256x512xf32>
    %swap3A_2227 = arith.constant 0 : index
    %swap3A_2228 = arith.constant 6656 : index
    %swap3A_2229 = vector.load %arg13[%swap3A_2227, %swap3A_2228] : memref<256x8192xf32, #tpu.memory_space<vmem>>, vector<256x512xf32>
    tpu.vector_store %arg13[%swap3A_2227, %swap3A_2228], %mul3A_2226 {strides = array<i32>} : memref<256x8192xf32, #tpu.memory_space<vmem>>, vector<256x512xf32>,
    %reduce_max3A_2230 = arith.constant dense<0xFF800000> : vector<256xf32>
    %reduce_max3A_2231 = vector.multi_reduction <maximumf>, %mul3A_2226, %reduce_max3A_2230 [1] : vector<256x512xf32> to vector<256xf32>
    %broadcast_in_dim3A_2232 = vector.shape_cast %reduce_max3A_2231 : vector<256xf32> to vector<256x1xf32>
    %eq3A_2233 = vector.broadcast %broadcast_in_dim3A_2232 : vector<256x1xf32> to vector<256x512xf32>
    %eq3A_2234 = arith.cmpf oeq, %mul3A_2226, %eq3A_2233 : vector<256x512xf32>
    %jit3A_2235 = arith.constant 512 : i32
    %broadcast_in_dim3A_2236 = vector.broadcast %jit3A_2235 : i32 to vector<256x512xi32>
    %select_n3A_2237 = arith.select %eq3A_2234, %iota3A, %broadcast_in_dim3A_2236 : vector<256x512xi1>, vector<256x512xi32>
    %reduce_min3A_2238 = arith.constant dense<2147483647> : vector<256xi32>
    %reduce_min3A_2239 = vector.multi_reduction <minsi>, %select_n3A_2237, %reduce_min3A_2238 [1] : vector<256x512xi32> to vector<256xi32>
    %broadcast_in_dim3A_2240 = vector.shape_cast %reduce_min3A_2239 : vector<256xi32> to vector<256x1xi32>
    %eq3A_2241 = vector.broadcast %broadcast_in_dim3A_2240 : vector<256x1xi32> to vector<256x512xi32>
    %eq3A_2242 = arith.cmpi eq, %iota3A, %eq3A_2241 : vector<256x512xi32>
    %jit3A_2243 = arith.constant 0xFF800000 : f32
    %broadcast_in_dim3A_2244 = vector.broadcast %jit3A_2243 : f32 to vector<256x512xf32>
    %select_n3A_2245 = arith.select %eq3A_2242, %broadcast_in_dim3A_2244, %mul3A_2226 : vector<256x512xi1>, vector<256x512xf32>
    %reduce_max3A_2246 = arith.constant dense<0xFF800000> : vector<256xf32>
    %reduce_max3A_2247 = vector.multi_reduction <maximumf>, %select_n3A_2245, %reduce_max3A_2246 [1] : vector<256x512xf32> to vector<256xf32>
    %broadcast_in_dim3A_2248 = vector.shape_cast %reduce_max3A_2247 : vector<256xf32> to vector<256x1xf32>
    %eq3A_2249 = vector.broadcast %broadcast_in_dim3A_2248 : vector<256x1xf32> to vector<256x512xf32>
    %eq3A_2250 = arith.cmpf oeq, %select_n3A_2245, %eq3A_2249 : vector<256x512xf32>
    %jit3A_2251 = arith.constant 512 : i32
    %broadcast_in_dim3A_2252 = vector.broadcast %jit3A_2251 : i32 to vector<256x512xi32>
    %select_n3A_2253 = arith.select %eq3A_2250, %iota3A, %broadcast_in_dim3A_2252 : vector<256x512xi1>, vector<256x512xi32>
    %reduce_min3A_2254 = arith.constant dense<2147483647> : vector<256xi32>
    %reduce_min3A_2255 = vector.multi_reduction <minsi>, %select_n3A_2253, %reduce_min3A_2254 [1] : vector<256x512xi32> to vector<256xi32>
    %broadcast_in_dim3A_2256 = vector.shape_cast %reduce_min3A_2255 : vector<256xi32> to vector<256x1xi32>
    %eq3A_2257 = vector.broadcast %broadcast_in_dim3A_2256 : vector<256x1xi32> to vector<256x512xi32>
    %eq3A_2258 = arith.cmpi eq, %iota3A, %eq3A_2257 : vector<256x512xi32>
    %jit3A_2259 = arith.constant 0xFF800000 : f32
    %broadcast_in_dim3A_2260 = vector.broadcast %jit3A_2259 : f32 to vector<256x512xf32>
    %select_n3A_2261 = arith.select %eq3A_2258, %broadcast_in_dim3A_2260, %select_n3A_2245 : vector<256x512xi1>, vector<256x512xf32>
    %reduce_max3A_2262 = arith.constant dense<0xFF800000> : vector<256xf32>
    %reduce_max3A_2263 = vector.multi_reduction <maximumf>, %select_n3A_2261, %reduce_max3A_2262 [1] : vector<256x512xf32> to vector<256xf32>
    %broadcast_in_dim3A_2264 = vector.shape_cast %reduce_max3A_2263 : vector<256xf32> to vector<256x1xf32>
    %eq3A_2265 = vector.broadcast %broadcast_in_dim3A_2264 : vector<256x1xf32> to vector<256x512xf32>
    %eq3A_2266 = arith.cmpf oeq, %select_n3A_2261, %eq3A_2265 : vector<256x512xf32>
    %jit3A_2267 = arith.constant 512 : i32
    %broadcast_in_dim3A_2268 = vector.broadcast %jit3A_2267 : i32 to vector<256x512xi32>
    %select_n3A_2269 = arith.select %eq3A_2266, %iota3A, %broadcast_in_dim3A_2268 : vector<256x512xi1>, vector<256x512xi32>
    %reduce_min3A_2270 = arith.constant dense<2147483647> : vector<256xi32>
    %reduce_min3A_2271 = vector.multi_reduction <minsi>, %select_n3A_2269, %reduce_min3A_2270 [1] : vector<256x512xi32> to vector<256xi32>
    %broadcast_in_dim3A_2272 = vector.shape_cast %reduce_min3A_2271 : vector<256xi32> to vector<256x1xi32>
    %eq3A_2273 = vector.broadcast %broadcast_in_dim3A_2272 : vector<256x1xi32> to vector<256x512xi32>
    %eq3A_2274 = arith.cmpi eq, %iota3A, %eq3A_2273 : vector<256x512xi32>
    %jit3A_2275 = arith.constant 0xFF800000 : f32
    %broadcast_in_dim3A_2276 = vector.broadcast %jit3A_2275 : f32 to vector<256x512xf32>
    %select_n3A_2277 = arith.select %eq3A_2274, %broadcast_in_dim3A_2276, %select_n3A_2261 : vector<256x512xi1>, vector<256x512xf32>
    %reduce_max3A_2278 = arith.constant dense<0xFF800000> : vector<256xf32>
    %reduce_max3A_2279 = vector.multi_reduction <maximumf>, %select_n3A_2277, %reduce_max3A_2278 [1] : vector<256x512xf32> to vector<256xf32>
    %broadcast_in_dim3A_2280 = vector.shape_cast %reduce_max3A_2279 : vector<256xf32> to vector<256x1xf32>
    %eq3A_2281 = vector.broadcast %broadcast_in_dim3A_2280 : vector<256x1xf32> to vector<256x512xf32>
    %eq3A_2282 = arith.cmpf oeq, %select_n3A_2277, %eq3A_2281 : vector<256x512xf32>
    %jit3A_2283 = arith.constant 512 : i32
    %broadcast_in_dim3A_2284 = vector.broadcast %jit3A_2283 : i32 to vector<256x512xi32>
    %select_n3A_2285 = arith.select %eq3A_2282, %iota3A, %broadcast_in_dim3A_2284 : vector<256x512xi1>, vector<256x512xi32>
    %reduce_min3A_2286 = arith.constant dense<2147483647> : vector<256xi32>
    %reduce_min3A_2287 = vector.multi_reduction <minsi>, %select_n3A_2285, %reduce_min3A_2286 [1] : vector<256x512xi32> to vector<256xi32>
    %broadcast_in_dim3A_2288 = vector.shape_cast %reduce_min3A_2287 : vector<256xi32> to vector<256x1xi32>
    %eq3A_2289 = vector.broadcast %broadcast_in_dim3A_2288 : vector<256x1xi32> to vector<256x512xi32>
    %eq3A_2290 = arith.cmpi eq, %iota3A, %eq3A_2289 : vector<256x512xi32>
    %jit3A_2291 = arith.constant 0xFF800000 : f32
    %broadcast_in_dim3A_2292 = vector.broadcast %jit3A_2291 : f32 to vector<256x512xf32>
    %select_n3A_2293 = arith.select %eq3A_2290, %broadcast_in_dim3A_2292, %select_n3A_2277 : vector<256x512xi1>, vector<256x512xf32>
    %reduce_max3A_2294 = arith.constant dense<0xFF800000> : vector<256xf32>
    %reduce_max3A_2295 = vector.multi_reduction <maximumf>, %select_n3A_2293, %reduce_max3A_2294 [1] : vector<256x512xf32> to vector<256xf32>
    %broadcast_in_dim3A_2296 = vector.shape_cast %reduce_max3A_2295 : vector<256xf32> to vector<256x1xf32>
    %eq3A_2297 = vector.broadcast %broadcast_in_dim3A_2296 : vector<256x1xf32> to vector<256x512xf32>
    %eq3A_2298 = arith.cmpf oeq, %select_n3A_2293, %eq3A_2297 : vector<256x512xf32>
    %jit3A_2299 = arith.constant 512 : i32
    %broadcast_in_dim3A_2300 = vector.broadcast %jit3A_2299 : i32 to vector<256x512xi32>
    %select_n3A_2301 = arith.select %eq3A_2298, %iota3A, %broadcast_in_dim3A_2300 : vector<256x512xi1>, vector<256x512xi32>
    %reduce_min3A_2302 = arith.constant dense<2147483647> : vector<256xi32>
    %reduce_min3A_2303 = vector.multi_reduction <minsi>, %select_n3A_2301, %reduce_min3A_2302 [1] : vector<256x512xi32> to vector<256xi32>
    %broadcast_in_dim3A_2304 = vector.shape_cast %reduce_min3A_2303 : vector<256xi32> to vector<256x1xi32>
    %eq3A_2305 = vector.broadcast %broadcast_in_dim3A_2304 : vector<256x1xi32> to vector<256x512xi32>
    %eq3A_2306 = arith.cmpi eq, %iota3A, %eq3A_2305 : vector<256x512xi32>
    %jit3A_2307 = arith.constant 0xFF800000 : f32
    %broadcast_in_dim3A_2308 = vector.broadcast %jit3A_2307 : f32 to vector<256x512xf32>
    %select_n3A_2309 = arith.select %eq3A_2306, %broadcast_in_dim3A_2308, %select_n3A_2293 : vector<256x512xi1>, vector<256x512xf32>
    %reduce_max3A_2310 = arith.constant dense<0xFF800000> : vector<256xf32>
    %reduce_max3A_2311 = vector.multi_reduction <maximumf>, %select_n3A_2309, %reduce_max3A_2310 [1] : vector<256x512xf32> to vector<256xf32>
    %broadcast_in_dim3A_2312 = vector.shape_cast %reduce_max3A_2311 : vector<256xf32> to vector<256x1xf32>
    %eq3A_2313 = vector.broadcast %broadcast_in_dim3A_2312 : vector<256x1xf32> to vector<256x512xf32>
    %eq3A_2314 = arith.cmpf oeq, %select_n3A_2309, %eq3A_2313 : vector<256x512xf32>
    %jit3A_2315 = arith.constant 512 : i32
    %broadcast_in_dim3A_2316 = vector.broadcast %jit3A_2315 : i32 to vector<256x512xi32>
    %select_n3A_2317 = arith.select %eq3A_2314, %iota3A, %broadcast_in_dim3A_2316 : vector<256x512xi1>, vector<256x512xi32>
    %reduce_min3A_2318 = arith.constant dense<2147483647> : vector<256xi32>
    %reduce_min3A_2319 = vector.multi_reduction <minsi>, %select_n3A_2317, %reduce_min3A_2318 [1] : vector<256x512xi32> to vector<256xi32>
    %broadcast_in_dim3A_2320 = vector.shape_cast %reduce_min3A_2319 : vector<256xi32> to vector<256x1xi32>
    %eq3A_2321 = vector.broadcast %broadcast_in_dim3A_2320 : vector<256x1xi32> to vector<256x512xi32>
    %eq3A_2322 = arith.cmpi eq, %iota3A, %eq3A_2321 : vector<256x512xi32>
    %jit3A_2323 = arith.constant 0xFF800000 : f32
    %broadcast_in_dim3A_2324 = vector.broadcast %jit3A_2323 : f32 to vector<256x512xf32>
    %select_n3A_2325 = arith.select %eq3A_2322, %broadcast_in_dim3A_2324, %select_n3A_2309 : vector<256x512xi1>, vector<256x512xf32>
    %reduce_max3A_2326 = arith.constant dense<0xFF800000> : vector<256xf32>
    %reduce_max3A_2327 = vector.multi_reduction <maximumf>, %select_n3A_2325, %reduce_max3A_2326 [1] : vector<256x512xf32> to vector<256xf32>
    %broadcast_in_dim3A_2328 = vector.shape_cast %reduce_max3A_2327 : vector<256xf32> to vector<256x1xf32>
    %eq3A_2329 = vector.broadcast %broadcast_in_dim3A_2328 : vector<256x1xf32> to vector<256x512xf32>
    %eq3A_2330 = arith.cmpf oeq, %select_n3A_2325, %eq3A_2329 : vector<256x512xf32>
    %jit3A_2331 = arith.constant 512 : i32
    %broadcast_in_dim3A_2332 = vector.broadcast %jit3A_2331 : i32 to vector<256x512xi32>
    %select_n3A_2333 = arith.select %eq3A_2330, %iota3A, %broadcast_in_dim3A_2332 : vector<256x512xi1>, vector<256x512xi32>
    %reduce_min3A_2334 = arith.constant dense<2147483647> : vector<256xi32>
    %reduce_min3A_2335 = vector.multi_reduction <minsi>, %select_n3A_2333, %reduce_min3A_2334 [1] : vector<256x512xi32> to vector<256xi32>
    %broadcast_in_dim3A_2336 = vector.shape_cast %reduce_min3A_2335 : vector<256xi32> to vector<256x1xi32>
    %eq3A_2337 = vector.broadcast %broadcast_in_dim3A_2336 : vector<256x1xi32> to vector<256x512xi32>
    %eq3A_2338 = arith.cmpi eq, %iota3A, %eq3A_2337 : vector<256x512xi32>
    %jit3A_2339 = arith.constant 0xFF800000 : f32
    %broadcast_in_dim3A_2340 = vector.broadcast %jit3A_2339 : f32 to vector<256x512xf32>
    %select_n3A_2341 = arith.select %eq3A_2338, %broadcast_in_dim3A_2340, %select_n3A_2325 : vector<256x512xi1>, vector<256x512xf32>
    %reduce_max3A_2342 = arith.constant dense<0xFF800000> : vector<256xf32>
    %reduce_max3A_2343 = vector.multi_reduction <maximumf>, %select_n3A_2341, %reduce_max3A_2342 [1] : vector<256x512xf32> to vector<256xf32>
    %broadcast_in_dim3A_2344 = vector.shape_cast %reduce_max3A_2343 : vector<256xf32> to vector<256x1xf32>
    %eq3A_2345 = vector.broadcast %broadcast_in_dim3A_2344 : vector<256x1xf32> to vector<256x512xf32>
    %eq3A_2346 = arith.cmpf oeq, %select_n3A_2341, %eq3A_2345 : vector<256x512xf32>
    %jit3A_2347 = arith.constant 512 : i32
    %broadcast_in_dim3A_2348 = vector.broadcast %jit3A_2347 : i32 to vector<256x512xi32>
    %select_n3A_2349 = arith.select %eq3A_2346, %iota3A, %broadcast_in_dim3A_2348 : vector<256x512xi1>, vector<256x512xi32>
    %reduce_min3A_2350 = arith.constant dense<2147483647> : vector<256xi32>
    %reduce_min3A_2351 = vector.multi_reduction <minsi>, %select_n3A_2349, %reduce_min3A_2350 [1] : vector<256x512xi32> to vector<256xi32>
    %broadcast_in_dim3A_2352 = vector.shape_cast %reduce_min3A_2351 : vector<256xi32> to vector<256x1xi32>
    %eq3A_2353 = vector.broadcast %broadcast_in_dim3A_2352 : vector<256x1xi32> to vector<256x512xi32>
    %eq3A_2354 = arith.cmpi eq, %iota3A, %eq3A_2353 : vector<256x512xi32>
    %jit3A_2355 = arith.constant 0xFF800000 : f32
    %broadcast_in_dim3A_2356 = vector.broadcast %jit3A_2355 : f32 to vector<256x512xf32>
    %select_n3A_2357 = arith.select %eq3A_2354, %broadcast_in_dim3A_2356, %select_n3A_2341 : vector<256x512xi1>, vector<256x512xf32>
    %concatenate3A_2358 = tpu.concatenate %broadcast_in_dim3A_2232, %broadcast_in_dim3A_2248, %broadcast_in_dim3A_2264, %broadcast_in_dim3A_2280, %broadcast_in_dim3A_2296, %broadcast_in_dim3A_2312, %broadcast_in_dim3A_2328, %broadcast_in_dim3A_2344 in 1 : vector<256x1xf32>, vector<256x1xf32>, vector<256x1xf32>, vector<256x1xf32>, vector<256x1xf32>, vector<256x1xf32>, vector<256x1xf32>, vector<256x1xf32> -> vector<256x8xf32>
    %slice3A_2359 = vector.extract_strided_slice %concatenate3A_2358 {offsets = [0, 0], sizes = [256, 1], strides = [1, 1]} : vector<256x8xf32> to vector<256x1xf32>
    %sub3A_2360 = vector.broadcast %slice3A_2359 : vector<256x1xf32> to vector<256x8xf32>
    %sub3A_2361 = arith.subf %concatenate3A_2358, %sub3A_2360 : vector<256x8xf32>
    %exp3A_2362 = math.exp %sub3A_2361 : vector<256x8xf32>
    %reduce_sum3A_2363 = arith.constant dense<0.000000e+00> : vector<256xf32>
    %reduce_sum3A_2364 = vector.multi_reduction <add>, %exp3A_2362, %reduce_sum3A_2363 [1] : vector<256x8xf32> to vector<256xf32>
    %broadcast_in_dim3A_2365 = vector.shape_cast %reduce_sum3A_2364 : vector<256xf32> to vector<256x1xf32>
    %eq3A_2366 = arith.constant 0xFF800000 : f32
    %eq3A_2367 = vector.broadcast %eq3A_2366 : f32 to vector<256x512xf32>
    %eq3A_2368 = arith.cmpf oeq, %select_n3A_2357, %eq3A_2367 : vector<256x512xf32>
    %sub3A_2369 = vector.broadcast %slice3A_2359 : vector<256x1xf32> to vector<256x512xf32>
    %sub3A_2370 = arith.subf %mul3A_2226, %sub3A_2369 : vector<256x512xf32>
    %exp3A_2371 = math.exp %sub3A_2370 : vector<256x512xf32>
    %div3A_2372 = vector.broadcast %broadcast_in_dim3A_2365 : vector<256x1xf32> to vector<256x512xf32>
    %div3A_2373 = arith.divf %exp3A_2371, %div3A_2372 : vector<256x512xf32>
    %jit3A_2374 = arith.constant 0.000000e+00 : f32
    %broadcast_in_dim3A_2375 = vector.broadcast %jit3A_2374 : f32 to vector<256x512xf32>
    %select_n3A_2376 = arith.select %eq3A_2368, %div3A_2373, %broadcast_in_dim3A_2375 : vector<256x512xi1>, vector<256x512xf32>
    %convert_element_type3A_2377 = arith.truncf %select_n3A_2376 : vector<256x512xf32> to vector<256x512xbf16>
    %get3A_2378 = arith.constant 13 : index
    %get3A_2379 = arith.constant 0 : index
    %get3A_2380 = arith.constant 0 : index
    %get3A_2381 = vector.load %arg5[%get3A_2378, %get3A_2379, %get3A_2380] : memref<16x512x128xbf16, #tpu.memory_space<vmem>>, vector<1x512x128xbf16>
    %get3A_2382 = vector.shape_cast %get3A_2381 : vector<1x512x128xbf16> to vector<512x128xbf16>
    %dot_general3A_2383 = arith.constant dense<0.000000e+00> : vector<256x128xf32>
    %dot_general3A_2384 = tpu.matmul %convert_element_type3A_2377, %get3A_2382, %dot_general3A_2383 {dimension_numbers = #tpu.dot_dimension_numbers<[1], [0], [0], [1], [0, 0, 1, 1], [], []>, transpose_lhs_hint = false} : vector<256x512xbf16>, vector<512x128xbf16>, vector<256x128xf32> -> vector<256x128xf32>
    %slice3A_2385 = vector.extract_strided_slice %add3A_34 {offsets = [0, 1792], sizes = [256, 128], strides = [1, 1]} : vector<256x2048xf32> to vector<256x128xf32>
    %get3A_2386 = arith.constant 14 : index
    %get3A_2387 = arith.constant 0 : index
    %get3A_2388 = arith.constant 0 : index
    %get3A_2389 = vector.load %arg4[%get3A_2386, %get3A_2387, %get3A_2388] : memref<16x512x128xf32, #tpu.memory_space<vmem>>, vector<1x512x128xf32>
    %get3A_2390 = vector.shape_cast %get3A_2389 : vector<1x512x128xf32> to vector<512x128xf32>
    %dot_general3A_2391 = arith.constant dense<0.000000e+00> : vector<256x512xf32>
    %dot_general3A_2392 = tpu.matmul %slice3A_2385, %get3A_2390, %dot_general3A_2391 {dimension_numbers = #tpu.dot_dimension_numbers<[1], [1], [0], [0], [0, 0, 1, 0], [], []>, transpose_lhs_hint = false} : vector<256x128xf32>, vector<512x128xf32>, vector<256x512xf32> -> vector<256x512xf32>
    %mul3A_2393 = vector.broadcast %div3A_42 : f32 to vector<256x512xf32>
    %mul3A_2394 = arith.mulf %dot_general3A_2392, %mul3A_2393 : vector<256x512xf32>
    %swap3A_2395 = arith.constant 0 : index
    %swap3A_2396 = arith.constant 7168 : index
    %swap3A_2397 = vector.load %arg13[%swap3A_2395, %swap3A_2396] : memref<256x8192xf32, #tpu.memory_space<vmem>>, vector<256x512xf32>
    tpu.vector_store %arg13[%swap3A_2395, %swap3A_2396], %mul3A_2394 {strides = array<i32>} : memref<256x8192xf32, #tpu.memory_space<vmem>>, vector<256x512xf32>,
    %reduce_max3A_2398 = arith.constant dense<0xFF800000> : vector<256xf32>
    %reduce_max3A_2399 = vector.multi_reduction <maximumf>, %mul3A_2394, %reduce_max3A_2398 [1] : vector<256x512xf32> to vector<256xf32>
    %broadcast_in_dim3A_2400 = vector.shape_cast %reduce_max3A_2399 : vector<256xf32> to vector<256x1xf32>
    %eq3A_2401 = vector.broadcast %broadcast_in_dim3A_2400 : vector<256x1xf32> to vector<256x512xf32>
    %eq3A_2402 = arith.cmpf oeq, %mul3A_2394, %eq3A_2401 : vector<256x512xf32>
    %jit3A_2403 = arith.constant 512 : i32
    %broadcast_in_dim3A_2404 = vector.broadcast %jit3A_2403 : i32 to vector<256x512xi32>
    %select_n3A_2405 = arith.select %eq3A_2402, %iota3A, %broadcast_in_dim3A_2404 : vector<256x512xi1>, vector<256x512xi32>
    %reduce_min3A_2406 = arith.constant dense<2147483647> : vector<256xi32>
    %reduce_min3A_2407 = vector.multi_reduction <minsi>, %select_n3A_2405, %reduce_min3A_2406 [1] : vector<256x512xi32> to vector<256xi32>
    %broadcast_in_dim3A_2408 = vector.shape_cast %reduce_min3A_2407 : vector<256xi32> to vector<256x1xi32>
    %eq3A_2409 = vector.broadcast %broadcast_in_dim3A_2408 : vector<256x1xi32> to vector<256x512xi32>
    %eq3A_2410 = arith.cmpi eq, %iota3A, %eq3A_2409 : vector<256x512xi32>
    %jit3A_2411 = arith.constant 0xFF800000 : f32
    %broadcast_in_dim3A_2412 = vector.broadcast %jit3A_2411 : f32 to vector<256x512xf32>
    %select_n3A_2413 = arith.select %eq3A_2410, %broadcast_in_dim3A_2412, %mul3A_2394 : vector<256x512xi1>, vector<256x512xf32>
    %reduce_max3A_2414 = arith.constant dense<0xFF800000> : vector<256xf32>
    %reduce_max3A_2415 = vector.multi_reduction <maximumf>, %select_n3A_2413, %reduce_max3A_2414 [1] : vector<256x512xf32> to vector<256xf32>
    %broadcast_in_dim3A_2416 = vector.shape_cast %reduce_max3A_2415 : vector<256xf32> to vector<256x1xf32>
    %eq3A_2417 = vector.broadcast %broadcast_in_dim3A_2416 : vector<256x1xf32> to vector<256x512xf32>
    %eq3A_2418 = arith.cmpf oeq, %select_n3A_2413, %eq3A_2417 : vector<256x512xf32>
    %jit3A_2419 = arith.constant 512 : i32
    %broadcast_in_dim3A_2420 = vector.broadcast %jit3A_2419 : i32 to vector<256x512xi32>
    %select_n3A_2421 = arith.select %eq3A_2418, %iota3A, %broadcast_in_dim3A_2420 : vector<256x512xi1>, vector<256x512xi32>
    %reduce_min3A_2422 = arith.constant dense<2147483647> : vector<256xi32>
    %reduce_min3A_2423 = vector.multi_reduction <minsi>, %select_n3A_2421, %reduce_min3A_2422 [1] : vector<256x512xi32> to vector<256xi32>
    %broadcast_in_dim3A_2424 = vector.shape_cast %reduce_min3A_2423 : vector<256xi32> to vector<256x1xi32>
    %eq3A_2425 = vector.broadcast %broadcast_in_dim3A_2424 : vector<256x1xi32> to vector<256x512xi32>
    %eq3A_2426 = arith.cmpi eq, %iota3A, %eq3A_2425 : vector<256x512xi32>
    %jit3A_2427 = arith.constant 0xFF800000 : f32
    %broadcast_in_dim3A_2428 = vector.broadcast %jit3A_2427 : f32 to vector<256x512xf32>
    %select_n3A_2429 = arith.select %eq3A_2426, %broadcast_in_dim3A_2428, %select_n3A_2413 : vector<256x512xi1>, vector<256x512xf32>
    %reduce_max3A_2430 = arith.constant dense<0xFF800000> : vector<256xf32>
    %reduce_max3A_2431 = vector.multi_reduction <maximumf>, %select_n3A_2429, %reduce_max3A_2430 [1] : vector<256x512xf32> to vector<256xf32>
    %broadcast_in_dim3A_2432 = vector.shape_cast %reduce_max3A_2431 : vector<256xf32> to vector<256x1xf32>
    %eq3A_2433 = vector.broadcast %broadcast_in_dim3A_2432 : vector<256x1xf32> to vector<256x512xf32>
    %eq3A_2434 = arith.cmpf oeq, %select_n3A_2429, %eq3A_2433 : vector<256x512xf32>
    %jit3A_2435 = arith.constant 512 : i32
    %broadcast_in_dim3A_2436 = vector.broadcast %jit3A_2435 : i32 to vector<256x512xi32>
    %select_n3A_2437 = arith.select %eq3A_2434, %iota3A, %broadcast_in_dim3A_2436 : vector<256x512xi1>, vector<256x512xi32>
    %reduce_min3A_2438 = arith.constant dense<2147483647> : vector<256xi32>
    %reduce_min3A_2439 = vector.multi_reduction <minsi>, %select_n3A_2437, %reduce_min3A_2438 [1] : vector<256x512xi32> to vector<256xi32>
    %broadcast_in_dim3A_2440 = vector.shape_cast %reduce_min3A_2439 : vector<256xi32> to vector<256x1xi32>
    %eq3A_2441 = vector.broadcast %broadcast_in_dim3A_2440 : vector<256x1xi32> to vector<256x512xi32>
    %eq3A_2442 = arith.cmpi eq, %iota3A, %eq3A_2441 : vector<256x512xi32>
    %jit3A_2443 = arith.constant 0xFF800000 : f32
    %broadcast_in_dim3A_2444 = vector.broadcast %jit3A_2443 : f32 to vector<256x512xf32>
    %select_n3A_2445 = arith.select %eq3A_2442, %broadcast_in_dim3A_2444, %select_n3A_2429 : vector<256x512xi1>, vector<256x512xf32>
    %reduce_max3A_2446 = arith.constant dense<0xFF800000> : vector<256xf32>
    %reduce_max3A_2447 = vector.multi_reduction <maximumf>, %select_n3A_2445, %reduce_max3A_2446 [1] : vector<256x512xf32> to vector<256xf32>
    %broadcast_in_dim3A_2448 = vector.shape_cast %reduce_max3A_2447 : vector<256xf32> to vector<256x1xf32>
    %eq3A_2449 = vector.broadcast %broadcast_in_dim3A_2448 : vector<256x1xf32> to vector<256x512xf32>
    %eq3A_2450 = arith.cmpf oeq, %select_n3A_2445, %eq3A_2449 : vector<256x512xf32>
    %jit3A_2451 = arith.constant 512 : i32
    %broadcast_in_dim3A_2452 = vector.broadcast %jit3A_2451 : i32 to vector<256x512xi32>
    %select_n3A_2453 = arith.select %eq3A_2450, %iota3A, %broadcast_in_dim3A_2452 : vector<256x512xi1>, vector<256x512xi32>
    %reduce_min3A_2454 = arith.constant dense<2147483647> : vector<256xi32>
    %reduce_min3A_2455 = vector.multi_reduction <minsi>, %select_n3A_2453, %reduce_min3A_2454 [1] : vector<256x512xi32> to vector<256xi32>
    %broadcast_in_dim3A_2456 = vector.shape_cast %reduce_min3A_2455 : vector<256xi32> to vector<256x1xi32>
    %eq3A_2457 = vector.broadcast %broadcast_in_dim3A_2456 : vector<256x1xi32> to vector<256x512xi32>
    %eq3A_2458 = arith.cmpi eq, %iota3A, %eq3A_2457 : vector<256x512xi32>
    %jit3A_2459 = arith.constant 0xFF800000 : f32
    %broadcast_in_dim3A_2460 = vector.broadcast %jit3A_2459 : f32 to vector<256x512xf32>
    %select_n3A_2461 = arith.select %eq3A_2458, %broadcast_in_dim3A_2460, %select_n3A_2445 : vector<256x512xi1>, vector<256x512xf32>
    %reduce_max3A_2462 = arith.constant dense<0xFF800000> : vector<256xf32>
    %reduce_max3A_2463 = vector.multi_reduction <maximumf>, %select_n3A_2461, %reduce_max3A_2462 [1] : vector<256x512xf32> to vector<256xf32>
    %broadcast_in_dim3A_2464 = vector.shape_cast %reduce_max3A_2463 : vector<256xf32> to vector<256x1xf32>
    %eq3A_2465 = vector.broadcast %broadcast_in_dim3A_2464 : vector<256x1xf32> to vector<256x512xf32>
    %eq3A_2466 = arith.cmpf oeq, %select_n3A_2461, %eq3A_2465 : vector<256x512xf32>
    %jit3A_2467 = arith.constant 512 : i32
    %broadcast_in_dim3A_2468 = vector.broadcast %jit3A_2467 : i32 to vector<256x512xi32>
    %select_n3A_2469 = arith.select %eq3A_2466, %iota3A, %broadcast_in_dim3A_2468 : vector<256x512xi1>, vector<256x512xi32>
    %reduce_min3A_2470 = arith.constant dense<2147483647> : vector<256xi32>
    %reduce_min3A_2471 = vector.multi_reduction <minsi>, %select_n3A_2469, %reduce_min3A_2470 [1] : vector<256x512xi32> to vector<256xi32>
    %broadcast_in_dim3A_2472 = vector.shape_cast %reduce_min3A_2471 : vector<256xi32> to vector<256x1xi32>
    %eq3A_2473 = vector.broadcast %broadcast_in_dim3A_2472 : vector<256x1xi32> to vector<256x512xi32>
    %eq3A_2474 = arith.cmpi eq, %iota3A, %eq3A_2473 : vector<256x512xi32>
    %jit3A_2475 = arith.constant 0xFF800000 : f32
    %broadcast_in_dim3A_2476 = vector.broadcast %jit3A_2475 : f32 to vector<256x512xf32>
    %select_n3A_2477 = arith.select %eq3A_2474, %broadcast_in_dim3A_2476, %select_n3A_2461 : vector<256x512xi1>, vector<256x512xf32>
    %reduce_max3A_2478 = arith.constant dense<0xFF800000> : vector<256xf32>
    %reduce_max3A_2479 = vector.multi_reduction <maximumf>, %select_n3A_2477, %reduce_max3A_2478 [1] : vector<256x512xf32> to vector<256xf32>
    %broadcast_in_dim3A_2480 = vector.shape_cast %reduce_max3A_2479 : vector<256xf32> to vector<256x1xf32>
    %eq3A_2481 = vector.broadcast %broadcast_in_dim3A_2480 : vector<256x1xf32> to vector<256x512xf32>
    %eq3A_2482 = arith.cmpf oeq, %select_n3A_2477, %eq3A_2481 : vector<256x512xf32>
    %jit3A_2483 = arith.constant 512 : i32
    %broadcast_in_dim3A_2484 = vector.broadcast %jit3A_2483 : i32 to vector<256x512xi32>
    %select_n3A_2485 = arith.select %eq3A_2482, %iota3A, %broadcast_in_dim3A_2484 : vector<256x512xi1>, vector<256x512xi32>
    %reduce_min3A_2486 = arith.constant dense<2147483647> : vector<256xi32>
    %reduce_min3A_2487 = vector.multi_reduction <minsi>, %select_n3A_2485, %reduce_min3A_2486 [1] : vector<256x512xi32> to vector<256xi32>
    %broadcast_in_dim3A_2488 = vector.shape_cast %reduce_min3A_2487 : vector<256xi32> to vector<256x1xi32>
    %eq3A_2489 = vector.broadcast %broadcast_in_dim3A_2488 : vector<256x1xi32> to vector<256x512xi32>
    %eq3A_2490 = arith.cmpi eq, %iota3A, %eq3A_2489 : vector<256x512xi32>
    %jit3A_2491 = arith.constant 0xFF800000 : f32
    %broadcast_in_dim3A_2492 = vector.broadcast %jit3A_2491 : f32 to vector<256x512xf32>
    %select_n3A_2493 = arith.select %eq3A_2490, %broadcast_in_dim3A_2492, %select_n3A_2477 : vector<256x512xi1>, vector<256x512xf32>
    %reduce_max3A_2494 = arith.constant dense<0xFF800000> : vector<256xf32>
    %reduce_max3A_2495 = vector.multi_reduction <maximumf>, %select_n3A_2493, %reduce_max3A_2494 [1] : vector<256x512xf32> to vector<256xf32>
    %broadcast_in_dim3A_2496 = vector.shape_cast %reduce_max3A_2495 : vector<256xf32> to vector<256x1xf32>
    %eq3A_2497 = vector.broadcast %broadcast_in_dim3A_2496 : vector<256x1xf32> to vector<256x512xf32>
    %eq3A_2498 = arith.cmpf oeq, %select_n3A_2493, %eq3A_2497 : vector<256x512xf32>
    %jit3A_2499 = arith.constant 512 : i32
    %broadcast_in_dim3A_2500 = vector.broadcast %jit3A_2499 : i32 to vector<256x512xi32>
    %select_n3A_2501 = arith.select %eq3A_2498, %iota3A, %broadcast_in_dim3A_2500 : vector<256x512xi1>, vector<256x512xi32>
    %reduce_min3A_2502 = arith.constant dense<2147483647> : vector<256xi32>
    %reduce_min3A_2503 = vector.multi_reduction <minsi>, %select_n3A_2501, %reduce_min3A_2502 [1] : vector<256x512xi32> to vector<256xi32>
    %broadcast_in_dim3A_2504 = vector.shape_cast %reduce_min3A_2503 : vector<256xi32> to vector<256x1xi32>
    %eq3A_2505 = vector.broadcast %broadcast_in_dim3A_2504 : vector<256x1xi32> to vector<256x512xi32>
    %eq3A_2506 = arith.cmpi eq, %iota3A, %eq3A_2505 : vector<256x512xi32>
    %jit3A_2507 = arith.constant 0xFF800000 : f32
    %broadcast_in_dim3A_2508 = vector.broadcast %jit3A_2507 : f32 to vector<256x512xf32>
    %select_n3A_2509 = arith.select %eq3A_2506, %broadcast_in_dim3A_2508, %select_n3A_2493 : vector<256x512xi1>, vector<256x512xf32>
    %reduce_max3A_2510 = arith.constant dense<0xFF800000> : vector<256xf32>
    %reduce_max3A_2511 = vector.multi_reduction <maximumf>, %select_n3A_2509, %reduce_max3A_2510 [1] : vector<256x512xf32> to vector<256xf32>
    %broadcast_in_dim3A_2512 = vector.shape_cast %reduce_max3A_2511 : vector<256xf32> to vector<256x1xf32>
    %eq3A_2513 = vector.broadcast %broadcast_in_dim3A_2512 : vector<256x1xf32> to vector<256x512xf32>
    %eq3A_2514 = arith.cmpf oeq, %select_n3A_2509, %eq3A_2513 : vector<256x512xf32>
    %jit3A_2515 = arith.constant 512 : i32
    %broadcast_in_dim3A_2516 = vector.broadcast %jit3A_2515 : i32 to vector<256x512xi32>
    %select_n3A_2517 = arith.select %eq3A_2514, %iota3A, %broadcast_in_dim3A_2516 : vector<256x512xi1>, vector<256x512xi32>
    %reduce_min3A_2518 = arith.constant dense<2147483647> : vector<256xi32>
    %reduce_min3A_2519 = vector.multi_reduction <minsi>, %select_n3A_2517, %reduce_min3A_2518 [1] : vector<256x512xi32> to vector<256xi32>
    %broadcast_in_dim3A_2520 = vector.shape_cast %reduce_min3A_2519 : vector<256xi32> to vector<256x1xi32>
    %eq3A_2521 = vector.broadcast %broadcast_in_dim3A_2520 : vector<256x1xi32> to vector<256x512xi32>
    %eq3A_2522 = arith.cmpi eq, %iota3A, %eq3A_2521 : vector<256x512xi32>
    %jit3A_2523 = arith.constant 0xFF800000 : f32
    %broadcast_in_dim3A_2524 = vector.broadcast %jit3A_2523 : f32 to vector<256x512xf32>
    %select_n3A_2525 = arith.select %eq3A_2522, %broadcast_in_dim3A_2524, %select_n3A_2509 : vector<256x512xi1>, vector<256x512xf32>
    %concatenate3A_2526 = tpu.concatenate %broadcast_in_dim3A_2400, %broadcast_in_dim3A_2416, %broadcast_in_dim3A_2432, %broadcast_in_dim3A_2448, %broadcast_in_dim3A_2464, %broadcast_in_dim3A_2480, %broadcast_in_dim3A_2496, %broadcast_in_dim3A_2512 in 1 : vector<256x1xf32>, vector<256x1xf32>, vector<256x1xf32>, vector<256x1xf32>, vector<256x1xf32>, vector<256x1xf32>, vector<256x1xf32>, vector<256x1xf32> -> vector<256x8xf32>
    %slice3A_2527 = vector.extract_strided_slice %concatenate3A_2526 {offsets = [0, 0], sizes = [256, 1], strides = [1, 1]} : vector<256x8xf32> to vector<256x1xf32>
    %sub3A_2528 = vector.broadcast %slice3A_2527 : vector<256x1xf32> to vector<256x8xf32>
    %sub3A_2529 = arith.subf %concatenate3A_2526, %sub3A_2528 : vector<256x8xf32>
    %exp3A_2530 = math.exp %sub3A_2529 : vector<256x8xf32>
    %reduce_sum3A_2531 = arith.constant dense<0.000000e+00> : vector<256xf32>
    %reduce_sum3A_2532 = vector.multi_reduction <add>, %exp3A_2530, %reduce_sum3A_2531 [1] : vector<256x8xf32> to vector<256xf32>
    %broadcast_in_dim3A_2533 = vector.shape_cast %reduce_sum3A_2532 : vector<256xf32> to vector<256x1xf32>
    %eq3A_2534 = arith.constant 0xFF800000 : f32
    %eq3A_2535 = vector.broadcast %eq3A_2534 : f32 to vector<256x512xf32>
    %eq3A_2536 = arith.cmpf oeq, %select_n3A_2525, %eq3A_2535 : vector<256x512xf32>
    %sub3A_2537 = vector.broadcast %slice3A_2527 : vector<256x1xf32> to vector<256x512xf32>
    %sub3A_2538 = arith.subf %mul3A_2394, %sub3A_2537 : vector<256x512xf32>
    %exp3A_2539 = math.exp %sub3A_2538 : vector<256x512xf32>
    %div3A_2540 = vector.broadcast %broadcast_in_dim3A_2533 : vector<256x1xf32> to vector<256x512xf32>
    %div3A_2541 = arith.divf %exp3A_2539, %div3A_2540 : vector<256x512xf32>
    %jit3A_2542 = arith.constant 0.000000e+00 : f32
    %broadcast_in_dim3A_2543 = vector.broadcast %jit3A_2542 : f32 to vector<256x512xf32>
    %select_n3A_2544 = arith.select %eq3A_2536, %div3A_2541, %broadcast_in_dim3A_2543 : vector<256x512xi1>, vector<256x512xf32>
    %convert_element_type3A_2545 = arith.truncf %select_n3A_2544 : vector<256x512xf32> to vector<256x512xbf16>
    %get3A_2546 = arith.constant 14 : index
    %get3A_2547 = arith.constant 0 : index
    %get3A_2548 = arith.constant 0 : index
    %get3A_2549 = vector.load %arg5[%get3A_2546, %get3A_2547, %get3A_2548] : memref<16x512x128xbf16, #tpu.memory_space<vmem>>, vector<1x512x128xbf16>
    %get3A_2550 = vector.shape_cast %get3A_2549 : vector<1x512x128xbf16> to vector<512x128xbf16>
    %dot_general3A_2551 = arith.constant dense<0.000000e+00> : vector<256x128xf32>
    %dot_general3A_2552 = tpu.matmul %convert_element_type3A_2545, %get3A_2550, %dot_general3A_2551 {dimension_numbers = #tpu.dot_dimension_numbers<[1], [0], [0], [1], [0, 0, 1, 1], [], []>, transpose_lhs_hint = false} : vector<256x512xbf16>, vector<512x128xbf16>, vector<256x128xf32> -> vector<256x128xf32>
    %slice3A_2553 = vector.extract_strided_slice %add3A_34 {offsets = [0, 1920], sizes = [256, 128], strides = [1, 1]} : vector<256x2048xf32> to vector<256x128xf32>
    %get3A_2554 = arith.constant 15 : index
    %get3A_2555 = arith.constant 0 : index
    %get3A_2556 = arith.constant 0 : index
    %get3A_2557 = vector.load %arg4[%get3A_2554, %get3A_2555, %get3A_2556] : memref<16x512x128xf32, #tpu.memory_space<vmem>>, vector<1x512x128xf32>
    %get3A_2558 = vector.shape_cast %get3A_2557 : vector<1x512x128xf32> to vector<512x128xf32>
    %dot_general3A_2559 = arith.constant dense<0.000000e+00> : vector<256x512xf32>
    %dot_general3A_2560 = tpu.matmul %slice3A_2553, %get3A_2558, %dot_general3A_2559 {dimension_numbers = #tpu.dot_dimension_numbers<[1], [1], [0], [0], [0, 0, 1, 0], [], []>, transpose_lhs_hint = false} : vector<256x128xf32>, vector<512x128xf32>, vector<256x512xf32> -> vector<256x512xf32>
    %mul3A_2561 = vector.broadcast %div3A_42 : f32 to vector<256x512xf32>
    %mul3A_2562 = arith.mulf %dot_general3A_2560, %mul3A_2561 : vector<256x512xf32>
    %swap3A_2563 = arith.constant 0 : index
    %swap3A_2564 = arith.constant 7680 : index
    %swap3A_2565 = vector.load %arg13[%swap3A_2563, %swap3A_2564] : memref<256x8192xf32, #tpu.memory_space<vmem>>, vector<256x512xf32>
    tpu.vector_store %arg13[%swap3A_2563, %swap3A_2564], %mul3A_2562 {strides = array<i32>} : memref<256x8192xf32, #tpu.memory_space<vmem>>, vector<256x512xf32>,
    %reduce_max3A_2566 = arith.constant dense<0xFF800000> : vector<256xf32>
    %reduce_max3A_2567 = vector.multi_reduction <maximumf>, %mul3A_2562, %reduce_max3A_2566 [1] : vector<256x512xf32> to vector<256xf32>
    %broadcast_in_dim3A_2568 = vector.shape_cast %reduce_max3A_2567 : vector<256xf32> to vector<256x1xf32>
    %eq3A_2569 = vector.broadcast %broadcast_in_dim3A_2568 : vector<256x1xf32> to vector<256x512xf32>
    %eq3A_2570 = arith.cmpf oeq, %mul3A_2562, %eq3A_2569 : vector<256x512xf32>
    %jit3A_2571 = arith.constant 512 : i32
    %broadcast_in_dim3A_2572 = vector.broadcast %jit3A_2571 : i32 to vector<256x512xi32>
    %select_n3A_2573 = arith.select %eq3A_2570, %iota3A, %broadcast_in_dim3A_2572 : vector<256x512xi1>, vector<256x512xi32>
    %reduce_min3A_2574 = arith.constant dense<2147483647> : vector<256xi32>
    %reduce_min3A_2575 = vector.multi_reduction <minsi>, %select_n3A_2573, %reduce_min3A_2574 [1] : vector<256x512xi32> to vector<256xi32>
    %broadcast_in_dim3A_2576 = vector.shape_cast %reduce_min3A_2575 : vector<256xi32> to vector<256x1xi32>
    %eq3A_2577 = vector.broadcast %broadcast_in_dim3A_2576 : vector<256x1xi32> to vector<256x512xi32>
    %eq3A_2578 = arith.cmpi eq, %iota3A, %eq3A_2577 : vector<256x512xi32>
    %jit3A_2579 = arith.constant 0xFF800000 : f32
    %broadcast_in_dim3A_2580 = vector.broadcast %jit3A_2579 : f32 to vector<256x512xf32>
    %select_n3A_2581 = arith.select %eq3A_2578, %broadcast_in_dim3A_2580, %mul3A_2562 : vector<256x512xi1>, vector<256x512xf32>
    %reduce_max3A_2582 = arith.constant dense<0xFF800000> : vector<256xf32>
    %reduce_max3A_2583 = vector.multi_reduction <maximumf>, %select_n3A_2581, %reduce_max3A_2582 [1] : vector<256x512xf32> to vector<256xf32>
    %broadcast_in_dim3A_2584 = vector.shape_cast %reduce_max3A_2583 : vector<256xf32> to vector<256x1xf32>
    %eq3A_2585 = vector.broadcast %broadcast_in_dim3A_2584 : vector<256x1xf32> to vector<256x512xf32>
    %eq3A_2586 = arith.cmpf oeq, %select_n3A_2581, %eq3A_2585 : vector<256x512xf32>
    %jit3A_2587 = arith.constant 512 : i32
    %broadcast_in_dim3A_2588 = vector.broadcast %jit3A_2587 : i32 to vector<256x512xi32>
    %select_n3A_2589 = arith.select %eq3A_2586, %iota3A, %broadcast_in_dim3A_2588 : vector<256x512xi1>, vector<256x512xi32>
    %reduce_min3A_2590 = arith.constant dense<2147483647> : vector<256xi32>
    %reduce_min3A_2591 = vector.multi_reduction <minsi>, %select_n3A_2589, %reduce_min3A_2590 [1] : vector<256x512xi32> to vector<256xi32>
    %broadcast_in_dim3A_2592 = vector.shape_cast %reduce_min3A_2591 : vector<256xi32> to vector<256x1xi32>
    %eq3A_2593 = vector.broadcast %broadcast_in_dim3A_2592 : vector<256x1xi32> to vector<256x512xi32>
    %eq3A_2594 = arith.cmpi eq, %iota3A, %eq3A_2593 : vector<256x512xi32>
    %jit3A_2595 = arith.constant 0xFF800000 : f32
    %broadcast_in_dim3A_2596 = vector.broadcast %jit3A_2595 : f32 to vector<256x512xf32>
    %select_n3A_2597 = arith.select %eq3A_2594, %broadcast_in_dim3A_2596, %select_n3A_2581 : vector<256x512xi1>, vector<256x512xf32>
    %reduce_max3A_2598 = arith.constant dense<0xFF800000> : vector<256xf32>
    %reduce_max3A_2599 = vector.multi_reduction <maximumf>, %select_n3A_2597, %reduce_max3A_2598 [1] : vector<256x512xf32> to vector<256xf32>
    %broadcast_in_dim3A_2600 = vector.shape_cast %reduce_max3A_2599 : vector<256xf32> to vector<256x1xf32>
    %eq3A_2601 = vector.broadcast %broadcast_in_dim3A_2600 : vector<256x1xf32> to vector<256x512xf32>
    %eq3A_2602 = arith.cmpf oeq, %select_n3A_2597, %eq3A_2601 : vector<256x512xf32>
    %jit3A_2603 = arith.constant 512 : i32
    %broadcast_in_dim3A_2604 = vector.broadcast %jit3A_2603 : i32 to vector<256x512xi32>
    %select_n3A_2605 = arith.select %eq3A_2602, %iota3A, %broadcast_in_dim3A_2604 : vector<256x512xi1>, vector<256x512xi32>
    %reduce_min3A_2606 = arith.constant dense<2147483647> : vector<256xi32>
    %reduce_min3A_2607 = vector.multi_reduction <minsi>, %select_n3A_2605, %reduce_min3A_2606 [1] : vector<256x512xi32> to vector<256xi32>
    %broadcast_in_dim3A_2608 = vector.shape_cast %reduce_min3A_2607 : vector<256xi32> to vector<256x1xi32>
    %eq3A_2609 = vector.broadcast %broadcast_in_dim3A_2608 : vector<256x1xi32> to vector<256x512xi32>
    %eq3A_2610 = arith.cmpi eq, %iota3A, %eq3A_2609 : vector<256x512xi32>
    %jit3A_2611 = arith.constant 0xFF800000 : f32
    %broadcast_in_dim3A_2612 = vector.broadcast %jit3A_2611 : f32 to vector<256x512xf32>
    %select_n3A_2613 = arith.select %eq3A_2610, %broadcast_in_dim3A_2612, %select_n3A_2597 : vector<256x512xi1>, vector<256x512xf32>
    %reduce_max3A_2614 = arith.constant dense<0xFF800000> : vector<256xf32>
    %reduce_max3A_2615 = vector.multi_reduction <maximumf>, %select_n3A_2613, %reduce_max3A_2614 [1] : vector<256x512xf32> to vector<256xf32>
    %broadcast_in_dim3A_2616 = vector.shape_cast %reduce_max3A_2615 : vector<256xf32> to vector<256x1xf32>
    %eq3A_2617 = vector.broadcast %broadcast_in_dim3A_2616 : vector<256x1xf32> to vector<256x512xf32>
    %eq3A_2618 = arith.cmpf oeq, %select_n3A_2613, %eq3A_2617 : vector<256x512xf32>
    %jit3A_2619 = arith.constant 512 : i32
    %broadcast_in_dim3A_2620 = vector.broadcast %jit3A_2619 : i32 to vector<256x512xi32>
    %select_n3A_2621 = arith.select %eq3A_2618, %iota3A, %broadcast_in_dim3A_2620 : vector<256x512xi1>, vector<256x512xi32>
    %reduce_min3A_2622 = arith.constant dense<2147483647> : vector<256xi32>
    %reduce_min3A_2623 = vector.multi_reduction <minsi>, %select_n3A_2621, %reduce_min3A_2622 [1] : vector<256x512xi32> to vector<256xi32>
    %broadcast_in_dim3A_2624 = vector.shape_cast %reduce_min3A_2623 : vector<256xi32> to vector<256x1xi32>
    %eq3A_2625 = vector.broadcast %broadcast_in_dim3A_2624 : vector<256x1xi32> to vector<256x512xi32>
    %eq3A_2626 = arith.cmpi eq, %iota3A, %eq3A_2625 : vector<256x512xi32>
    %jit3A_2627 = arith.constant 0xFF800000 : f32
    %broadcast_in_dim3A_2628 = vector.broadcast %jit3A_2627 : f32 to vector<256x512xf32>
    %select_n3A_2629 = arith.select %eq3A_2626, %broadcast_in_dim3A_2628, %select_n3A_2613 : vector<256x512xi1>, vector<256x512xf32>
    %reduce_max3A_2630 = arith.constant dense<0xFF800000> : vector<256xf32>
    %reduce_max3A_2631 = vector.multi_reduction <maximumf>, %select_n3A_2629, %reduce_max3A_2630 [1] : vector<256x512xf32> to vector<256xf32>
    %broadcast_in_dim3A_2632 = vector.shape_cast %reduce_max3A_2631 : vector<256xf32> to vector<256x1xf32>
    %eq3A_2633 = vector.broadcast %broadcast_in_dim3A_2632 : vector<256x1xf32> to vector<256x512xf32>
    %eq3A_2634 = arith.cmpf oeq, %select_n3A_2629, %eq3A_2633 : vector<256x512xf32>
    %jit3A_2635 = arith.constant 512 : i32
    %broadcast_in_dim3A_2636 = vector.broadcast %jit3A_2635 : i32 to vector<256x512xi32>
    %select_n3A_2637 = arith.select %eq3A_2634, %iota3A, %broadcast_in_dim3A_2636 : vector<256x512xi1>, vector<256x512xi32>
    %reduce_min3A_2638 = arith.constant dense<2147483647> : vector<256xi32>
    %reduce_min3A_2639 = vector.multi_reduction <minsi>, %select_n3A_2637, %reduce_min3A_2638 [1] : vector<256x512xi32> to vector<256xi32>
    %broadcast_in_dim3A_2640 = vector.shape_cast %reduce_min3A_2639 : vector<256xi32> to vector<256x1xi32>
    %eq3A_2641 = vector.broadcast %broadcast_in_dim3A_2640 : vector<256x1xi32> to vector<256x512xi32>
    %eq3A_2642 = arith.cmpi eq, %iota3A, %eq3A_2641 : vector<256x512xi32>
    %jit3A_2643 = arith.constant 0xFF800000 : f32
    %broadcast_in_dim3A_2644 = vector.broadcast %jit3A_2643 : f32 to vector<256x512xf32>
    %select_n3A_2645 = arith.select %eq3A_2642, %broadcast_in_dim3A_2644, %select_n3A_2629 : vector<256x512xi1>, vector<256x512xf32>
    %reduce_max3A_2646 = arith.constant dense<0xFF800000> : vector<256xf32>
    %reduce_max3A_2647 = vector.multi_reduction <maximumf>, %select_n3A_2645, %reduce_max3A_2646 [1] : vector<256x512xf32> to vector<256xf32>
    %broadcast_in_dim3A_2648 = vector.shape_cast %reduce_max3A_2647 : vector<256xf32> to vector<256x1xf32>
    %eq3A_2649 = vector.broadcast %broadcast_in_dim3A_2648 : vector<256x1xf32> to vector<256x512xf32>
    %eq3A_2650 = arith.cmpf oeq, %select_n3A_2645, %eq3A_2649 : vector<256x512xf32>
    %jit3A_2651 = arith.constant 512 : i32
    %broadcast_in_dim3A_2652 = vector.broadcast %jit3A_2651 : i32 to vector<256x512xi32>
    %select_n3A_2653 = arith.select %eq3A_2650, %iota3A, %broadcast_in_dim3A_2652 : vector<256x512xi1>, vector<256x512xi32>
    %reduce_min3A_2654 = arith.constant dense<2147483647> : vector<256xi32>
    %reduce_min3A_2655 = vector.multi_reduction <minsi>, %select_n3A_2653, %reduce_min3A_2654 [1] : vector<256x512xi32> to vector<256xi32>
    %broadcast_in_dim3A_2656 = vector.shape_cast %reduce_min3A_2655 : vector<256xi32> to vector<256x1xi32>
    %eq3A_2657 = vector.broadcast %broadcast_in_dim3A_2656 : vector<256x1xi32> to vector<256x512xi32>
    %eq3A_2658 = arith.cmpi eq, %iota3A, %eq3A_2657 : vector<256x512xi32>
    %jit3A_2659 = arith.constant 0xFF800000 : f32
    %broadcast_in_dim3A_2660 = vector.broadcast %jit3A_2659 : f32 to vector<256x512xf32>
    %select_n3A_2661 = arith.select %eq3A_2658, %broadcast_in_dim3A_2660, %select_n3A_2645 : vector<256x512xi1>, vector<256x512xf32>
    %reduce_max3A_2662 = arith.constant dense<0xFF800000> : vector<256xf32>
    %reduce_max3A_2663 = vector.multi_reduction <maximumf>, %select_n3A_2661, %reduce_max3A_2662 [1] : vector<256x512xf32> to vector<256xf32>
    %broadcast_in_dim3A_2664 = vector.shape_cast %reduce_max3A_2663 : vector<256xf32> to vector<256x1xf32>
    %eq3A_2665 = vector.broadcast %broadcast_in_dim3A_2664 : vector<256x1xf32> to vector<256x512xf32>
    %eq3A_2666 = arith.cmpf oeq, %select_n3A_2661, %eq3A_2665 : vector<256x512xf32>
    %jit3A_2667 = arith.constant 512 : i32
    %broadcast_in_dim3A_2668 = vector.broadcast %jit3A_2667 : i32 to vector<256x512xi32>
    %select_n3A_2669 = arith.select %eq3A_2666, %iota3A, %broadcast_in_dim3A_2668 : vector<256x512xi1>, vector<256x512xi32>
    %reduce_min3A_2670 = arith.constant dense<2147483647> : vector<256xi32>
    %reduce_min3A_2671 = vector.multi_reduction <minsi>, %select_n3A_2669, %reduce_min3A_2670 [1] : vector<256x512xi32> to vector<256xi32>
    %broadcast_in_dim3A_2672 = vector.shape_cast %reduce_min3A_2671 : vector<256xi32> to vector<256x1xi32>
    %eq3A_2673 = vector.broadcast %broadcast_in_dim3A_2672 : vector<256x1xi32> to vector<256x512xi32>
    %eq3A_2674 = arith.cmpi eq, %iota3A, %eq3A_2673 : vector<256x512xi32>
    %jit3A_2675 = arith.constant 0xFF800000 : f32
    %broadcast_in_dim3A_2676 = vector.broadcast %jit3A_2675 : f32 to vector<256x512xf32>
    %select_n3A_2677 = arith.select %eq3A_2674, %broadcast_in_dim3A_2676, %select_n3A_2661 : vector<256x512xi1>, vector<256x512xf32>
    %reduce_max3A_2678 = arith.constant dense<0xFF800000> : vector<256xf32>
    %reduce_max3A_2679 = vector.multi_reduction <maximumf>, %select_n3A_2677, %reduce_max3A_2678 [1] : vector<256x512xf32> to vector<256xf32>
    %broadcast_in_dim3A_2680 = vector.shape_cast %reduce_max3A_2679 : vector<256xf32> to vector<256x1xf32>
    %eq3A_2681 = vector.broadcast %broadcast_in_dim3A_2680 : vector<256x1xf32> to vector<256x512xf32>
    %eq3A_2682 = arith.cmpf oeq, %select_n3A_2677, %eq3A_2681 : vector<256x512xf32>
    %jit3A_2683 = arith.constant 512 : i32
    %broadcast_in_dim3A_2684 = vector.broadcast %jit3A_2683 : i32 to vector<256x512xi32>
    %select_n3A_2685 = arith.select %eq3A_2682, %iota3A, %broadcast_in_dim3A_2684 : vector<256x512xi1>, vector<256x512xi32>
    %reduce_min3A_2686 = arith.constant dense<2147483647> : vector<256xi32>
    %reduce_min3A_2687 = vector.multi_reduction <minsi>, %select_n3A_2685, %reduce_min3A_2686 [1] : vector<256x512xi32> to vector<256xi32>
    %broadcast_in_dim3A_2688 = vector.shape_cast %reduce_min3A_2687 : vector<256xi32> to vector<256x1xi32>
    %eq3A_2689 = vector.broadcast %broadcast_in_dim3A_2688 : vector<256x1xi32> to vector<256x512xi32>
    %eq3A_2690 = arith.cmpi eq, %iota3A, %eq3A_2689 : vector<256x512xi32>
    %jit3A_2691 = arith.constant 0xFF800000 : f32
    %broadcast_in_dim3A_2692 = vector.broadcast %jit3A_2691 : f32 to vector<256x512xf32>
    %select_n3A_2693 = arith.select %eq3A_2690, %broadcast_in_dim3A_2692, %select_n3A_2677 : vector<256x512xi1>, vector<256x512xf32>
    %concatenate3A_2694 = tpu.concatenate %broadcast_in_dim3A_2568, %broadcast_in_dim3A_2584, %broadcast_in_dim3A_2600, %broadcast_in_dim3A_2616, %broadcast_in_dim3A_2632, %broadcast_in_dim3A_2648, %broadcast_in_dim3A_2664, %broadcast_in_dim3A_2680 in 1 : vector<256x1xf32>, vector<256x1xf32>, vector<256x1xf32>, vector<256x1xf32>, vector<256x1xf32>, vector<256x1xf32>, vector<256x1xf32>, vector<256x1xf32> -> vector<256x8xf32>
    %slice3A_2695 = vector.extract_strided_slice %concatenate3A_2694 {offsets = [0, 0], sizes = [256, 1], strides = [1, 1]} : vector<256x8xf32> to vector<256x1xf32>
    %sub3A_2696 = vector.broadcast %slice3A_2695 : vector<256x1xf32> to vector<256x8xf32>
    %sub3A_2697 = arith.subf %concatenate3A_2694, %sub3A_2696 : vector<256x8xf32>
    %exp3A_2698 = math.exp %sub3A_2697 : vector<256x8xf32>
    %reduce_sum3A_2699 = arith.constant dense<0.000000e+00> : vector<256xf32>
    %reduce_sum3A_2700 = vector.multi_reduction <add>, %exp3A_2698, %reduce_sum3A_2699 [1] : vector<256x8xf32> to vector<256xf32>
    %broadcast_in_dim3A_2701 = vector.shape_cast %reduce_sum3A_2700 : vector<256xf32> to vector<256x1xf32>
    %eq3A_2702 = arith.constant 0xFF800000 : f32
    %eq3A_2703 = vector.broadcast %eq3A_2702 : f32 to vector<256x512xf32>
    %eq3A_2704 = arith.cmpf oeq, %select_n3A_2693, %eq3A_2703 : vector<256x512xf32>
    %sub3A_2705 = vector.broadcast %slice3A_2695 : vector<256x1xf32> to vector<256x512xf32>
    %sub3A_2706 = arith.subf %mul3A_2562, %sub3A_2705 : vector<256x512xf32>
    %exp3A_2707 = math.exp %sub3A_2706 : vector<256x512xf32>
    %div3A_2708 = vector.broadcast %broadcast_in_dim3A_2701 : vector<256x1xf32> to vector<256x512xf32>
    %div3A_2709 = arith.divf %exp3A_2707, %div3A_2708 : vector<256x512xf32>
    %jit3A_2710 = arith.constant 0.000000e+00 : f32
    %broadcast_in_dim3A_2711 = vector.broadcast %jit3A_2710 : f32 to vector<256x512xf32>
    %select_n3A_2712 = arith.select %eq3A_2704, %div3A_2709, %broadcast_in_dim3A_2711 : vector<256x512xi1>, vector<256x512xf32>
    %convert_element_type3A_2713 = arith.truncf %select_n3A_2712 : vector<256x512xf32> to vector<256x512xbf16>
    %get3A_2714 = arith.constant 15 : index
    %get3A_2715 = arith.constant 0 : index
    %get3A_2716 = arith.constant 0 : index
    %get3A_2717 = vector.load %arg5[%get3A_2714, %get3A_2715, %get3A_2716] : memref<16x512x128xbf16, #tpu.memory_space<vmem>>, vector<1x512x128xbf16>
    %get3A_2718 = vector.shape_cast %get3A_2717 : vector<1x512x128xbf16> to vector<512x128xbf16>
    %dot_general3A_2719 = arith.constant dense<0.000000e+00> : vector<256x128xf32>
    %dot_general3A_2720 = tpu.matmul %convert_element_type3A_2713, %get3A_2718, %dot_general3A_2719 {dimension_numbers = #tpu.dot_dimension_numbers<[1], [0], [0], [1], [0, 0, 1, 1], [], []>, transpose_lhs_hint = false} : vector<256x512xbf16>, vector<512x128xbf16>, vector<256x128xf32> -> vector<256x128xf32>
    %concatenate3A_2721 = tpu.concatenate %dot_general3A_200, %dot_general3A_368, %dot_general3A_536, %dot_general3A_704, %dot_general3A_872, %dot_general3A_1040, %dot_general3A_1208, %dot_general3A_1376, %dot_general3A_1544, %dot_general3A_1712, %dot_general3A_1880, %dot_general3A_2048, %dot_general3A_2216, %dot_general3A_2384, %dot_general3A_2552, %dot_general3A_2720 in 1 : vector<256x128xf32>, vector<256x128xf32>, vector<256x128xf32>, vector<256x128xf32>, vector<256x128xf32>, vector<256x128xf32>, vector<256x128xf32>, vector<256x128xf32>, vector<256x128xf32>, vector<256x128xf32>, vector<256x128xf32>, vector<256x128xf32>, vector<256x128xf32>, vector<256x128xf32>, vector<256x128xf32>, vector<256x128xf32> -> vector<256x2048xf32>
    %convert_element_type3A_2722 = arith.truncf %concatenate3A_2721 : vector<256x2048xf32> to vector<256x2048xbf16>
    %get3A_2723 = arith.constant 0 : index
    %get3A_2724 = arith.constant 0 : index
    %get3A_2725 = vector.load %arg6[%get3A_2723, %get3A_2724] : memref<2048x2048xbf16, #tpu.memory_space<vmem>>, vector<2048x2048xbf16>
    %dot_general3A_2726 = arith.constant dense<0.000000e+00> : vector<256x2048xf32>
    %dot_general3A_2727 = tpu.matmul %convert_element_type3A_2722, %get3A_2725, %dot_general3A_2726 {dimension_numbers = #tpu.dot_dimension_numbers<[1], [1], [0], [0], [0, 0, 1, 0], [], []>, transpose_lhs_hint = false} : vector<256x2048xbf16>, vector<2048x2048xbf16>, vector<256x2048xf32> -> vector<256x2048xf32>
    %get3A_2728 = arith.constant 0 : index
    %get3A_2729 = arith.constant 0 : index
    %get3A_2730 = vector.load %arg7[%get3A_2728, %get3A_2729] : memref<1x2048xf32, #tpu.memory_space<vmem>>, vector<1x2048xf32>
    %add3A_2731 = vector.broadcast %get3A_2730 : vector<1x2048xf32> to vector<256x2048xf32>
    %add3A_2732 = arith.addf %dot_general3A_2727, %add3A_2731 : vector<256x2048xf32>
    %add3A_2733 = arith.addf %add3A_2732, %get3A_1 : vector<256x2048xf32>
    %swap3A_2734 = arith.constant 0 : index
    %swap3A_2735 = arith.constant 0 : index
    %swap3A_2736 = vector.load %arg11[%swap3A_2734, %swap3A_2735] : memref<256x2048xf32, #tpu.memory_space<vmem>>, vector<256x2048xf32>
    tpu.vector_store %arg11[%swap3A_2734, %swap3A_2735], %add3A_2733 {strides = array<i32>} : memref<256x2048xf32, #tpu.memory_space<vmem>>, vector<256x2048xf32>,
    %concatenate3A_2737 = tpu.concatenate %broadcast_in_dim3A_59, %broadcast_in_dim3A_75, %broadcast_in_dim3A_91, %broadcast_in_dim3A_107, %broadcast_in_dim3A_123, %broadcast_in_dim3A_139, %broadcast_in_dim3A_155, %broadcast_in_dim3A_171, %broadcast_in_dim3A_224, %broadcast_in_dim3A_240, %broadcast_in_dim3A_256, %broadcast_in_dim3A_272, %broadcast_in_dim3A_288, %broadcast_in_dim3A_304, %broadcast_in_dim3A_320, %broadcast_in_dim3A_336, %broadcast_in_dim3A_392, %broadcast_in_dim3A_408, %broadcast_in_dim3A_424, %broadcast_in_dim3A_440, %broadcast_in_dim3A_456, %broadcast_in_dim3A_472, %broadcast_in_dim3A_488, %broadcast_in_dim3A_504, %broadcast_in_dim3A_560, %broadcast_in_dim3A_576, %broadcast_in_dim3A_592, %broadcast_in_dim3A_608, %broadcast_in_dim3A_624, %broadcast_in_dim3A_640, %broadcast_in_dim3A_656, %broadcast_in_dim3A_672, %broadcast_in_dim3A_728, %broadcast_in_dim3A_744, %broadcast_in_dim3A_760, %broadcast_in_dim3A_776, %broadcast_in_dim3A_792, %broadcast_in_dim3A_808, %broadcast_in_dim3A_824, %broadcast_in_dim3A_840, %broadcast_in_dim3A_896, %broadcast_in_dim3A_912, %broadcast_in_dim3A_928, %broadcast_in_dim3A_944, %broadcast_in_dim3A_960, %broadcast_in_dim3A_976, %broadcast_in_dim3A_992, %broadcast_in_dim3A_1008, %broadcast_in_dim3A_1064, %broadcast_in_dim3A_1080, %broadcast_in_dim3A_1096, %broadcast_in_dim3A_1112, %broadcast_in_dim3A_1128, %broadcast_in_dim3A_1144, %broadcast_in_dim3A_1160, %broadcast_in_dim3A_1176, %broadcast_in_dim3A_1232, %broadcast_in_dim3A_1248, %broadcast_in_dim3A_1264, %broadcast_in_dim3A_1280, %broadcast_in_dim3A_1296, %broadcast_in_dim3A_1312, %broadcast_in_dim3A_1328, %broadcast_in_dim3A_1344, %broadcast_in_dim3A_1400, %broadcast_in_dim3A_1416, %broadcast_in_dim3A_1432, %broadcast_in_dim3A_1448, %broadcast_in_dim3A_1464, %broadcast_in_dim3A_1480, %broadcast_in_dim3A_1496, %broadcast_in_dim3A_1512, %broadcast_in_dim3A_1568, %broadcast_in_dim3A_1584, %broadcast_in_dim3A_1600, %broadcast_in_dim3A_1616, %broadcast_in_dim3A_1632, %broadcast_in_dim3A_1648, %broadcast_in_dim3A_1664, %broadcast_in_dim3A_1680, %broadcast_in_dim3A_1736, %broadcast_in_dim3A_1752, %broadcast_in_dim3A_1768, %broadcast_in_dim3A_1784, %broadcast_in_dim3A_1800, %broadcast_in_dim3A_1816, %broadcast_in_dim3A_1832, %broadcast_in_dim3A_1848, %broadcast_in_dim3A_1904, %broadcast_in_dim3A_1920, %broadcast_in_dim3A_1936, %broadcast_in_dim3A_1952, %broadcast_in_dim3A_1968, %broadcast_in_dim3A_1984, %broadcast_in_dim3A_2000, %broadcast_in_dim3A_2016, %broadcast_in_dim3A_2072, %broadcast_in_dim3A_2088, %broadcast_in_dim3A_2104, %broadcast_in_dim3A_2120, %broadcast_in_dim3A_2136, %broadcast_in_dim3A_2152, %broadcast_in_dim3A_2168, %broadcast_in_dim3A_2184, %broadcast_in_dim3A_2240, %broadcast_in_dim3A_2256, %broadcast_in_dim3A_2272, %broadcast_in_dim3A_2288, %broadcast_in_dim3A_2304, %broadcast_in_dim3A_2320, %broadcast_in_dim3A_2336, %broadcast_in_dim3A_2352, %broadcast_in_dim3A_2408, %broadcast_in_dim3A_2424, %broadcast_in_dim3A_2440, %broadcast_in_dim3A_2456, %broadcast_in_dim3A_2472, %broadcast_in_dim3A_2488, %broadcast_in_dim3A_2504, %broadcast_in_dim3A_2520, %broadcast_in_dim3A_2576, %broadcast_in_dim3A_2592, %broadcast_in_dim3A_2608, %broadcast_in_dim3A_2624, %broadcast_in_dim3A_2640, %broadcast_in_dim3A_2656, %broadcast_in_dim3A_2672, %broadcast_in_dim3A_2688 in 1 : vector<256x1xi32>, vector<256x1xi32>, vector<256x1xi32>, vector<256x1xi32>, vector<256x1xi32>, vector<256x1xi32>, vector<256x1xi32>, vector<256x1xi32>, vector<256x1xi32>, vector<256x1xi32>, vector<256x1xi32>, vector<256x1xi32>, vector<256x1xi32>, vector<256x1xi32>, vector<256x1xi32>, vector<256x1xi32>, vector<256x1xi32>, vector<256x1xi32>, vector<256x1xi32>, vector<256x1xi32>, vector<256x1xi32>, vector<256x1xi32>, vector<256x1xi32>, vector<256x1xi32>, vector<256x1xi32>, vector<256x1xi32>, vector<256x1xi32>, vector<256x1xi32>, vector<256x1xi32>, vector<256x1xi32>, vector<256x1xi32>, vector<256x1xi32>, vector<256x1xi32>, vector<256x1xi32>, vector<256x1xi32>, vector<256x1xi32>, vector<256x1xi32>, vector<256x1xi32>, vector<256x1xi32>, vector<256x1xi32>, vector<256x1xi32>, vector<256x1xi32>, vector<256x1xi32>, vector<256x1xi32>, vector<256x1xi32>, vector<256x1xi32>, vector<256x1xi32>, vector<256x1xi32>, vector<256x1xi32>, vector<256x1xi32>, vector<256x1xi32>, vector<256x1xi32>, vector<256x1xi32>, vector<256x1xi32>, vector<256x1xi32>, vector<256x1xi32>, vector<256x1xi32>, vector<256x1xi32>, vector<256x1xi32>, vector<256x1xi32>, vector<256x1xi32>, vector<256x1xi32>, vector<256x1xi32>, vector<256x1xi32>, vector<256x1xi32>, vector<256x1xi32>, vector<256x1xi32>, vector<256x1xi32>, vector<256x1xi32>, vector<256x1xi32>, vector<256x1xi32>, vector<256x1xi32>, vector<256x1xi32>, vector<256x1xi32>, vector<256x1xi32>, vector<256x1xi32>, vector<256x1xi32>, vector<256x1xi32>, vector<256x1xi32>, vector<256x1xi32>, vector<256x1xi32>, vector<256x1xi32>, vector<256x1xi32>, vector<256x1xi32>, vector<256x1xi32>, vector<256x1xi32>, vector<256x1xi32>, vector<256x1xi32>, vector<256x1xi32>, vector<256x1xi32>, vector<256x1xi32>, vector<256x1xi32>, vector<256x1xi32>, vector<256x1xi32>, vector<256x1xi32>, vector<256x1xi32>, vector<256x1xi32>, vector<256x1xi32>, vector<256x1xi32>, vector<256x1xi32>, vector<256x1xi32>, vector<256x1xi32>, vector<256x1xi32>, vector<256x1xi32>, vector<256x1xi32>, vector<256x1xi32>, vector<256x1xi32>, vector<256x1xi32>, vector<256x1xi32>, vector<256x1xi32>, vector<256x1xi32>, vector<256x1xi32>, vector<256x1xi32>, vector<256x1xi32>, vector<256x1xi32>, vector<256x1xi32>, vector<256x1xi32>, vector<256x1xi32>, vector<256x1xi32>, vector<256x1xi32>, vector<256x1xi32>, vector<256x1xi32>, vector<256x1xi32>, vector<256x1xi32>, vector<256x1xi32>, vector<256x1xi32>, vector<256x1xi32>, vector<256x1xi32> -> vector<256x128xi32>
    %swap3A_2738 = arith.constant 0 : index
    %swap3A_2739 = arith.constant 0 : index
    %swap3A_2740 = vector.load %arg12[%swap3A_2738, %swap3A_2739] : memref<256x128xi32, #tpu.memory_space<vmem>>, vector<256x128xi32>
    tpu.vector_store %arg12[%swap3A_2738, %swap3A_2739], %concatenate3A_2737 {strides = array<i32>} : memref<256x128xi32, #tpu.memory_space<vmem>>, vector<256x128xi32>,
    return
  }
  func.func @transform_0(%arg0: i32) -> (i32, i32) {
    %c0_i32 = arith.constant 0 : i32
    %c0_i32_0 = arith.constant 0 : i32
    return %arg0, %c0_i32 : i32, i32
  }
  func.func @transform_1(%arg0: i32) -> (i32, i32) {
    %c0_i32 = arith.constant 0 : i32
    %c0_i32_0 = arith.constant 0 : i32
    %c0_i32_1 = arith.constant 0 : i32
    return %c0_i32, %c0_i32_0 : i32, i32
  }
  func.func @transform_2(%arg0: i32) -> (i32, i32) {
    %c0_i32 = arith.constant 0 : i32
    %c0_i32_0 = arith.constant 0 : i32
    %c0_i32_1 = arith.constant 0 : i32
    return %c0_i32, %c0_i32_0 : i32, i32
  }
  func.func @transform_3(%arg0: i32) -> (i32, i32, i32) {
    %c0_i32 = arith.constant 0 : i32
    %c0_i32_0 = arith.constant 0 : i32
    %c0_i32_1 = arith.constant 0 : i32
    %c0_i32_2 = arith.constant 0 : i32
    return %c0_i32, %c0_i32_0, %c0_i32_1 : i32, i32, i32
  }
  func.func @transform_4(%arg0: i32) -> (i32, i32, i32) {
    %c0_i32 = arith.constant 0 : i32
    %c0_i32_0 = arith.constant 0 : i32
    %c0_i32_1 = arith.constant 0 : i32
    %c0_i32_2 = arith.constant 0 : i32
    return %c0_i32, %c0_i32_0, %c0_i32_1 : i32, i32, i32
  }
  func.func @transform_5(%arg0: i32) -> (i32, i32) {
    %c0_i32 = arith.constant 0 : i32
    %c0_i32_0 = arith.constant 0 : i32
    %c0_i32_1 = arith.constant 0 : i32
    return %c0_i32, %c0_i32_0 : i32, i32
  }
  func.func @transform_6(%arg0: i32) -> (i32, i32) {
    %c0_i32 = arith.constant 0 : i32
    %c0_i32_0 = arith.constant 0 : i32
    %c0_i32_1 = arith.constant 0 : i32
    return %c0_i32, %c0_i32_0 : i32, i32
  }
  func.func @transform_7(%arg0: i32) -> (i32, i32) {
    %c0_i32 = arith.constant 0 : i32
    %c0_i32_0 = arith.constant 0 : i32
    %c0_i32_1 = arith.constant 0 : i32
    return %c0_i32, %c0_i32_0 : i32, i32
  }
  func.func @transform_8(%arg0: i32) -> (i32, i32) {
    %c0_i32 = arith.constant 0 : i32
    %c0_i32_0 = arith.constant 0 : i32
    %c0_i32_1 = arith.constant 0 : i32
    return %c0_i32, %c0_i32_0 : i32, i32
  }
  func.func @transform_9(%arg0: i32) -> (i32, i32) {
    %c0_i32 = arith.constant 0 : i32
    %c0_i32_0 = arith.constant 0 : i32
    %c0_i32_1 = arith.constant 0 : i32
    return %c0_i32, %c0_i32_0 : i32, i32
  }
  func.func @transform_10(%arg0: i32) -> (i32, i32) {
    %c0_i32 = arith.constant 0 : i32
    %c0_i32_0 = arith.constant 0 : i32
    return %arg0, %c0_i32 : i32, i32
  }
  func.func @transform_11(%arg0: i32) -> (i32, i32) {
    %c0_i32 = arith.constant 0 : i32
    %c0_i32_0 = arith.constant 0 : i32
    return %arg0, %c0_i32 : i32, i32
  }
  func.func @transform_12(%arg0: i32) -> (i32, i32) {
    %c0_i32 = arith.constant 0 : i32
    %c0_i32_0 = arith.constant 0 : i32
    return %arg0, %c0_i32 : i32, i32
  }
}

module attributes {stable_mosaic.version = 14 : i64} {
  func.func @_quant_kernel(%arg0: memref<16x512x128xf32, #tpu.memory_space<vmem>>, %arg1: memref<16x512x128xf32, #tpu.memory_space<vmem>>) attributes {dimension_semantics = [], scalar_prefetch = 0 : i64, scratch_operands = 0 : i64, tpu.core_type = #tpu.core_type<tc>} {
    %get3A = arith.constant 0 : index
    %get3A_0 = arith.constant 0 : index
    %get3A_1 = arith.constant 0 : index
    %get3A_2 = vector.load %arg0[%get3A, %get3A_0, %get3A_1] : memref<16x512x128xf32, #tpu.memory_space<vmem>>, vector<16x512x128xf32>
    %gt3A = arith.constant 3.000000e-01 : f32
    %gt3A_3 = vector.broadcast %gt3A : f32 to vector<16x512x128xf32>
    %gt3A_4 = arith.cmpf ogt, %get3A_2, %gt3A_3 : vector<16x512x128xf32>
    %lt3A = arith.constant -3.000000e-01 : f32
    %lt3A_5 = vector.broadcast %lt3A : f32 to vector<16x512x128xf32>
    %lt3A_6 = arith.cmpf olt, %get3A_2, %lt3A_5 : vector<16x512x128xf32>
    %jit3A = arith.constant -1.000000e+00 : f32
    %jit3A_7 = arith.constant 0.000000e+00 : f32
    %broadcast_in_dim3A = vector.broadcast %jit3A : f32 to vector<16x512x128xf32>
    %broadcast_in_dim3A_8 = vector.broadcast %jit3A_7 : f32 to vector<16x512x128xf32>
    %select_n3A = arith.select %lt3A_6, %broadcast_in_dim3A, %broadcast_in_dim3A_8 : vector<16x512x128xi1>, vector<16x512x128xf32>
    %jit3A_9 = arith.constant 1.000000e+00 : f32
    %broadcast_in_dim3A_10 = vector.broadcast %jit3A_9 : f32 to vector<16x512x128xf32>
    %select_n3A_11 = arith.select %gt3A_4, %broadcast_in_dim3A_10, %select_n3A : vector<16x512x128xi1>, vector<16x512x128xf32>
    %swap3A = arith.constant 0 : index
    %swap3A_12 = arith.constant 0 : index
    %swap3A_13 = arith.constant 0 : index
    %swap3A_14 = vector.load %arg1[%swap3A, %swap3A_12, %swap3A_13] : memref<16x512x128xf32, #tpu.memory_space<vmem>>, vector<16x512x128xf32>
    tpu.vector_store %arg1[%swap3A, %swap3A_12, %swap3A_13], %select_n3A_11 {strides = array<i32>} : memref<16x512x128xf32, #tpu.memory_space<vmem>>, vector<16x512x128xf32>,
    return
  }
}

</mosaic_0001>

<sc_bundles>
// kernel: sparse-core-data-format-call.cloned.1.call-start
scs
called_computation_lowered:
.L_overlay_start_0:
0x0: {  	s2 =	sld [smem:$0x3FD9]  }
0x1: {  	s3 =	sld [smem:$0x3FFE];
	_ =	sdelay $0x1  }
0x2: {  	s1 =	srdreg.scid  }
0x3: {  	s0 =	sand.u32 $0x1, s1  }
0x4: {  	s15 =	sshll.u32 s0, $0xA;
	s2 =	sadd.s32 s3, s2  }
0x5: {  	s2 =	sadd.s32 s2, s15  }
0x6: {  	[smem:$0x3FBE] =	sst s2  }
0x7: {  	_ = 	snop  }
0x8: {  	s2 =	sld [smem:$0x3FD0];
	_ =	sdelay $0x2  }
0x9: {  	s16 =	simm.s32 $0xA;
	s4 =	simm.s32 $0x10  }
0xa: {  	[smem:s4], [sflag:s16] =	dma.local [hbm:s2], $0x1  }
0xb: {  	_ =	swait.eq [sflag:s16], $0x1  }
0xc: {  	[sflag:s16] =	ssyncset.done $0x0  }
0xd: {  	[sflag:s16] =	ssyncadd.s32 $0xFFFFFFFF  }
0xe: {  	s17 =	sld [smem:$0x12];
	(tm) =	ssettm $0x1  }
0xf: {  	s18 =	sld [smem:$0x3FFB];
	_ =	sdelay $0x3  }
0x10: {  	_ =	strace s18  }
0x11: {  	s3 =	sld [smem:$0x3FFC];
	_ =	sdelay $0x3  }
0x12: {  	_ =	strace s3  }
0x13: {  	s3 =	sld [smem:$0x3FFD];
	_ =	sdelay $0x3  }
0x14: {  	_ =	strace s3  }
0x15: {  	_ =	strace $0x8FFFFFFF  }
0x16: {  	s19 =	sld [smem:$0x3FDB];
	_ =	sdelay $0x1  }
0x17: {  	s20 =	simm.s32 $_scs_section_size  }
0x18: {  	s5 =	simm.s32 $_size__tile_overlayer_lowered;
	s6 =	simm.s32 $_tile_overlayer_lowered  }
0x19: {  	s23 =	simm.s32 $0x1BFF;
	s22 =	sshll.u32 s6, $0x1;
	s3 =	sadd.s32 s20, s19  }
0x1a: {  	s7 =	simm.s32 $0x0;
	s21 =	sshll.u32 s5, $0x1;
	s5 =	sadd.s32 s22, s3  }
0x1b: {  	[timem:s7], [sflag:s23] =	dma.local [hbm:s5], s21  }
0x1c: {  	_ =	swait.ge [sflag:s23], s21  }
0x1d: {  	s4 =	ssub.s32 $0x0, s21;
	[sflag:s23] =	ssyncset.done $0x0  }
0x1e: {  	[sflag:s23] =	ssyncadd.s32 s4;
	_ =	sdelay $0x1  }
0x1f: {  	s24 =	simm.s32 $0x1B8B  }
0x20: {  	_ =	swait.ge [sflag:s24], $0x1  }
0x21: {  	[sflag:s24] =	ssyncset.done $0x0  }
0x22: {  	s26 =	simm.s32 $0x1B8E;
	s25 =	sld [smem:$0x3FFE];
	[sflag:s24] =	ssyncadd.s32 $0xFFFFFFFF  }
0x23: {  	s27 =	simm.s32 $execute0_lowered;
	[smem:$0x3FD2] =	sst s26  }
0x24: {  	s5 =	sshll.u32 s27, $0x1;
	_ =	strace $0x80000046;
	[dreg:$0x1] =	wrdreg $0xFFFFFFFF  }
0x25: {  	s28 =	simm.s32 $_size_execute0_lowered;
	s3 =	sadd.s32 s3, s5;
	[dreg:$0x0] =	wrdreg $0x0  }
0x26: {  	s5 =	sshll.u32 s28, $0x1;
	[dreg:$0x2] =	wrdreg s3  }
0x27: {  	[dreg:$0x3] =	wrdreg s5  }
0x28: {  	[dreg:$0x4] =	wrdreg $0xC0  }
0x29: {  	_ =	task [dreg:s7], $0x5FFFF  }
0x2a: {  	[dreg:$0x1] =	wrdreg $0xFFFFFFFF  }
0x2b: {  	[dreg:$0x0] =	wrdreg $0x60  }
0x2c: {  	[dreg:$0x2] =	wrdreg s25  }
0x2d: {  	[dreg:$0x3] =	wrdreg s17  }
0x2e: {  	[dreg:$0x4] =	wrdreg $0x9  }
0x2f: {  	_ =	task.clear_ibuf [dreg:s7], $0x5FFFF;
	_ =	strace $0x90000046  }
0x30: {  	s29 =	simm.s32 $0x9;
	_ =	strace $0x80000048  }
0x31: {  	_ =	swait.ge [sflag:s29], $0x1  }
0x32: {  	[sflag:s29] =	ssyncadd.s32 $0xFFFFFFFF  }
0x33: {  	_ =	strace $0x90000048  }
0x34: {  	_ =	sfence  }
0x35: {  	s30 =	sld [smem:$0x0];
	_ =	sdelay $0x2  }
0x36: {  	s31 =	sshll.u32 s1, $0xD;
	s1 =	sshrl.u32 s1, $0x2  }
0x37: {  	s3 =	sand.u32 $0x4000, s31;
	s1 =	sadd.s32 s1, s30  }
0x38: {  	s0 =	sor.u32 s3, s0;
	s1 =	sshll.u32 s1, $0x11  }
0x39: {  	s0 =	sor.u32 s1, s0  }
0x3a: {  	s0 =	sadd.s32 $0x8F2B, s0  }
0x3b: {  	[sflag:s0] =	ssyncadd.remote.s32 $0x1  }
0x3c: {  	_ =	sfence.sel $0xFFFF  }
0x3d: {  	[dreg:$0x0] =	wrdreg $0xFFFFFFFF;
	(pc) =	sbr.abs _section_cstart, $3  }
0x3e: {  	[dreg:$0x1] =	wrdreg $0xFFFFFFFF  }
0x3f: {  	_ =	task.clear_ibuf [dreg:s7], $0x2FFFF;
	_ =	strace $0x9FFFFFFF  }
0x40: {  	(tm) =	ssettm $0x7FFFFFFF  }
0x41: {  	_ =	shalt  }
tec
execute0_lowered:
.L_overlay_start_1:
0x0: {  	(tag) =	ssettag $0x1  }
0x1: {  	s1 =	rddreg [dreg:$0x0]  }
0x2: {  	s2 =	rddreg [dreg:$0x1]  }
0x3: {  	s0 =	rddreg [dreg:$0x2];
	_ =	strace $0x80000047;
	s4 =	srdreg.scid  }
0x4: {  	s6 =	simm.s32 $0x2;
	s12 =	simm.s32 $0x0;
	p0 =	por $0x0, $0x0  }
0x5: {  	s13 =	simm.s32 $0x0;
	s15 =	simm.s32 $0x0;
	s14 =	simm.s32 $0x0  }
.Ltmp0:
0x6: {  	s8 =	simm.s32 $0x0;
	s9 =	simm.s32 $0x0;
	(pc) =	sbr.rel .LBB1_1-.Ltmp0, $4  }
0x7: {  	s10 =	simm.s32 $0x0;
	s3 =	sadd.s32 $0x50E00, s1;
	s5 =	sshll.u32 s4, $0x4  }
0x8: {  	s1 =	stileid.u32;
	s4 =	simm.s32 $0x1;
	s5 =	sand.u32 $0x10, s5  }
0x9: {  	s7 =	simm.s32 $0x0;
	[sflag:s4] =	ssyncpa.u1 $0x0;
	s5 =	sor.u32 s1, s5  }
0xa: {  	[sflag:s6] =	ssyncpa.u1 $0x0;
	s6 =	simm.s32 $0x2000;
	s11 =	smov.u32 s5  }
.LBB1_7:
0xb: {  	s16 =	sadd.s32 $0x100, s8  }
0xc: {  	s12 =	sadd.s32 $0x8, s9;
	s17 =	smov.u32 s9;
	p2 =	sgt.s32 s16, $0x1FF  }
0xd: {  	s17 =	smov.u32 @p2 s12  }
0xe: {  	s18 =	smov.u32 s10;
	s12 =	sadd.s32 $0x8, s10;
	p3 =	sgt.s32 s17, $0x7  }
0xf: {  	s18 =	smov.u32 @p3 s12  }
0x10: {  	s19 =	smov.u32 s11;
	s12 =	sadd.s32 $0x20, s11;
	p4 =	sgt.s32 s18, $0xF  }
0x11: {  	p1 =	slt.u32 s7, $0x2;
	s19 =	smov.u32 @p4 s12  }
0x12: {  	s7 =	sadd.s32 $0x1, s7;
	s16 =	simm.s32 @p2 $0x0;
	p2 =	sgt.s32 s19, $0x7FF  }
0x13: {  	s20 =	simm.s32 @!p1 $0x2;
	s19 =	smov.u32 @p2 s5;
	p2 =	sne.s32 s7, $0x102  }
.Ltmp1:
0x14: {  	s13 =	smov.u32 s9;
	_ =	swait.ge @!p1 [sflag:s20], $0x4000;
	(pc) =	sbr.rel @!p2 .LBB1_8-.Ltmp1, $4  }
0x15: {  	s15 =	smov.u32 s10;
	s14 =	smov.u32 s11;
	[sflag:s20] =	ssyncset.done @!p1 $0x0  }
0x16: {  	p0 =	por !p0, !p0;
	s17 =	simm.s32 @p3 $0x0;
	[sflag:s20] =	ssyncadd.s32 @!p1 $0xFFFFC000  }
0x17: {  	s9 =	smov.u32 s17;
	s18 =	simm.s32 @p4 $0x0;
	s12 =	smov.u32 s8  }
0x18: {  	s8 =	smov.u32 s16;
	s10 =	smov.u32 s18;
	s11 =	smov.u32 s19  }
.LBB1_1:
0x19: {  	p1 =	sgt.u32 s7, $0xFF  }
0x1a: {  	s16 =	sxor.u32 @!p1 $0xFFFFFFFF, s7;
	s17 =	sshll.u32 @!p1 s8, $0x3  }
0x1b: {  	s18 =	sshll.u32 @!p1 s9, $0x7;
	s19 =	sand.u32 @!p1 $0x78, s8;
	s20 =	sshll.u32 @!p1 s11, $0xD  }
0x1c: {  	s21 =	sshll.u32 @!p1 s10, $0x9;
	s16 =	sshll.u32 @!p1 s16, $0xE;
	s18 =	sand.u32 @!p1 $0x380, s18  }
0x1d: {  	s17 =	sand.u32 @!p1 $0xC00, s17;
	s16 =	sand.u32 @!p1 $0x4000, s16;
	s18 =	sor.u32 @!p1 s19, s18  }
0x1e: {  	s19 =	sand.u32 @!p1 $0x7, s8;
	s17 =	sor.u32 @!p1 s17, s18;
	s18 =	sadd.s32 @!p1 s3, s20  }
0x1f: {  	s19 =	sshll.u32 @!p1 s19, $0x12;
	s17 =	sshrl.u32 @!p1 s17, $0x3;
	s18 =	sadd.s32 @!p1 s21, s18  }
0x20: {  	s17 =	sadd.s32 @!p1 s17, s18;
	s18 =	sor.u32 @!p1 $0x800, s19;
	s19 =	simm.s32 @!p1 $0x1000  }
0x21: {  	[tilespmem:s16], [sflag:$0x1] =	stream.strided.gather @!p1 [hbm4b:s17+s18], $0x4000, s19, s18, $0x38;
	[tilespmem:$0x10000] =	vst v63  }
0x22: {  	p1 =	seq.s32 s7, $0x0  }
0x23: {  	p2 =	seq.s32 @!p1 s7, $0x101  }
0x24: {  	p1 =	por p1, p2  }
.Ltmp2:
0x25: {  	_ = 	snop;
	(pc) =	sbr.rel @p1 .LBB1_7-.Ltmp2, $1  }
0x26: {  	_ =	sdelay $0x3  }
0x27: {  	s16 =	simm.s32 $0x1;
	_ =	swait.ge [sflag:s4], $0x4000  }
0x28: {  	s31 =	sshll.u32 s7, $0xE;
	s21 =	simm.s32 $0x0;
	p1 =	por $0x0, $0x0  }
0x29: {  	s22 =	simm.s32 $0x0;
	s23 =	simm.s32 $0x0;
	s16 =	simm.s32 @!p0 $0x0  }
0x2a: {  	[sflag:s4] =	ssyncset.done $0x0;
	s19 =	sand.u32 $0x4000, s31;
	s16 =	sshll.u32 s16, $0x10  }
0x2b: {  	[sflag:s4] =	ssyncadd.s32 $0xFFFFC000;
	s20 =	sshrl.u32 s16, $0x2;
	s16 =	sor.u32 $0x8000, s19  }
0x2c: {  	s17 =	sor.u32 $0x40, s20;
	s18 =	sor.u32 $0x8410, s20;
	s20 =	sadd.s32 $0x8400, s20  }
.LBB1_3:
0x2d: {  	v1 =	vld [tilespmem:s17+$0xFFFFFFD0]  }
0x2e: {  	v2 =	vld [tilespmem:s17+$0x430]  }
0x2f: {  	s24 =	sshll.u32 s23, $0xB;
	v4 =	vld [tilespmem:s17+$0xFFFFFFE0]  }
0x30: {  	v7 =	vld [tilespmem:s17+$0xFFFFFFF0];
	v0 =	vmov s24  }
0x31: {  	v8 =	vld [tilespmem:s17+$0x0]  }
0x32: {  	s30 =	sand.u32 $0x300, s21;
	v9 =	vld [tilespmem:s17+$0x10]  }
0x33: {  	s25 =	sand.u32 $0x80, s21;
	v10 =	vld [tilespmem:s17+$0x20];
	s24 =	sadd.s32 s30, s19  }
0x34: {  	v11 =	vld [tilespmem:s17+$0x30];
	s24 =	sadd.s32 s25, s24;
	s25 =	simm.s32 $0x1;
	[tilespmem:s18+$0x60] =	vst v2  }
0x35: {  	s31 =	sshll.u32 s22, $0x2;
	s25 =	simm.s32 @!p1 $0x0;
	[tilespmem:s18+$0xFFFFFC00] =	vst v1;
	v3 =	vld.idx.msk [tilespmem:v0+s24+$0x400 ss:$0x1], $0xffff  }
0x36: {  	v6 =	vld [tilespmem:s17+$0x3D0];
	s25 =	sshll.u32 s25, $0x9;
	[tilespmem:s18+$0xFFFFFC10] =	vst v4;
	s24 =	sand.u32 $0xFFFFFC00, s31  }
0x37: {  	v5 =	vld [tilespmem:s17+$0x3E0];
	[tilespmem:s18+$0xFFFFFC20] =	vst v7;
	s24 =	sor.u32 s25, s24  }
0x38: {  	[tilespmem:s18+$0xFFFFFC30] =	vst v8;
	v4 =	vld [tilespmem:s17+$0x400];
	s24 =	sshrl.u32 s24, $0x2  }
0x39: {  	[tilespmem:s18+$0xFFFFFC40] =	vst v9;
	v1 =	vld [tilespmem:s17+$0x410];
	s24 =	sadd.s32 s24, s20  }
0x3a: {  	[tilespmem:s24+$0x0] =	vst v3;
	v3 =	vld [tilespmem:s17+$0x3F0]  }
0x3b: {  	s28 =	simm.s32 $0x80;
	s27 =	simm.s32 $0x100;
	[tilespmem:s18+$0xFFFFFC50] =	vst v10;
	v2 =	vld [tilespmem:s17+$0x420]  }
0x3c: {  	s26 =	smov.u32 s18;
	s29 =	sand.u32 $0x300, s28;
	v7 =	vld [tilespmem:s17+$0xFFFFFFC0];
	[tilespmem:s18+$0xFFFFFC60] =	vst v11;
	s25 =	sadd.s32 $0x80, s17  }
.LBB1_4:
0x3d: {  	p2 =	sne.s32 s27, $0x380;
	v8 =	vld [tilespmem:s25+$0xFFFFFFD0];
	s28 =	sand.u32 $0x80, s28;
	s29 =	sadd.s32 s29, s19;
	[tilespmem:s26+$0x0] =	vst v6  }
0x3e: {  	s29 =	sadd.s32 s28, s29;
	v6 =	vld [tilespmem:s25+$0x430];
	[tilespmem:s26+$0x10] =	vst v5;
	s28 =	smov.u32 s27  }
0x3f: {  	v5 =	vld.idx.msk [tilespmem:v0+s29+$0x400 ss:$0x1], $0xffff;
	[tilespmem:s26+$0x20] =	vst v3  }
0x40: {  	v3 =	vld [tilespmem:s25+$0xFFFFFFE0];
	[tilespmem:s26+$0x30] =	vst v4  }
0x41: {  	v4 =	vld [tilespmem:s25+$0xFFFFFFF0];
	[tilespmem:s26+$0xFFFFFBF0] =	vst v7  }
0x42: {  	v7 =	vld [tilespmem:s25+$0x0];
	[tilespmem:s26+$0x40] =	vst v1  }
0x43: {  	v1 =	vld [tilespmem:s25+$0x10];
	[tilespmem:s26+$0x50] =	vst v2;
	s26 =	sadd.s32 $0x800, s26  }
0x44: {  	s24 =	sadd.s32 $0x800, s24;
	v2 =	vld [tilespmem:s25+$0x20];
	[tilespmem:s26+$0x60] =	vst v6  }
0x45: {  	v9 =	vld [tilespmem:s25+$0x30];
	[tilespmem:s24+$0x0] =	vst v5  }
0x46: {  	[tilespmem:s26+$0xFFFFFC00] =	vst v8;
	v6 =	vld [tilespmem:s25+$0x3D0]  }
0x47: {  	[tilespmem:s26+$0xFFFFFC10] =	vst v3;
	v5 =	vld [tilespmem:s25+$0x3E0]  }
.Ltmp3:
0x48: {  	[tilespmem:s26+$0xFFFFFC20] =	vst v4;
	v3 =	vld [tilespmem:s25+$0x3F0];
	(pc) =	sbr.rel @p2 .LBB1_4-.Ltmp3, $4  }
0x49: {  	[tilespmem:s26+$0xFFFFFC30] =	vst v7;
	v4 =	vld [tilespmem:s25+$0x400]  }
0x4a: {  	[tilespmem:s26+$0xFFFFFC40] =	vst v1;
	v1 =	vld [tilespmem:s25+$0x410]  }
0x4b: {  	[tilespmem:s26+$0xFFFFFC50] =	vst v2;
	v2 =	vld [tilespmem:s25+$0x420]  }
0x4c: {  	s27 =	sadd.s32 $0x80, s27;
	s29 =	sand.u32 $0x300, s28;
	v7 =	vld [tilespmem:s25+$0xFFFFFFC0];
	[tilespmem:s26+$0xFFFFFC60] =	vst v9;
	s25 =	sadd.s32 $0x80, s25  }
0x4d: {  	[tilespmem:s26+$0x0] =	vst v6  }
0x4e: {  	[tilespmem:s26+$0x10] =	vst v5  }
0x4f: {  	v49 =	vld [tilespmem:s25+$0x430];
	[tilespmem:s26+$0x20] =	vst v3  }
0x50: {  	v50 =	vld [tilespmem:s25+$0xFFFFFFD0];
	[tilespmem:s26+$0x30] =	vst v4  }
0x51: {  	v51 =	vld [tilespmem:s25+$0xFFFFFFE0];
	[tilespmem:s26+$0x40] =	vst v1  }
0x52: {  	v52 =	vld [tilespmem:s25+$0xFFFFFFF0];
	[tilespmem:s26+$0x50] =	vst v2  }
0x53: {  	s31 =	sadd.s32 $0x800, s26;
	v53 =	vld [tilespmem:s25+$0x0];
	[tilespmem:s26+$0xFFFFFBF0] =	vst v7  }
0x54: {  	v54 =	vld [tilespmem:s25+$0x10];
	[tilespmem:s31+$0x60] =	vst v49  }
0x55: {  	v55 =	vld [tilespmem:s25+$0x20];
	[tilespmem:s31+$0xFFFFFC00] =	vst v50  }
0x56: {  	v56 =	vld [tilespmem:s25+$0x30];
	[tilespmem:s31+$0xFFFFFC10] =	vst v51  }
0x57: {  	v57 =	vld [tilespmem:s25+$0x3D0];
	[tilespmem:s31+$0xFFFFFC20] =	vst v52  }
0x58: {  	v58 =	vld [tilespmem:s25+$0x3E0];
	[tilespmem:s31+$0xFFFFFC30] =	vst v53  }
0x59: {  	v59 =	vld [tilespmem:s25+$0x3F0];
	[tilespmem:s31+$0xFFFFFC40] =	vst v54  }
0x5a: {  	v60 =	vld [tilespmem:s25+$0x400];
	[tilespmem:s31+$0xFFFFFC50] =	vst v55  }
0x5b: {  	v61 =	vld [tilespmem:s25+$0xFFFFFFC0];
	[tilespmem:s31+$0xFFFFFC60] =	vst v56  }
0x5c: {  	s27 =	sand.u32 $0x80, s28;
	s30 =	sadd.s32 s29, s19;
	v62 =	vld [tilespmem:s25+$0x410];
	[tilespmem:s31+$0x0] =	vst v57  }
0x5d: {  	v63 =	vld [tilespmem:s25+$0x420];
	s23 =	sadd.s32 $0x1, s23;
	s27 =	sadd.s32 s27, s30;
	[tilespmem:s31+$0x10] =	vst v58  }
0x5e: {  	p2 =	sne.s32 s23, $0x8;
	v0 =	vld.idx.msk [tilespmem:v0+s27+$0x400 ss:$0x1], $0xffff;
	[tilespmem:s31+$0x20] =	vst v59  }
.Ltmp4:
0x5f: {  	[tilespmem:s31+$0x30] =	vst v60;
	(pc) =	sbr.rel @p2 .LBB1_3-.Ltmp4, $4  }
0x60: {  	[tilespmem:s31+$0xFFFFFBF0] =	vst v61  }
0x61: {  	[tilespmem:s31+$0x40] =	vst v62  }
0x62: {  	s24 =	sadd.s32 $0x800, s24;
	s17 =	sadd.s32 $0x800, s17;
	[tilespmem:s31+$0x50] =	vst v63  }
0x63: {  	s22 =	sadd.s32 $0x80, s22;
	p1 =	por !p1, !p1;
	s18 =	sadd.s32 $0x80, s18;
	[tilespmem:s24+$0x0] =	vst v0  }
0x64: {  	s17 =	sand.u32 $0x78, s12  }
0x65: {  	s18 =	sshll.u32 s15, $0x9;
	s19 =	sshll.u32 s12, $0x3;
	s27 =	sshll.u32 s15, $0x7  }
0x66: {  	s14 =	sshll.u32 s14, $0xD;
	s13 =	sshll.u32 s13, $0xA;
	s30 =	sand.u32 $0x7, s12  }
0x67: {  	s18 =	sand.u32 $0x1000, s18;
	s19 =	sand.u32 $0x1C00, s19;
	s28 =	sand.u32 $0x200, s27  }
0x68: {  	s15 =	sand.u32 $0x180, s27;
	s14 =	sadd.s32 s2, s14;
	s18 =	sadd.s32 s18, s19  }
.Ltmp5:
0x69: {  	s15 =	sor.u32 s15, s17;
	s18 =	sor.u32 s28, s18;
	(pc) =	sbr.rel .LBB1_7-.Ltmp5, $4  }
0x6a: {  	s13 =	sadd.s32 s13, s14;
	s15 =	sshrl.u32 s15, $0x3;
	s29 =	sshrl.u32 s18, $0x3  }
0x6b: {  	s12 =	sshll.u32 s30, $0x12;
	s13 =	sadd.s32 s15, s13;
	s31 =	sand.u32 $0x3C0, s29  }
0x6c: {  	s12 =	sor.u32 $0x800, s12;
	s13 =	sadd.s32 s31, s13  }
0x6d: {  	[hbm4b:s13+s12] =	stream.strided.scatter [tilespmem:s16], [sflag:$0x2], $0x4000, s6, s12, $0x38;
	[tilespmem:$0x10000] =	vst v63  }
.LBB1_8:
0x6e: {  	_ =	sfence.sel $0x180000  }
0x6f: {  	s2 =	simm.s32 $0x1;
	[bflag:$0x0] =	sbarrier.arrive $0xFFFF  }
0x70: {  	s31 =	simm.s32 $0x2;
	[sflag:s2] =	ssyncpa.u1 $0x1  }
0x71: {  	[sflag:s31] =	ssyncpa.u1 $0x1  }
0x72: {  	p0 =	sne.s32 s1, $0x0;
	_ =	strace $0x90000047  }
0x73: {  	s0 =	sadd.s32 @!p0 $0x100000, s0;
	[bflag:$0x2] =	sbarrier.arrive $0xFFFF  }
0x74: {  	[sflag:s0] =	ssyncadd.tile.s32 @!p0 $0x1;
	_ =	shalt  }
.Lfunc_end1:
_tile_overlayer_lowered:
.L_overlay_start_2:
0x75: {  	(tag) =	ssettag $0x2  }
0x76: {  	s0 =	rddreg [dreg:$0x0];
	s2 =	stileid.u32  }
0x77: {  	s1 =	rddreg [dreg:$0x1];
	p0 =	sne.s32 s2, $0x0  }
0x78: {  	s3 =	rddreg [dreg:$0x2];
	[bflag:$0x3] =	sbarrier.arrive $0xFFFF;
	s2 =	simm.s32 @!p0 $0x1C01  }
0x79: {  	[timem:s3], [sflag:s2] =	dma.local @!p0 [hbm:s0], s1  }
0x7a: {  	s0 =	simm.s32 @!p0 $0x1  }
0x7b: {  	_ =	swait.ge @!p0 [sflag:s0], s1  }
0x7c: {  	s1 =	ssub.s32 @!p0 $0x0, s1;
	[sflag:s0] =	ssyncset.done @!p0 $0x0  }
0x7d: {  	[sflag:s0] =	ssyncadd.s32 @!p0 s1  }
0x7e: {  	[bflag:$0x3] =	sbarrier.arrive $0xFFFF  }
0x7f: {  	_ =	shalt  }

</sc_bundles>
